<compile_context>
chip_gen: v7x
topology: tpu7x:2x2x1
jax: 0.10.2.dev20260603
libtpu: 0.0.44.dev20260713+nightly
codegen_flags: <defaults>
</compile_context>

<pallas_src>
import functools

import jax
import jax.numpy as jnp
from jax import lax
from jax.experimental import pallas as pl
from jax.experimental.pallas import tpu as pltpu
from jax.experimental.pallas import tpu_sc as plsc

N = 10000
K = 32
D = 128
LANES = 8

NS = 16
NW = 2 * NS
BN = 80
NBLK = 4
N_PAD = NW * NBLK * BN

_INV_K = 1.0 / K


def _mm_at(a, b):
    return lax.dot_general(a, b, (((1,), (1,)), ((), ())),
                           preferred_element_type=jnp.float32)



def _stage_a_body(x_ref, w1_ref, wg1_ref, o_ref):
    h = jnp.maximum(_mm_at(x_ref[...], w1_ref[...]), 0.0)
    o_ref[...] = _mm_at(h, wg1_ref[...])


def _stage_a(x, w1, wg1):
    blk = 5000
    grid = N // blk
    return pl.pallas_call(
        _stage_a_body,
        grid=(grid,),
        in_specs=[
            pl.BlockSpec((blk, D), lambda i: (i, 0)),
            pl.BlockSpec((D, D), lambda i: (0, 0)),
            pl.BlockSpec((D, D), lambda i: (0, 0)),
        ],
        out_specs=pl.BlockSpec((blk, D), lambda i: (i, 0)),
        out_shape=jax.ShapeDtypeStruct((N, D), jnp.float32),
    )(x, w1, wg1)


def _stage_b_body(s_ref, bg_ref, wg2_ref, o_ref):
    a = s_ref[...] * _INV_K + bg_ref[...]
    h = jnp.maximum(a, 0.0)
    o_ref[...] = _mm_at(h, wg2_ref[...])


def _stage_b(s1, bg1, wg2):
    blk = 5000
    grid = N // blk
    return pl.pallas_call(
        _stage_b_body,
        grid=(grid,),
        in_specs=[
            pl.BlockSpec((blk, D), lambda i: (i, 0)),
            pl.BlockSpec((1, D), lambda i: (0, 0)),
            pl.BlockSpec((D, D), lambda i: (0, 0)),
        ],
        out_specs=pl.BlockSpec((blk, D), lambda i: (i, 0)),
        out_shape=jax.ShapeDtypeStruct((N, D), jnp.float32),
    )(s1, bg1.reshape(1, D), wg2)


def _stage_c_body(s_ref, bg_ref, o_ref):
    a = s_ref[...] * _INV_K + bg_ref[...]
    nrm = jnp.sqrt(jnp.sum(a * a, axis=1, keepdims=True))
    o_ref[...] = a / nrm


def _stage_c(s2, bg2):
    blk = 5000
    grid = N // blk
    return pl.pallas_call(
        _stage_c_body,
        grid=(grid,),
        in_specs=[
            pl.BlockSpec((blk, D), lambda i: (i, 0)),
            pl.BlockSpec((1, D), lambda i: (0, 0)),
        ],
        out_specs=pl.BlockSpec((blk, D), lambda i: (i, 0)),
        out_shape=jax.ShapeDtypeStruct((N, D), jnp.float32),
    )(s2, bg2.reshape(1, D))



def _sc_body(table_hbm, connt_hbm, out_hbm,
             idx_v, acc0, acc1, acc2, tab_s,
             gsem0, gsem1, gsem2, osem):
    cid = lax.axis_index("c")
    sid = lax.axis_index("s")
    wid = sid * 2 + cid
    accs = (acc0, acc1, acc2, acc0)
    gsems = (gsem0, gsem1, gsem2, gsem0)

    pltpu.sync_copy(connt_hbm.at[:, wid], idx_v)

    @pl.when(sid < 15)
    def _():
        pltpu.sync_copy(table_hbm.at[pl.ds(sid * 624, 624)],
                        tab_s.at[pl.ds(sid * 624, 624)])

    @pl.when(sid == 15)
    def _():
        pltpu.sync_copy(table_hbm.at[pl.ds(9360, 640)],
                        tab_s.at[pl.ds(9360, 640)])

    plsc.subcore_barrier()

    def zero(accb):
        @pl.loop(0, BN)
        def _(r):
            for c in range(LANES):
                accb[r, pl.ds(c * 16, 16)] = jnp.zeros((16,), jnp.float32)

    def issue(b):
        @pl.loop(0, K)
        def _(k):
            pltpu.async_copy(
                tab_s.at[idx_v.at[k, b]],
                accs[b], gsems[b], add=True)

    def drain(b):
        @pl.loop(0, K)
        def _(k):
            pltpu.make_async_copy(
                tab_s.at[idx_v.at[0, 0]],
                accs[b], gsems[b]).wait()

    first = wid * NBLK
    NREAL = N // BN

    for b in range(3):
        @pl.when(first + b < NREAL)
        def _():
            zero(accs[b])
            issue(b)

    for b in range(NBLK):
        @pl.when(first + b < NREAL)
        def _():
            drain(b)
            pltpu.async_copy(
                accs[b],
                out_hbm.at[pl.ds((first + b) * BN, BN)],
                osem).wait()

        if b == 0:
            @pl.when(first + 3 < NREAL)
            def _():
                zero(accs[3])
                issue(3)


@functools.cache
def _sc_gather_sum():
    return pl.kernel(
        _sc_body,
        out_type=jax.ShapeDtypeStruct((N, D), jnp.float32),
        mesh=plsc.VectorSubcoreMesh(core_axis_name="c", subcore_axis_name="s",
                                    num_cores=2, num_subcores=16),
        scratch_types=[
            pltpu.VMEM((K, NBLK, BN), jnp.int32),
            pltpu.VMEM((BN, D), jnp.float32),
            pltpu.VMEM((BN, D), jnp.float32),
            pltpu.VMEM((BN, D), jnp.float32),
            pltpu.VMEM_SHARED((N, D), jnp.float32),
            pltpu.SemaphoreType.DMA,
            pltpu.SemaphoreType.DMA,
            pltpu.SemaphoreType.DMA,
            pltpu.SemaphoreType.DMA,
        ],
    )


def kernel(x, conn, W1, Wg1, bg1, Wg2, bg2):
    conn32 = conn.astype(jnp.int32)

    conn_t = jnp.pad(conn32.T, ((0, 0), (0, N_PAD - N))).reshape(
        K, NW, NBLK, BN)

    sc_gather = _sc_gather_sum()
    g1 = _stage_a(x, W1, Wg1)
    s1 = sc_gather(g1, conn_t)
    g2 = _stage_b(s1, bg1, Wg2)
    s2 = sc_gather(g2, conn_t)
    return _stage_c(s2, bg2)

# --- scband reference (transcript-rebuilt; emitter-appended) ---
"""Pipeline reference for scband-gccn-3-63917703299195 (READ-ONLY COPY).

The authoritative reference and input builder live on the scoring server;
editing this copy changes nothing except your own understanding.
"""

import jax, jax.numpy as jnp
import numpy as np

N = 10000
K = 32
D = 128

def setup_inputs(seed: int = 0) -> dict:
    key = jax.random.key(seed)
    k1, k2, k3, k4, k5, k6, k7, k8 = jax.random.split(key, 8)
    x = jax.random.normal(k1, (N, D), dtype=jnp.float32)
    conn = jax.random.randint(k2, (N, K), 0, N, dtype=jnp.int64)
    # linear_1: nn.Linear(128, 128, bias=False) -> weight [out, in]
    W1 = jax.random.normal(k3, (D, D), dtype=jnp.float32) * 0.05
    # GeodesicLayer GC_1: in=128, out=128 (linear transform + neighbor mean aggregation)
    Wg1 = jax.random.normal(k4, (D, D), dtype=jnp.float32) * 0.05
    bg1 = jax.random.normal(k5, (D,), dtype=jnp.float32) * 0.05
    # GeodesicLayer GC_2: in=128, out=128
    Wg2 = jax.random.normal(k6, (D, D), dtype=jnp.float32) * 0.05
    bg2 = jax.random.normal(k7, (D,), dtype=jnp.float32) * 0.05
    return {"x": x, "conn": conn, "W1": W1, "Wg1": Wg1, "bg1": bg1, "Wg2": Wg2, "bg2": bg2}

def _geodesic_layer(h, conn, Wg, bg):
    # gather neighbor features: [N, K, d_in]
    gathered = jnp.take(h, conn, axis=0)
    # aggregate over the geodesic neighborhood (mean)
    agg = jnp.mean(gathered, axis=1)
    # linear transform (torch Linear convention: weight [out, in])
    return agg @ Wg.T + bg

def reference(x, conn, W1, Wg1, bg1, Wg2, bg2):
    res = jax.nn.relu(x @ W1.T)
    res = jax.nn.relu(_geodesic_layer(res, conn, Wg1, bg1))
    res = _geodesic_layer(res, conn, Wg2, bg2)
    norm = jnp.linalg.norm(jnp.squeeze(res), axis=-1, keepdims=True)
    return res / norm

if __name__ == "__main__":
    import jax
    _d = setup_inputs()
    print(jax.jit(kernel)(*tuple(_d.values())))

</pallas_src>

<mosaic_0001>
#map = affine_map<(d0, d1) -> (0, 0)>
#map1 = affine_map<(d0, d1) -> (0, 0, 0, 0)>
module attributes {stable_mosaic.version = 14 : i64} {
  func.func @_sc_body(%arg0: i32, %arg1: i32, %arg2: memref<10000x128xf32, #tpu.memory_space<hbm>>, %arg3: memref<32x32x4x80xi32, #tpu.memory_space<hbm>>, %arg4: memref<10000x128xf32, #tpu.memory_space<hbm>>, %arg5: memref<32x4x80xi32, #tpu.memory_space<vmem>>, %arg6: memref<80x128xf32, #tpu.memory_space<vmem>>, %arg7: memref<80x128xf32, #tpu.memory_space<vmem>>, %arg8: memref<80x128xf32, #tpu.memory_space<vmem>>, %arg9: memref<10000x128xf32, #tpu.memory_space<vmem_shared>>, %arg10: memref<!tpu.dma_semaphore, #tpu.memory_space<semaphore_mem>>, %arg11: memref<!tpu.dma_semaphore, #tpu.memory_space<semaphore_mem>>, %arg12: memref<!tpu.dma_semaphore, #tpu.memory_space<semaphore_mem>>, %arg13: memref<!tpu.dma_semaphore, #tpu.memory_space<semaphore_mem>>) attributes {dimension_semantics = [#tpu.dimension_semantics<core_parallel>, #tpu.dimension_semantics<subcore_parallel>], iteration_bounds = array<i64: 2, 16>, scalar_prefetch = 0 : i64, scratch_operands = 9 : i64, tpu.core_type = #tpu.core_type<sc_vector_subcore>, window_params = [{transform_indices = #map}, {transform_indices = #map1}, {transform_indices = #map}]} {
    %mul3A = arith.constant 2 : i32
    %mul3A_0 = arith.muli %arg1, %mul3A : i32
    %add3A = arith.addi %mul3A_0, %arg0 : i32
    "tpu.region"() ({
      %run_scoped3A = tpu.sem_alloc : memref<!tpu.dma_semaphore, #tpu.memory_space<semaphore_mem>>
      %dma_start3A = arith.constant 0 : i32
      %dma_start3A_65 = arith.constant 0 : i32
      %dma_start3A_66 = arith.constant 0 : i32
      %dma_start3A_67 = tpu.memref_slice %arg3[%dma_start3A, %add3A, %dma_start3A_65, %dma_start3A_66] : memref<32x32x4x80xi32, #tpu.memory_space<hbm>> -> memref<32x1x4x80xi32, #tpu.memory_space<hbm>>
      %dma_start3A_68 = tpu.memref_squeeze %dma_start3A_67 : memref<32x1x4x80xi32, #tpu.memory_space<hbm>> -> memref<32x4x80xi32, #tpu.memory_space<hbm>>
      %dma_start3A_69 = arith.constant 0 : i32
      %dma_start3A_70 = arith.constant 0 : i32
      %dma_start3A_71 = arith.constant 0 : i32
      %dma_start3A_72 = tpu.memref_slice %arg3[%dma_start3A_69, %add3A, %dma_start3A_70, %dma_start3A_71] : memref<32x32x4x80xi32, #tpu.memory_space<hbm>> -> memref<32x1x4x80xi32, #tpu.memory_space<hbm>>
      %dma_start3A_73 = tpu.memref_squeeze %dma_start3A_72 : memref<32x1x4x80xi32, #tpu.memory_space<hbm>> -> memref<32x4x80xi32, #tpu.memory_space<hbm>>
      tpu.enqueue_dma source(%dma_start3A_73 : memref<32x4x80xi32, #tpu.memory_space<hbm>>) target(%arg5 : memref<32x4x80xi32, #tpu.memory_space<vmem>>) target_semaphore(%run_scoped3A : memref<!tpu.dma_semaphore, #tpu.memory_space<semaphore_mem>>)
      %dma_wait3A = arith.constant 0 : i32
      %dma_wait3A_74 = arith.constant 0 : i32
      %dma_wait3A_75 = arith.constant 0 : i32
      %dma_wait3A_76 = tpu.memref_slice %arg3[%dma_wait3A, %add3A, %dma_wait3A_74, %dma_wait3A_75] : memref<32x32x4x80xi32, #tpu.memory_space<hbm>> -> memref<32x1x4x80xi32, #tpu.memory_space<hbm>>
      %dma_wait3A_77 = tpu.memref_squeeze %dma_wait3A_76 : memref<32x1x4x80xi32, #tpu.memory_space<hbm>> -> memref<32x4x80xi32, #tpu.memory_space<hbm>>
      %dma_wait3A_78 = arith.constant 0 : i32
      %dma_wait3A_79 = arith.constant 0 : i32
      %dma_wait3A_80 = arith.constant 0 : i32
      %dma_wait3A_81 = tpu.memref_slice %arg3[%dma_wait3A_78, %add3A, %dma_wait3A_79, %dma_wait3A_80] : memref<32x32x4x80xi32, #tpu.memory_space<hbm>> -> memref<32x1x4x80xi32, #tpu.memory_space<hbm>>
      %dma_wait3A_82 = tpu.memref_squeeze %dma_wait3A_81 : memref<32x1x4x80xi32, #tpu.memory_space<hbm>> -> memref<32x4x80xi32, #tpu.memory_space<hbm>>
      tpu.wait_dma2 semaphore(%run_scoped3A : memref<!tpu.dma_semaphore, #tpu.memory_space<semaphore_mem>>) src(%dma_wait3A_82 : memref<32x4x80xi32, #tpu.memory_space<hbm>>) dst(%arg5 : memref<32x4x80xi32, #tpu.memory_space<vmem>>)
      tpu.yield
    }) : () -> ()
    %lt3A = arith.constant 15 : i32
    %lt3A_1 = arith.cmpi slt, %arg1, %lt3A : i32
    %convert_element_type3A = arith.extui %lt3A_1 : i1 to i32
    %cond3A = arith.constant 0 : i32
    %cond3A_2 = arith.cmpi ne, %convert_element_type3A, %cond3A : i32
    scf.if %cond3A_2 {
      %mul3A_65 = arith.constant 624 : i32
      %mul3A_66 = arith.muli %arg1, %mul3A_65 : i32
      %mul3A_67 = arith.constant 624 : i32
      %mul3A_68 = arith.muli %arg1, %mul3A_67 : i32
      "tpu.region"() ({
        %run_scoped3A = tpu.sem_alloc : memref<!tpu.dma_semaphore, #tpu.memory_space<semaphore_mem>>
        %dma_start3A = arith.constant 0 : i32
        %dma_start3A_69 = tpu.memref_slice %arg9[%mul3A_68, %dma_start3A] : memref<10000x128xf32, #tpu.memory_space<vmem_shared>> -> memref<624x128xf32, #tpu.memory_space<vmem_shared>>
        %dma_start3A_70 = arith.constant 0 : i32
        %dma_start3A_71 = tpu.memref_slice %arg2[%mul3A_66, %dma_start3A_70] : memref<10000x128xf32, #tpu.memory_space<hbm>> -> memref<624x128xf32, #tpu.memory_space<hbm>>
        tpu.enqueue_dma source(%dma_start3A_71 : memref<624x128xf32, #tpu.memory_space<hbm>>) target(%dma_start3A_69 : memref<624x128xf32, #tpu.memory_space<vmem_shared>>) target_semaphore(%run_scoped3A : memref<!tpu.dma_semaphore, #tpu.memory_space<semaphore_mem>>)
        %dma_wait3A = arith.constant 0 : i32
        %dma_wait3A_72 = tpu.memref_slice %arg9[%mul3A_68, %dma_wait3A] : memref<10000x128xf32, #tpu.memory_space<vmem_shared>> -> memref<624x128xf32, #tpu.memory_space<vmem_shared>>
        %dma_wait3A_73 = arith.constant 0 : i32
        %dma_wait3A_74 = tpu.memref_slice %arg2[%mul3A_66, %dma_wait3A_73] : memref<10000x128xf32, #tpu.memory_space<hbm>> -> memref<624x128xf32, #tpu.memory_space<hbm>>
        tpu.wait_dma2 semaphore(%run_scoped3A : memref<!tpu.dma_semaphore, #tpu.memory_space<semaphore_mem>>) src(%dma_wait3A_74 : memref<624x128xf32, #tpu.memory_space<hbm>>) dst(%dma_wait3A_72 : memref<624x128xf32, #tpu.memory_space<vmem_shared>>)
        tpu.yield
      }) : () -> ()
    } else {
    }
    %eq3A = arith.constant 15 : i32
    %eq3A_3 = arith.cmpi eq, %arg1, %eq3A : i32
    %convert_element_type3A_4 = arith.extui %eq3A_3 : i1 to i32
    %cond3A_5 = arith.constant 0 : i32
    %cond3A_6 = arith.cmpi ne, %convert_element_type3A_4, %cond3A_5 : i32
    scf.if %cond3A_6 {
      "tpu.region"() ({
        %run_scoped3A = tpu.sem_alloc : memref<!tpu.dma_semaphore, #tpu.memory_space<semaphore_mem>>
        %dma_start3A = arith.constant 9360 : i32
        %dma_start3A_65 = arith.constant 0 : i32
        %dma_start3A_66 = tpu.memref_slice %arg9[%dma_start3A, %dma_start3A_65] : memref<10000x128xf32, #tpu.memory_space<vmem_shared>> -> memref<640x128xf32, #tpu.memory_space<vmem_shared>>
        %dma_start3A_67 = arith.constant 9360 : i32
        %dma_start3A_68 = arith.constant 0 : i32
        %dma_start3A_69 = tpu.memref_slice %arg2[%dma_start3A_67, %dma_start3A_68] : memref<10000x128xf32, #tpu.memory_space<hbm>> -> memref<640x128xf32, #tpu.memory_space<hbm>>
        tpu.enqueue_dma source(%dma_start3A_69 : memref<640x128xf32, #tpu.memory_space<hbm>>) target(%dma_start3A_66 : memref<640x128xf32, #tpu.memory_space<vmem_shared>>) target_semaphore(%run_scoped3A : memref<!tpu.dma_semaphore, #tpu.memory_space<semaphore_mem>>)
        %dma_wait3A = arith.constant 9360 : i32
        %dma_wait3A_70 = arith.constant 0 : i32
        %dma_wait3A_71 = tpu.memref_slice %arg9[%dma_wait3A, %dma_wait3A_70] : memref<10000x128xf32, #tpu.memory_space<vmem_shared>> -> memref<640x128xf32, #tpu.memory_space<vmem_shared>>
        %dma_wait3A_72 = arith.constant 9360 : i32
        %dma_wait3A_73 = arith.constant 0 : i32
        %dma_wait3A_74 = tpu.memref_slice %arg2[%dma_wait3A_72, %dma_wait3A_73] : memref<10000x128xf32, #tpu.memory_space<hbm>> -> memref<640x128xf32, #tpu.memory_space<hbm>>
        tpu.wait_dma2 semaphore(%run_scoped3A : memref<!tpu.dma_semaphore, #tpu.memory_space<semaphore_mem>>) src(%dma_wait3A_74 : memref<640x128xf32, #tpu.memory_space<hbm>>) dst(%dma_wait3A_71 : memref<640x128xf32, #tpu.memory_space<vmem_shared>>)
        tpu.yield
      }) : () -> ()
    } else {
    }
    %barrier3A = arith.constant 0 : index
    tpu.barrier barrier_id(%barrier3A)
    %mul3A_7 = arith.constant 4 : i32
    %mul3A_8 = arith.muli %add3A, %mul3A_7 : i32
    %add3A_9 = arith.constant 0 : i32
    %add3A_10 = arith.addi %mul3A_8, %add3A_9 : i32
    %lt3A_11 = arith.constant 125 : i32
    %lt3A_12 = arith.cmpi slt, %add3A_10, %lt3A_11 : i32
    %convert_element_type3A_13 = arith.extui %lt3A_12 : i1 to i32
    %cond3A_14 = arith.constant 0 : i32
    %cond3A_15 = arith.cmpi ne, %convert_element_type3A_13, %cond3A_14 : i32
    scf.if %cond3A_15 {
      %scan3A = arith.constant 0 : i32
      %scan3A_65 = arith.constant 80 : i32
      %scan3A_66 = arith.addi %scan3A, %scan3A_65 : i32
      %scan3A_67 = arith.constant 1 : i32
      scf.for %scan3A_74 = %scan3A to %scan3A_66 step %scan3A_67  : i32 {
        %mul3A_75 = arith.constant 1 : i32
        %mul3A_76 = arith.muli %scan3A_74, %mul3A_75 : i32
        %add3A_77 = arith.constant 0 : i32
        %add3A_78 = arith.addi %add3A_77, %mul3A_76 : i32
        %broadcast_in_dim3A = arith.constant 0.000000e+00 : f32
        %broadcast_in_dim3A_79 = vector.broadcast %broadcast_in_dim3A : f32 to vector<16xf32>
        %swap3A = arith.index_cast %add3A_78 : i32 to index
        %swap3A_80 = arith.constant 0 : index
        %swap3A_81 = tpu.vector_load %arg6[%swap3A, %swap3A_80] {strides = array<i32>} : memref<80x128xf32, #tpu.memory_space<vmem>>, vector<1x16xf32>,
        %swap3A_82 = vector.shape_cast %swap3A_81 : vector<1x16xf32> to vector<16xf32>
        %swap3A_83 = vector.shape_cast %broadcast_in_dim3A_79 : vector<16xf32> to vector<1x16xf32>
        tpu.vector_store %arg6[%swap3A, %swap3A_80], %swap3A_83 {strides = array<i32>} : memref<80x128xf32, #tpu.memory_space<vmem>>, vector<1x16xf32>,
        %broadcast_in_dim3A_84 = arith.constant 0.000000e+00 : f32
        %broadcast_in_dim3A_85 = vector.broadcast %broadcast_in_dim3A_84 : f32 to vector<16xf32>
        %swap3A_86 = arith.index_cast %add3A_78 : i32 to index
        %swap3A_87 = arith.constant 16 : index
        %swap3A_88 = tpu.vector_load %arg6[%swap3A_86, %swap3A_87] {strides = array<i32>} : memref<80x128xf32, #tpu.memory_space<vmem>>, vector<1x16xf32>,
        %swap3A_89 = vector.shape_cast %swap3A_88 : vector<1x16xf32> to vector<16xf32>
        %swap3A_90 = vector.shape_cast %broadcast_in_dim3A_85 : vector<16xf32> to vector<1x16xf32>
        tpu.vector_store %arg6[%swap3A_86, %swap3A_87], %swap3A_90 {strides = array<i32>} : memref<80x128xf32, #tpu.memory_space<vmem>>, vector<1x16xf32>,
        %broadcast_in_dim3A_91 = arith.constant 0.000000e+00 : f32
        %broadcast_in_dim3A_92 = vector.broadcast %broadcast_in_dim3A_91 : f32 to vector<16xf32>
        %swap3A_93 = arith.index_cast %add3A_78 : i32 to index
        %swap3A_94 = arith.constant 32 : index
        %swap3A_95 = tpu.vector_load %arg6[%swap3A_93, %swap3A_94] {strides = array<i32>} : memref<80x128xf32, #tpu.memory_space<vmem>>, vector<1x16xf32>,
        %swap3A_96 = vector.shape_cast %swap3A_95 : vector<1x16xf32> to vector<16xf32>
        %swap3A_97 = vector.shape_cast %broadcast_in_dim3A_92 : vector<16xf32> to vector<1x16xf32>
        tpu.vector_store %arg6[%swap3A_93, %swap3A_94], %swap3A_97 {strides = array<i32>} : memref<80x128xf32, #tpu.memory_space<vmem>>, vector<1x16xf32>,
        %broadcast_in_dim3A_98 = arith.constant 0.000000e+00 : f32
        %broadcast_in_dim3A_99 = vector.broadcast %broadcast_in_dim3A_98 : f32 to vector<16xf32>
        %swap3A_100 = arith.index_cast %add3A_78 : i32 to index
        %swap3A_101 = arith.constant 48 : index
        %swap3A_102 = tpu.vector_load %arg6[%swap3A_100, %swap3A_101] {strides = array<i32>} : memref<80x128xf32, #tpu.memory_space<vmem>>, vector<1x16xf32>,
        %swap3A_103 = vector.shape_cast %swap3A_102 : vector<1x16xf32> to vector<16xf32>
        %swap3A_104 = vector.shape_cast %broadcast_in_dim3A_99 : vector<16xf32> to vector<1x16xf32>
        tpu.vector_store %arg6[%swap3A_100, %swap3A_101], %swap3A_104 {strides = array<i32>} : memref<80x128xf32, #tpu.memory_space<vmem>>, vector<1x16xf32>,
        %broadcast_in_dim3A_105 = arith.constant 0.000000e+00 : f32
        %broadcast_in_dim3A_106 = vector.broadcast %broadcast_in_dim3A_105 : f32 to vector<16xf32>
        %swap3A_107 = arith.index_cast %add3A_78 : i32 to index
        %swap3A_108 = arith.constant 64 : index
        %swap3A_109 = tpu.vector_load %arg6[%swap3A_107, %swap3A_108] {strides = array<i32>} : memref<80x128xf32, #tpu.memory_space<vmem>>, vector<1x16xf32>,
        %swap3A_110 = vector.shape_cast %swap3A_109 : vector<1x16xf32> to vector<16xf32>
        %swap3A_111 = vector.shape_cast %broadcast_in_dim3A_106 : vector<16xf32> to vector<1x16xf32>
        tpu.vector_store %arg6[%swap3A_107, %swap3A_108], %swap3A_111 {strides = array<i32>} : memref<80x128xf32, #tpu.memory_space<vmem>>, vector<1x16xf32>,
        %broadcast_in_dim3A_112 = arith.constant 0.000000e+00 : f32
        %broadcast_in_dim3A_113 = vector.broadcast %broadcast_in_dim3A_112 : f32 to vector<16xf32>
        %swap3A_114 = arith.index_cast %add3A_78 : i32 to index
        %swap3A_115 = arith.constant 80 : index
        %swap3A_116 = tpu.vector_load %arg6[%swap3A_114, %swap3A_115] {strides = array<i32>} : memref<80x128xf32, #tpu.memory_space<vmem>>, vector<1x16xf32>,
        %swap3A_117 = vector.shape_cast %swap3A_116 : vector<1x16xf32> to vector<16xf32>
        %swap3A_118 = vector.shape_cast %broadcast_in_dim3A_113 : vector<16xf32> to vector<1x16xf32>
        tpu.vector_store %arg6[%swap3A_114, %swap3A_115], %swap3A_118 {strides = array<i32>} : memref<80x128xf32, #tpu.memory_space<vmem>>, vector<1x16xf32>,
        %broadcast_in_dim3A_119 = arith.constant 0.000000e+00 : f32
        %broadcast_in_dim3A_120 = vector.broadcast %broadcast_in_dim3A_119 : f32 to vector<16xf32>
        %swap3A_121 = arith.index_cast %add3A_78 : i32 to index
        %swap3A_122 = arith.constant 96 : index
        %swap3A_123 = tpu.vector_load %arg6[%swap3A_121, %swap3A_122] {strides = array<i32>} : memref<80x128xf32, #tpu.memory_space<vmem>>, vector<1x16xf32>,
        %swap3A_124 = vector.shape_cast %swap3A_123 : vector<1x16xf32> to vector<16xf32>
        %swap3A_125 = vector.shape_cast %broadcast_in_dim3A_120 : vector<16xf32> to vector<1x16xf32>
        tpu.vector_store %arg6[%swap3A_121, %swap3A_122], %swap3A_125 {strides = array<i32>} : memref<80x128xf32, #tpu.memory_space<vmem>>, vector<1x16xf32>,
        %broadcast_in_dim3A_126 = arith.constant 0.000000e+00 : f32
        %broadcast_in_dim3A_127 = vector.broadcast %broadcast_in_dim3A_126 : f32 to vector<16xf32>
        %swap3A_128 = arith.index_cast %add3A_78 : i32 to index
        %swap3A_129 = arith.constant 112 : index
        %swap3A_130 = tpu.vector_load %arg6[%swap3A_128, %swap3A_129] {strides = array<i32>} : memref<80x128xf32, #tpu.memory_space<vmem>>, vector<1x16xf32>,
        %swap3A_131 = vector.shape_cast %swap3A_130 : vector<1x16xf32> to vector<16xf32>
        %swap3A_132 = vector.shape_cast %broadcast_in_dim3A_127 : vector<16xf32> to vector<1x16xf32>
        tpu.vector_store %arg6[%swap3A_128, %swap3A_129], %swap3A_132 {strides = array<i32>} : memref<80x128xf32, #tpu.memory_space<vmem>>, vector<1x16xf32>,
      }
      %scan3A_68 = arith.constant 80 : i32
      %scan3A_69 = arith.constant 0 : i32
      %scan3A_70 = arith.constant 32 : i32
      %scan3A_71 = arith.addi %scan3A_69, %scan3A_70 : i32
      %scan3A_72 = arith.constant 1 : i32
      scf.for %scan3A_74 = %scan3A_69 to %scan3A_71 step %scan3A_72  : i32 {
        %mul3A_75 = arith.constant 1 : i32
        %mul3A_76 = arith.muli %scan3A_74, %mul3A_75 : i32
        %add3A_77 = arith.constant 0 : i32
        %add3A_78 = arith.addi %add3A_77, %mul3A_76 : i32
        %dma_start3A = arith.constant 0 : i32
        %dma_start3A_79 = arith.constant 0 : i32
        %dma_start3A_80 = tpu.memref_slice %arg5[%add3A_78, %dma_start3A, %dma_start3A_79] : memref<32x4x80xi32, #tpu.memory_space<vmem>> -> memref<1x1x80xi32, #tpu.memory_space<vmem>>
        %dma_start3A_81 = tpu.memref_squeeze %dma_start3A_80 : memref<1x1x80xi32, #tpu.memory_space<vmem>> -> memref<80xi32, #tpu.memory_space<vmem>>
        %dma_start3A_82 = arith.constant 0 : i32
        %dma_start3A_83 = arith.constant 0 : i32
        %dma_start3A_84 = tpu.memref_slice %arg9[%dma_start3A_82, %dma_start3A_83] : memref<10000x128xf32, #tpu.memory_space<vmem_shared>> -> memref<10000x128xf32, #tpu.memory_space<vmem_shared>>
        tpu.enqueue_indirect_dma source(%dma_start3A_84 : memref<10000x128xf32, #tpu.memory_space<vmem_shared>>) target(%arg6 : memref<80x128xf32, #tpu.memory_space<vmem>>) offsets(%dma_start3A_81 : memref<80xi32, #tpu.memory_space<vmem>>) semaphore(%arg10 : memref<!tpu.dma_semaphore, #tpu.memory_space<semaphore_mem>>) {add = true}
      }
      %scan3A_73 = arith.constant 32 : i32
    } else {
    }
    %add3A_16 = arith.constant 1 : i32
    %add3A_17 = arith.addi %mul3A_8, %add3A_16 : i32
    %lt3A_18 = arith.constant 125 : i32
    %lt3A_19 = arith.cmpi slt, %add3A_17, %lt3A_18 : i32
    %convert_element_type3A_20 = arith.extui %lt3A_19 : i1 to i32
    %cond3A_21 = arith.constant 0 : i32
    %cond3A_22 = arith.cmpi ne, %convert_element_type3A_20, %cond3A_21 : i32
    scf.if %cond3A_22 {
      %scan3A = arith.constant 0 : i32
      %scan3A_65 = arith.constant 80 : i32
      %scan3A_66 = arith.addi %scan3A, %scan3A_65 : i32
      %scan3A_67 = arith.constant 1 : i32
      scf.for %scan3A_74 = %scan3A to %scan3A_66 step %scan3A_67  : i32 {
        %mul3A_75 = arith.constant 1 : i32
        %mul3A_76 = arith.muli %scan3A_74, %mul3A_75 : i32
        %add3A_77 = arith.constant 0 : i32
        %add3A_78 = arith.addi %add3A_77, %mul3A_76 : i32
        %broadcast_in_dim3A = arith.constant 0.000000e+00 : f32
        %broadcast_in_dim3A_79 = vector.broadcast %broadcast_in_dim3A : f32 to vector<16xf32>
        %swap3A = arith.index_cast %add3A_78 : i32 to index
        %swap3A_80 = arith.constant 0 : index
        %swap3A_81 = tpu.vector_load %arg7[%swap3A, %swap3A_80] {strides = array<i32>} : memref<80x128xf32, #tpu.memory_space<vmem>>, vector<1x16xf32>,
        %swap3A_82 = vector.shape_cast %swap3A_81 : vector<1x16xf32> to vector<16xf32>
        %swap3A_83 = vector.shape_cast %broadcast_in_dim3A_79 : vector<16xf32> to vector<1x16xf32>
        tpu.vector_store %arg7[%swap3A, %swap3A_80], %swap3A_83 {strides = array<i32>} : memref<80x128xf32, #tpu.memory_space<vmem>>, vector<1x16xf32>,
        %broadcast_in_dim3A_84 = arith.constant 0.000000e+00 : f32
        %broadcast_in_dim3A_85 = vector.broadcast %broadcast_in_dim3A_84 : f32 to vector<16xf32>
        %swap3A_86 = arith.index_cast %add3A_78 : i32 to index
        %swap3A_87 = arith.constant 16 : index
        %swap3A_88 = tpu.vector_load %arg7[%swap3A_86, %swap3A_87] {strides = array<i32>} : memref<80x128xf32, #tpu.memory_space<vmem>>, vector<1x16xf32>,
        %swap3A_89 = vector.shape_cast %swap3A_88 : vector<1x16xf32> to vector<16xf32>
        %swap3A_90 = vector.shape_cast %broadcast_in_dim3A_85 : vector<16xf32> to vector<1x16xf32>
        tpu.vector_store %arg7[%swap3A_86, %swap3A_87], %swap3A_90 {strides = array<i32>} : memref<80x128xf32, #tpu.memory_space<vmem>>, vector<1x16xf32>,
        %broadcast_in_dim3A_91 = arith.constant 0.000000e+00 : f32
        %broadcast_in_dim3A_92 = vector.broadcast %broadcast_in_dim3A_91 : f32 to vector<16xf32>
        %swap3A_93 = arith.index_cast %add3A_78 : i32 to index
        %swap3A_94 = arith.constant 32 : index
        %swap3A_95 = tpu.vector_load %arg7[%swap3A_93, %swap3A_94] {strides = array<i32>} : memref<80x128xf32, #tpu.memory_space<vmem>>, vector<1x16xf32>,
        %swap3A_96 = vector.shape_cast %swap3A_95 : vector<1x16xf32> to vector<16xf32>
        %swap3A_97 = vector.shape_cast %broadcast_in_dim3A_92 : vector<16xf32> to vector<1x16xf32>
        tpu.vector_store %arg7[%swap3A_93, %swap3A_94], %swap3A_97 {strides = array<i32>} : memref<80x128xf32, #tpu.memory_space<vmem>>, vector<1x16xf32>,
        %broadcast_in_dim3A_98 = arith.constant 0.000000e+00 : f32
        %broadcast_in_dim3A_99 = vector.broadcast %broadcast_in_dim3A_98 : f32 to vector<16xf32>
        %swap3A_100 = arith.index_cast %add3A_78 : i32 to index
        %swap3A_101 = arith.constant 48 : index
        %swap3A_102 = tpu.vector_load %arg7[%swap3A_100, %swap3A_101] {strides = array<i32>} : memref<80x128xf32, #tpu.memory_space<vmem>>, vector<1x16xf32>,
        %swap3A_103 = vector.shape_cast %swap3A_102 : vector<1x16xf32> to vector<16xf32>
        %swap3A_104 = vector.shape_cast %broadcast_in_dim3A_99 : vector<16xf32> to vector<1x16xf32>
        tpu.vector_store %arg7[%swap3A_100, %swap3A_101], %swap3A_104 {strides = array<i32>} : memref<80x128xf32, #tpu.memory_space<vmem>>, vector<1x16xf32>,
        %broadcast_in_dim3A_105 = arith.constant 0.000000e+00 : f32
        %broadcast_in_dim3A_106 = vector.broadcast %broadcast_in_dim3A_105 : f32 to vector<16xf32>
        %swap3A_107 = arith.index_cast %add3A_78 : i32 to index
        %swap3A_108 = arith.constant 64 : index
        %swap3A_109 = tpu.vector_load %arg7[%swap3A_107, %swap3A_108] {strides = array<i32>} : memref<80x128xf32, #tpu.memory_space<vmem>>, vector<1x16xf32>,
        %swap3A_110 = vector.shape_cast %swap3A_109 : vector<1x16xf32> to vector<16xf32>
        %swap3A_111 = vector.shape_cast %broadcast_in_dim3A_106 : vector<16xf32> to vector<1x16xf32>
        tpu.vector_store %arg7[%swap3A_107, %swap3A_108], %swap3A_111 {strides = array<i32>} : memref<80x128xf32, #tpu.memory_space<vmem>>, vector<1x16xf32>,
        %broadcast_in_dim3A_112 = arith.constant 0.000000e+00 : f32
        %broadcast_in_dim3A_113 = vector.broadcast %broadcast_in_dim3A_112 : f32 to vector<16xf32>
        %swap3A_114 = arith.index_cast %add3A_78 : i32 to index
        %swap3A_115 = arith.constant 80 : index
        %swap3A_116 = tpu.vector_load %arg7[%swap3A_114, %swap3A_115] {strides = array<i32>} : memref<80x128xf32, #tpu.memory_space<vmem>>, vector<1x16xf32>,
        %swap3A_117 = vector.shape_cast %swap3A_116 : vector<1x16xf32> to vector<16xf32>
        %swap3A_118 = vector.shape_cast %broadcast_in_dim3A_113 : vector<16xf32> to vector<1x16xf32>
        tpu.vector_store %arg7[%swap3A_114, %swap3A_115], %swap3A_118 {strides = array<i32>} : memref<80x128xf32, #tpu.memory_space<vmem>>, vector<1x16xf32>,
        %broadcast_in_dim3A_119 = arith.constant 0.000000e+00 : f32
        %broadcast_in_dim3A_120 = vector.broadcast %broadcast_in_dim3A_119 : f32 to vector<16xf32>
        %swap3A_121 = arith.index_cast %add3A_78 : i32 to index
        %swap3A_122 = arith.constant 96 : index
        %swap3A_123 = tpu.vector_load %arg7[%swap3A_121, %swap3A_122] {strides = array<i32>} : memref<80x128xf32, #tpu.memory_space<vmem>>, vector<1x16xf32>,
        %swap3A_124 = vector.shape_cast %swap3A_123 : vector<1x16xf32> to vector<16xf32>
        %swap3A_125 = vector.shape_cast %broadcast_in_dim3A_120 : vector<16xf32> to vector<1x16xf32>
        tpu.vector_store %arg7[%swap3A_121, %swap3A_122], %swap3A_125 {strides = array<i32>} : memref<80x128xf32, #tpu.memory_space<vmem>>, vector<1x16xf32>,
        %broadcast_in_dim3A_126 = arith.constant 0.000000e+00 : f32
        %broadcast_in_dim3A_127 = vector.broadcast %broadcast_in_dim3A_126 : f32 to vector<16xf32>
        %swap3A_128 = arith.index_cast %add3A_78 : i32 to index
        %swap3A_129 = arith.constant 112 : index
        %swap3A_130 = tpu.vector_load %arg7[%swap3A_128, %swap3A_129] {strides = array<i32>} : memref<80x128xf32, #tpu.memory_space<vmem>>, vector<1x16xf32>,
        %swap3A_131 = vector.shape_cast %swap3A_130 : vector<1x16xf32> to vector<16xf32>
        %swap3A_132 = vector.shape_cast %broadcast_in_dim3A_127 : vector<16xf32> to vector<1x16xf32>
        tpu.vector_store %arg7[%swap3A_128, %swap3A_129], %swap3A_132 {strides = array<i32>} : memref<80x128xf32, #tpu.memory_space<vmem>>, vector<1x16xf32>,
      }
      %scan3A_68 = arith.constant 80 : i32
      %scan3A_69 = arith.constant 0 : i32
      %scan3A_70 = arith.constant 32 : i32
      %scan3A_71 = arith.addi %scan3A_69, %scan3A_70 : i32
      %scan3A_72 = arith.constant 1 : i32
      scf.for %scan3A_74 = %scan3A_69 to %scan3A_71 step %scan3A_72  : i32 {
        %mul3A_75 = arith.constant 1 : i32
        %mul3A_76 = arith.muli %scan3A_74, %mul3A_75 : i32
        %add3A_77 = arith.constant 0 : i32
        %add3A_78 = arith.addi %add3A_77, %mul3A_76 : i32
        %dma_start3A = arith.constant 1 : i32
        %dma_start3A_79 = arith.constant 0 : i32
        %dma_start3A_80 = tpu.memref_slice %arg5[%add3A_78, %dma_start3A, %dma_start3A_79] : memref<32x4x80xi32, #tpu.memory_space<vmem>> -> memref<1x1x80xi32, #tpu.memory_space<vmem>>
        %dma_start3A_81 = tpu.memref_squeeze %dma_start3A_80 : memref<1x1x80xi32, #tpu.memory_space<vmem>> -> memref<80xi32, #tpu.memory_space<vmem>>
        %dma_start3A_82 = arith.constant 0 : i32
        %dma_start3A_83 = arith.constant 0 : i32
        %dma_start3A_84 = tpu.memref_slice %arg9[%dma_start3A_82, %dma_start3A_83] : memref<10000x128xf32, #tpu.memory_space<vmem_shared>> -> memref<10000x128xf32, #tpu.memory_space<vmem_shared>>
        tpu.enqueue_indirect_dma source(%dma_start3A_84 : memref<10000x128xf32, #tpu.memory_space<vmem_shared>>) target(%arg7 : memref<80x128xf32, #tpu.memory_space<vmem>>) offsets(%dma_start3A_81 : memref<80xi32, #tpu.memory_space<vmem>>) semaphore(%arg11 : memref<!tpu.dma_semaphore, #tpu.memory_space<semaphore_mem>>) {add = true}
      }
      %scan3A_73 = arith.constant 32 : i32
    } else {
    }
    %add3A_23 = arith.constant 2 : i32
    %add3A_24 = arith.addi %mul3A_8, %add3A_23 : i32
    %lt3A_25 = arith.constant 125 : i32
    %lt3A_26 = arith.cmpi slt, %add3A_24, %lt3A_25 : i32
    %convert_element_type3A_27 = arith.extui %lt3A_26 : i1 to i32
    %cond3A_28 = arith.constant 0 : i32
    %cond3A_29 = arith.cmpi ne, %convert_element_type3A_27, %cond3A_28 : i32
    scf.if %cond3A_29 {
      %scan3A = arith.constant 0 : i32
      %scan3A_65 = arith.constant 80 : i32
      %scan3A_66 = arith.addi %scan3A, %scan3A_65 : i32
      %scan3A_67 = arith.constant 1 : i32
      scf.for %scan3A_74 = %scan3A to %scan3A_66 step %scan3A_67  : i32 {
        %mul3A_75 = arith.constant 1 : i32
        %mul3A_76 = arith.muli %scan3A_74, %mul3A_75 : i32
        %add3A_77 = arith.constant 0 : i32
        %add3A_78 = arith.addi %add3A_77, %mul3A_76 : i32
        %broadcast_in_dim3A = arith.constant 0.000000e+00 : f32
        %broadcast_in_dim3A_79 = vector.broadcast %broadcast_in_dim3A : f32 to vector<16xf32>
        %swap3A = arith.index_cast %add3A_78 : i32 to index
        %swap3A_80 = arith.constant 0 : index
        %swap3A_81 = tpu.vector_load %arg8[%swap3A, %swap3A_80] {strides = array<i32>} : memref<80x128xf32, #tpu.memory_space<vmem>>, vector<1x16xf32>,
        %swap3A_82 = vector.shape_cast %swap3A_81 : vector<1x16xf32> to vector<16xf32>
        %swap3A_83 = vector.shape_cast %broadcast_in_dim3A_79 : vector<16xf32> to vector<1x16xf32>
        tpu.vector_store %arg8[%swap3A, %swap3A_80], %swap3A_83 {strides = array<i32>} : memref<80x128xf32, #tpu.memory_space<vmem>>, vector<1x16xf32>,
        %broadcast_in_dim3A_84 = arith.constant 0.000000e+00 : f32
        %broadcast_in_dim3A_85 = vector.broadcast %broadcast_in_dim3A_84 : f32 to vector<16xf32>
        %swap3A_86 = arith.index_cast %add3A_78 : i32 to index
        %swap3A_87 = arith.constant 16 : index
        %swap3A_88 = tpu.vector_load %arg8[%swap3A_86, %swap3A_87] {strides = array<i32>} : memref<80x128xf32, #tpu.memory_space<vmem>>, vector<1x16xf32>,
        %swap3A_89 = vector.shape_cast %swap3A_88 : vector<1x16xf32> to vector<16xf32>
        %swap3A_90 = vector.shape_cast %broadcast_in_dim3A_85 : vector<16xf32> to vector<1x16xf32>
        tpu.vector_store %arg8[%swap3A_86, %swap3A_87], %swap3A_90 {strides = array<i32>} : memref<80x128xf32, #tpu.memory_space<vmem>>, vector<1x16xf32>,
        %broadcast_in_dim3A_91 = arith.constant 0.000000e+00 : f32
        %broadcast_in_dim3A_92 = vector.broadcast %broadcast_in_dim3A_91 : f32 to vector<16xf32>
        %swap3A_93 = arith.index_cast %add3A_78 : i32 to index
        %swap3A_94 = arith.constant 32 : index
        %swap3A_95 = tpu.vector_load %arg8[%swap3A_93, %swap3A_94] {strides = array<i32>} : memref<80x128xf32, #tpu.memory_space<vmem>>, vector<1x16xf32>,
        %swap3A_96 = vector.shape_cast %swap3A_95 : vector<1x16xf32> to vector<16xf32>
        %swap3A_97 = vector.shape_cast %broadcast_in_dim3A_92 : vector<16xf32> to vector<1x16xf32>
        tpu.vector_store %arg8[%swap3A_93, %swap3A_94], %swap3A_97 {strides = array<i32>} : memref<80x128xf32, #tpu.memory_space<vmem>>, vector<1x16xf32>,
        %broadcast_in_dim3A_98 = arith.constant 0.000000e+00 : f32
        %broadcast_in_dim3A_99 = vector.broadcast %broadcast_in_dim3A_98 : f32 to vector<16xf32>
        %swap3A_100 = arith.index_cast %add3A_78 : i32 to index
        %swap3A_101 = arith.constant 48 : index
        %swap3A_102 = tpu.vector_load %arg8[%swap3A_100, %swap3A_101] {strides = array<i32>} : memref<80x128xf32, #tpu.memory_space<vmem>>, vector<1x16xf32>,
        %swap3A_103 = vector.shape_cast %swap3A_102 : vector<1x16xf32> to vector<16xf32>
        %swap3A_104 = vector.shape_cast %broadcast_in_dim3A_99 : vector<16xf32> to vector<1x16xf32>
        tpu.vector_store %arg8[%swap3A_100, %swap3A_101], %swap3A_104 {strides = array<i32>} : memref<80x128xf32, #tpu.memory_space<vmem>>, vector<1x16xf32>,
        %broadcast_in_dim3A_105 = arith.constant 0.000000e+00 : f32
        %broadcast_in_dim3A_106 = vector.broadcast %broadcast_in_dim3A_105 : f32 to vector<16xf32>
        %swap3A_107 = arith.index_cast %add3A_78 : i32 to index
        %swap3A_108 = arith.constant 64 : index
        %swap3A_109 = tpu.vector_load %arg8[%swap3A_107, %swap3A_108] {strides = array<i32>} : memref<80x128xf32, #tpu.memory_space<vmem>>, vector<1x16xf32>,
        %swap3A_110 = vector.shape_cast %swap3A_109 : vector<1x16xf32> to vector<16xf32>
        %swap3A_111 = vector.shape_cast %broadcast_in_dim3A_106 : vector<16xf32> to vector<1x16xf32>
        tpu.vector_store %arg8[%swap3A_107, %swap3A_108], %swap3A_111 {strides = array<i32>} : memref<80x128xf32, #tpu.memory_space<vmem>>, vector<1x16xf32>,
        %broadcast_in_dim3A_112 = arith.constant 0.000000e+00 : f32
        %broadcast_in_dim3A_113 = vector.broadcast %broadcast_in_dim3A_112 : f32 to vector<16xf32>
        %swap3A_114 = arith.index_cast %add3A_78 : i32 to index
        %swap3A_115 = arith.constant 80 : index
        %swap3A_116 = tpu.vector_load %arg8[%swap3A_114, %swap3A_115] {strides = array<i32>} : memref<80x128xf32, #tpu.memory_space<vmem>>, vector<1x16xf32>,
        %swap3A_117 = vector.shape_cast %swap3A_116 : vector<1x16xf32> to vector<16xf32>
        %swap3A_118 = vector.shape_cast %broadcast_in_dim3A_113 : vector<16xf32> to vector<1x16xf32>
        tpu.vector_store %arg8[%swap3A_114, %swap3A_115], %swap3A_118 {strides = array<i32>} : memref<80x128xf32, #tpu.memory_space<vmem>>, vector<1x16xf32>,
        %broadcast_in_dim3A_119 = arith.constant 0.000000e+00 : f32
        %broadcast_in_dim3A_120 = vector.broadcast %broadcast_in_dim3A_119 : f32 to vector<16xf32>
        %swap3A_121 = arith.index_cast %add3A_78 : i32 to index
        %swap3A_122 = arith.constant 96 : index
        %swap3A_123 = tpu.vector_load %arg8[%swap3A_121, %swap3A_122] {strides = array<i32>} : memref<80x128xf32, #tpu.memory_space<vmem>>, vector<1x16xf32>,
        %swap3A_124 = vector.shape_cast %swap3A_123 : vector<1x16xf32> to vector<16xf32>
        %swap3A_125 = vector.shape_cast %broadcast_in_dim3A_120 : vector<16xf32> to vector<1x16xf32>
        tpu.vector_store %arg8[%swap3A_121, %swap3A_122], %swap3A_125 {strides = array<i32>} : memref<80x128xf32, #tpu.memory_space<vmem>>, vector<1x16xf32>,
        %broadcast_in_dim3A_126 = arith.constant 0.000000e+00 : f32
        %broadcast_in_dim3A_127 = vector.broadcast %broadcast_in_dim3A_126 : f32 to vector<16xf32>
        %swap3A_128 = arith.index_cast %add3A_78 : i32 to index
        %swap3A_129 = arith.constant 112 : index
        %swap3A_130 = tpu.vector_load %arg8[%swap3A_128, %swap3A_129] {strides = array<i32>} : memref<80x128xf32, #tpu.memory_space<vmem>>, vector<1x16xf32>,
        %swap3A_131 = vector.shape_cast %swap3A_130 : vector<1x16xf32> to vector<16xf32>
        %swap3A_132 = vector.shape_cast %broadcast_in_dim3A_127 : vector<16xf32> to vector<1x16xf32>
        tpu.vector_store %arg8[%swap3A_128, %swap3A_129], %swap3A_132 {strides = array<i32>} : memref<80x128xf32, #tpu.memory_space<vmem>>, vector<1x16xf32>,
      }
      %scan3A_68 = arith.constant 80 : i32
      %scan3A_69 = arith.constant 0 : i32
      %scan3A_70 = arith.constant 32 : i32
      %scan3A_71 = arith.addi %scan3A_69, %scan3A_70 : i32
      %scan3A_72 = arith.constant 1 : i32
      scf.for %scan3A_74 = %scan3A_69 to %scan3A_71 step %scan3A_72  : i32 {
        %mul3A_75 = arith.constant 1 : i32
        %mul3A_76 = arith.muli %scan3A_74, %mul3A_75 : i32
        %add3A_77 = arith.constant 0 : i32
        %add3A_78 = arith.addi %add3A_77, %mul3A_76 : i32
        %dma_start3A = arith.constant 2 : i32
        %dma_start3A_79 = arith.constant 0 : i32
        %dma_start3A_80 = tpu.memref_slice %arg5[%add3A_78, %dma_start3A, %dma_start3A_79] : memref<32x4x80xi32, #tpu.memory_space<vmem>> -> memref<1x1x80xi32, #tpu.memory_space<vmem>>
        %dma_start3A_81 = tpu.memref_squeeze %dma_start3A_80 : memref<1x1x80xi32, #tpu.memory_space<vmem>> -> memref<80xi32, #tpu.memory_space<vmem>>
        %dma_start3A_82 = arith.constant 0 : i32
        %dma_start3A_83 = arith.constant 0 : i32
        %dma_start3A_84 = tpu.memref_slice %arg9[%dma_start3A_82, %dma_start3A_83] : memref<10000x128xf32, #tpu.memory_space<vmem_shared>> -> memref<10000x128xf32, #tpu.memory_space<vmem_shared>>
        tpu.enqueue_indirect_dma source(%dma_start3A_84 : memref<10000x128xf32, #tpu.memory_space<vmem_shared>>) target(%arg8 : memref<80x128xf32, #tpu.memory_space<vmem>>) offsets(%dma_start3A_81 : memref<80xi32, #tpu.memory_space<vmem>>) semaphore(%arg12 : memref<!tpu.dma_semaphore, #tpu.memory_space<semaphore_mem>>) {add = true}
      }
      %scan3A_73 = arith.constant 32 : i32
    } else {
    }
    %add3A_30 = arith.constant 0 : i32
    %add3A_31 = arith.addi %mul3A_8, %add3A_30 : i32
    %lt3A_32 = arith.constant 125 : i32
    %lt3A_33 = arith.cmpi slt, %add3A_31, %lt3A_32 : i32
    %convert_element_type3A_34 = arith.extui %lt3A_33 : i1 to i32
    %cond3A_35 = arith.constant 0 : i32
    %cond3A_36 = arith.cmpi ne, %convert_element_type3A_34, %cond3A_35 : i32
    scf.if %cond3A_36 {
      %scan3A = arith.constant 0 : i32
      %scan3A_65 = arith.constant 32 : i32
      %scan3A_66 = arith.addi %scan3A, %scan3A_65 : i32
      %scan3A_67 = arith.constant 1 : i32
      scf.for %scan3A_79 = %scan3A to %scan3A_66 step %scan3A_67  : i32 {
        %mul3A_80 = arith.constant 1 : i32
        %mul3A_81 = arith.muli %scan3A_79, %mul3A_80 : i32
        %add3A_82 = arith.constant 0 : i32
        %add3A_83 = arith.addi %add3A_82, %mul3A_81 : i32
        %dma_wait3A_84 = arith.constant 0 : i32
        %dma_wait3A_85 = arith.constant 0 : i32
        %dma_wait3A_86 = arith.constant 0 : i32
        %dma_wait3A_87 = tpu.memref_slice %arg5[%dma_wait3A_84, %dma_wait3A_85, %dma_wait3A_86] : memref<32x4x80xi32, #tpu.memory_space<vmem>> -> memref<1x1x80xi32, #tpu.memory_space<vmem>>
        %dma_wait3A_88 = tpu.memref_squeeze %dma_wait3A_87 : memref<1x1x80xi32, #tpu.memory_space<vmem>> -> memref<80xi32, #tpu.memory_space<vmem>>
        %dma_wait3A_89 = arith.constant 0 : i32
        %dma_wait3A_90 = arith.constant 0 : i32
        %dma_wait3A_91 = tpu.memref_slice %arg9[%dma_wait3A_89, %dma_wait3A_90] : memref<10000x128xf32, #tpu.memory_space<vmem_shared>> -> memref<10000x128xf32, #tpu.memory_space<vmem_shared>>
        tpu.wait_indirect_dma semaphore(%arg10 : memref<!tpu.dma_semaphore, #tpu.memory_space<semaphore_mem>>) src(%dma_wait3A_91 : memref<10000x128xf32, #tpu.memory_space<vmem_shared>>) dst(%arg6 : memref<80x128xf32, #tpu.memory_space<vmem>>)
      }
      %scan3A_68 = arith.constant 32 : i32
      %add3A_69 = arith.constant 0 : i32
      %add3A_70 = arith.addi %mul3A_8, %add3A_69 : i32
      %mul3A_71 = arith.constant 80 : i32
      %mul3A_72 = arith.muli %add3A_70, %mul3A_71 : i32
      %dma_start3A = arith.constant 0 : i32
      %dma_start3A_73 = tpu.memref_slice %arg4[%mul3A_72, %dma_start3A] : memref<10000x128xf32, #tpu.memory_space<hbm>> -> memref<80x128xf32, #tpu.memory_space<hbm>>
      %dma_start3A_74 = arith.constant 0 : i32
      %dma_start3A_75 = tpu.memref_slice %arg4[%mul3A_72, %dma_start3A_74] : memref<10000x128xf32, #tpu.memory_space<hbm>> -> memref<80x128xf32, #tpu.memory_space<hbm>>
      tpu.enqueue_dma source(%arg6 : memref<80x128xf32, #tpu.memory_space<vmem>>) target(%dma_start3A_75 : memref<80x128xf32, #tpu.memory_space<hbm>>) target_semaphore(%arg13 : memref<!tpu.dma_semaphore, #tpu.memory_space<semaphore_mem>>)
      %dma_wait3A = arith.constant 0 : i32
      %dma_wait3A_76 = tpu.memref_slice %arg4[%mul3A_72, %dma_wait3A] : memref<10000x128xf32, #tpu.memory_space<hbm>> -> memref<80x128xf32, #tpu.memory_space<hbm>>
      %dma_wait3A_77 = arith.constant 0 : i32
      %dma_wait3A_78 = tpu.memref_slice %arg4[%mul3A_72, %dma_wait3A_77] : memref<10000x128xf32, #tpu.memory_space<hbm>> -> memref<80x128xf32, #tpu.memory_space<hbm>>
      tpu.wait_dma2 semaphore(%arg13 : memref<!tpu.dma_semaphore, #tpu.memory_space<semaphore_mem>>) src(%arg6 : memref<80x128xf32, #tpu.memory_space<vmem>>) dst(%dma_wait3A_78 : memref<80x128xf32, #tpu.memory_space<hbm>>)
    } else {
    }
    %add3A_37 = arith.constant 3 : i32
    %add3A_38 = arith.addi %mul3A_8, %add3A_37 : i32
    %lt3A_39 = arith.constant 125 : i32
    %lt3A_40 = arith.cmpi slt, %add3A_38, %lt3A_39 : i32
    %convert_element_type3A_41 = arith.extui %lt3A_40 : i1 to i32
    %cond3A_42 = arith.constant 0 : i32
    %cond3A_43 = arith.cmpi ne, %convert_element_type3A_41, %cond3A_42 : i32
    scf.if %cond3A_43 {
      %scan3A = arith.constant 0 : i32
      %scan3A_65 = arith.constant 80 : i32
      %scan3A_66 = arith.addi %scan3A, %scan3A_65 : i32
      %scan3A_67 = arith.constant 1 : i32
      scf.for %scan3A_74 = %scan3A to %scan3A_66 step %scan3A_67  : i32 {
        %mul3A_75 = arith.constant 1 : i32
        %mul3A_76 = arith.muli %scan3A_74, %mul3A_75 : i32
        %add3A_77 = arith.constant 0 : i32
        %add3A_78 = arith.addi %add3A_77, %mul3A_76 : i32
        %broadcast_in_dim3A = arith.constant 0.000000e+00 : f32
        %broadcast_in_dim3A_79 = vector.broadcast %broadcast_in_dim3A : f32 to vector<16xf32>
        %swap3A = arith.index_cast %add3A_78 : i32 to index
        %swap3A_80 = arith.constant 0 : index
        %swap3A_81 = tpu.vector_load %arg6[%swap3A, %swap3A_80] {strides = array<i32>} : memref<80x128xf32, #tpu.memory_space<vmem>>, vector<1x16xf32>,
        %swap3A_82 = vector.shape_cast %swap3A_81 : vector<1x16xf32> to vector<16xf32>
        %swap3A_83 = vector.shape_cast %broadcast_in_dim3A_79 : vector<16xf32> to vector<1x16xf32>
        tpu.vector_store %arg6[%swap3A, %swap3A_80], %swap3A_83 {strides = array<i32>} : memref<80x128xf32, #tpu.memory_space<vmem>>, vector<1x16xf32>,
        %broadcast_in_dim3A_84 = arith.constant 0.000000e+00 : f32
        %broadcast_in_dim3A_85 = vector.broadcast %broadcast_in_dim3A_84 : f32 to vector<16xf32>
        %swap3A_86 = arith.index_cast %add3A_78 : i32 to index
        %swap3A_87 = arith.constant 16 : index
        %swap3A_88 = tpu.vector_load %arg6[%swap3A_86, %swap3A_87] {strides = array<i32>} : memref<80x128xf32, #tpu.memory_space<vmem>>, vector<1x16xf32>,
        %swap3A_89 = vector.shape_cast %swap3A_88 : vector<1x16xf32> to vector<16xf32>
        %swap3A_90 = vector.shape_cast %broadcast_in_dim3A_85 : vector<16xf32> to vector<1x16xf32>
        tpu.vector_store %arg6[%swap3A_86, %swap3A_87], %swap3A_90 {strides = array<i32>} : memref<80x128xf32, #tpu.memory_space<vmem>>, vector<1x16xf32>,
        %broadcast_in_dim3A_91 = arith.constant 0.000000e+00 : f32
        %broadcast_in_dim3A_92 = vector.broadcast %broadcast_in_dim3A_91 : f32 to vector<16xf32>
        %swap3A_93 = arith.index_cast %add3A_78 : i32 to index
        %swap3A_94 = arith.constant 32 : index
        %swap3A_95 = tpu.vector_load %arg6[%swap3A_93, %swap3A_94] {strides = array<i32>} : memref<80x128xf32, #tpu.memory_space<vmem>>, vector<1x16xf32>,
        %swap3A_96 = vector.shape_cast %swap3A_95 : vector<1x16xf32> to vector<16xf32>
        %swap3A_97 = vector.shape_cast %broadcast_in_dim3A_92 : vector<16xf32> to vector<1x16xf32>
        tpu.vector_store %arg6[%swap3A_93, %swap3A_94], %swap3A_97 {strides = array<i32>} : memref<80x128xf32, #tpu.memory_space<vmem>>, vector<1x16xf32>,
        %broadcast_in_dim3A_98 = arith.constant 0.000000e+00 : f32
        %broadcast_in_dim3A_99 = vector.broadcast %broadcast_in_dim3A_98 : f32 to vector<16xf32>
        %swap3A_100 = arith.index_cast %add3A_78 : i32 to index
        %swap3A_101 = arith.constant 48 : index
        %swap3A_102 = tpu.vector_load %arg6[%swap3A_100, %swap3A_101] {strides = array<i32>} : memref<80x128xf32, #tpu.memory_space<vmem>>, vector<1x16xf32>,
        %swap3A_103 = vector.shape_cast %swap3A_102 : vector<1x16xf32> to vector<16xf32>
        %swap3A_104 = vector.shape_cast %broadcast_in_dim3A_99 : vector<16xf32> to vector<1x16xf32>
        tpu.vector_store %arg6[%swap3A_100, %swap3A_101], %swap3A_104 {strides = array<i32>} : memref<80x128xf32, #tpu.memory_space<vmem>>, vector<1x16xf32>,
        %broadcast_in_dim3A_105 = arith.constant 0.000000e+00 : f32
        %broadcast_in_dim3A_106 = vector.broadcast %broadcast_in_dim3A_105 : f32 to vector<16xf32>
        %swap3A_107 = arith.index_cast %add3A_78 : i32 to index
        %swap3A_108 = arith.constant 64 : index
        %swap3A_109 = tpu.vector_load %arg6[%swap3A_107, %swap3A_108] {strides = array<i32>} : memref<80x128xf32, #tpu.memory_space<vmem>>, vector<1x16xf32>,
        %swap3A_110 = vector.shape_cast %swap3A_109 : vector<1x16xf32> to vector<16xf32>
        %swap3A_111 = vector.shape_cast %broadcast_in_dim3A_106 : vector<16xf32> to vector<1x16xf32>
        tpu.vector_store %arg6[%swap3A_107, %swap3A_108], %swap3A_111 {strides = array<i32>} : memref<80x128xf32, #tpu.memory_space<vmem>>, vector<1x16xf32>,
        %broadcast_in_dim3A_112 = arith.constant 0.000000e+00 : f32
        %broadcast_in_dim3A_113 = vector.broadcast %broadcast_in_dim3A_112 : f32 to vector<16xf32>
        %swap3A_114 = arith.index_cast %add3A_78 : i32 to index
        %swap3A_115 = arith.constant 80 : index
        %swap3A_116 = tpu.vector_load %arg6[%swap3A_114, %swap3A_115] {strides = array<i32>} : memref<80x128xf32, #tpu.memory_space<vmem>>, vector<1x16xf32>,
        %swap3A_117 = vector.shape_cast %swap3A_116 : vector<1x16xf32> to vector<16xf32>
        %swap3A_118 = vector.shape_cast %broadcast_in_dim3A_113 : vector<16xf32> to vector<1x16xf32>
        tpu.vector_store %arg6[%swap3A_114, %swap3A_115], %swap3A_118 {strides = array<i32>} : memref<80x128xf32, #tpu.memory_space<vmem>>, vector<1x16xf32>,
        %broadcast_in_dim3A_119 = arith.constant 0.000000e+00 : f32
        %broadcast_in_dim3A_120 = vector.broadcast %broadcast_in_dim3A_119 : f32 to vector<16xf32>
        %swap3A_121 = arith.index_cast %add3A_78 : i32 to index
        %swap3A_122 = arith.constant 96 : index
        %swap3A_123 = tpu.vector_load %arg6[%swap3A_121, %swap3A_122] {strides = array<i32>} : memref<80x128xf32, #tpu.memory_space<vmem>>, vector<1x16xf32>,
        %swap3A_124 = vector.shape_cast %swap3A_123 : vector<1x16xf32> to vector<16xf32>
        %swap3A_125 = vector.shape_cast %broadcast_in_dim3A_120 : vector<16xf32> to vector<1x16xf32>
        tpu.vector_store %arg6[%swap3A_121, %swap3A_122], %swap3A_125 {strides = array<i32>} : memref<80x128xf32, #tpu.memory_space<vmem>>, vector<1x16xf32>,
        %broadcast_in_dim3A_126 = arith.constant 0.000000e+00 : f32
        %broadcast_in_dim3A_127 = vector.broadcast %broadcast_in_dim3A_126 : f32 to vector<16xf32>
        %swap3A_128 = arith.index_cast %add3A_78 : i32 to index
        %swap3A_129 = arith.constant 112 : index
        %swap3A_130 = tpu.vector_load %arg6[%swap3A_128, %swap3A_129] {strides = array<i32>} : memref<80x128xf32, #tpu.memory_space<vmem>>, vector<1x16xf32>,
        %swap3A_131 = vector.shape_cast %swap3A_130 : vector<1x16xf32> to vector<16xf32>
        %swap3A_132 = vector.shape_cast %broadcast_in_dim3A_127 : vector<16xf32> to vector<1x16xf32>
        tpu.vector_store %arg6[%swap3A_128, %swap3A_129], %swap3A_132 {strides = array<i32>} : memref<80x128xf32, #tpu.memory_space<vmem>>, vector<1x16xf32>,
      }
      %scan3A_68 = arith.constant 80 : i32
      %scan3A_69 = arith.constant 0 : i32
      %scan3A_70 = arith.constant 32 : i32
      %scan3A_71 = arith.addi %scan3A_69, %scan3A_70 : i32
      %scan3A_72 = arith.constant 1 : i32
      scf.for %scan3A_74 = %scan3A_69 to %scan3A_71 step %scan3A_72  : i32 {
        %mul3A_75 = arith.constant 1 : i32
        %mul3A_76 = arith.muli %scan3A_74, %mul3A_75 : i32
        %add3A_77 = arith.constant 0 : i32
        %add3A_78 = arith.addi %add3A_77, %mul3A_76 : i32
        %dma_start3A = arith.constant 3 : i32
        %dma_start3A_79 = arith.constant 0 : i32
        %dma_start3A_80 = tpu.memref_slice %arg5[%add3A_78, %dma_start3A, %dma_start3A_79] : memref<32x4x80xi32, #tpu.memory_space<vmem>> -> memref<1x1x80xi32, #tpu.memory_space<vmem>>
        %dma_start3A_81 = tpu.memref_squeeze %dma_start3A_80 : memref<1x1x80xi32, #tpu.memory_space<vmem>> -> memref<80xi32, #tpu.memory_space<vmem>>
        %dma_start3A_82 = arith.constant 0 : i32
        %dma_start3A_83 = arith.constant 0 : i32
        %dma_start3A_84 = tpu.memref_slice %arg9[%dma_start3A_82, %dma_start3A_83] : memref<10000x128xf32, #tpu.memory_space<vmem_shared>> -> memref<10000x128xf32, #tpu.memory_space<vmem_shared>>
        tpu.enqueue_indirect_dma source(%dma_start3A_84 : memref<10000x128xf32, #tpu.memory_space<vmem_shared>>) target(%arg6 : memref<80x128xf32, #tpu.memory_space<vmem>>) offsets(%dma_start3A_81 : memref<80xi32, #tpu.memory_space<vmem>>) semaphore(%arg10 : memref<!tpu.dma_semaphore, #tpu.memory_space<semaphore_mem>>) {add = true}
      }
      %scan3A_73 = arith.constant 32 : i32
    } else {
    }
    %add3A_44 = arith.constant 1 : i32
    %add3A_45 = arith.addi %mul3A_8, %add3A_44 : i32
    %lt3A_46 = arith.constant 125 : i32
    %lt3A_47 = arith.cmpi slt, %add3A_45, %lt3A_46 : i32
    %convert_element_type3A_48 = arith.extui %lt3A_47 : i1 to i32
    %cond3A_49 = arith.constant 0 : i32
    %cond3A_50 = arith.cmpi ne, %convert_element_type3A_48, %cond3A_49 : i32
    scf.if %cond3A_50 {
      %scan3A = arith.constant 0 : i32
      %scan3A_65 = arith.constant 32 : i32
      %scan3A_66 = arith.addi %scan3A, %scan3A_65 : i32
      %scan3A_67 = arith.constant 1 : i32
      scf.for %scan3A_79 = %scan3A to %scan3A_66 step %scan3A_67  : i32 {
        %mul3A_80 = arith.constant 1 : i32
        %mul3A_81 = arith.muli %scan3A_79, %mul3A_80 : i32
        %add3A_82 = arith.constant 0 : i32
        %add3A_83 = arith.addi %add3A_82, %mul3A_81 : i32
        %dma_wait3A_84 = arith.constant 0 : i32
        %dma_wait3A_85 = arith.constant 0 : i32
        %dma_wait3A_86 = arith.constant 0 : i32
        %dma_wait3A_87 = tpu.memref_slice %arg5[%dma_wait3A_84, %dma_wait3A_85, %dma_wait3A_86] : memref<32x4x80xi32, #tpu.memory_space<vmem>> -> memref<1x1x80xi32, #tpu.memory_space<vmem>>
        %dma_wait3A_88 = tpu.memref_squeeze %dma_wait3A_87 : memref<1x1x80xi32, #tpu.memory_space<vmem>> -> memref<80xi32, #tpu.memory_space<vmem>>
        %dma_wait3A_89 = arith.constant 0 : i32
        %dma_wait3A_90 = arith.constant 0 : i32
        %dma_wait3A_91 = tpu.memref_slice %arg9[%dma_wait3A_89, %dma_wait3A_90] : memref<10000x128xf32, #tpu.memory_space<vmem_shared>> -> memref<10000x128xf32, #tpu.memory_space<vmem_shared>>
        tpu.wait_indirect_dma semaphore(%arg11 : memref<!tpu.dma_semaphore, #tpu.memory_space<semaphore_mem>>) src(%dma_wait3A_91 : memref<10000x128xf32, #tpu.memory_space<vmem_shared>>) dst(%arg7 : memref<80x128xf32, #tpu.memory_space<vmem>>)
      }
      %scan3A_68 = arith.constant 32 : i32
      %add3A_69 = arith.constant 1 : i32
      %add3A_70 = arith.addi %mul3A_8, %add3A_69 : i32
      %mul3A_71 = arith.constant 80 : i32
      %mul3A_72 = arith.muli %add3A_70, %mul3A_71 : i32
      %dma_start3A = arith.constant 0 : i32
      %dma_start3A_73 = tpu.memref_slice %arg4[%mul3A_72, %dma_start3A] : memref<10000x128xf32, #tpu.memory_space<hbm>> -> memref<80x128xf32, #tpu.memory_space<hbm>>
      %dma_start3A_74 = arith.constant 0 : i32
      %dma_start3A_75 = tpu.memref_slice %arg4[%mul3A_72, %dma_start3A_74] : memref<10000x128xf32, #tpu.memory_space<hbm>> -> memref<80x128xf32, #tpu.memory_space<hbm>>
      tpu.enqueue_dma source(%arg7 : memref<80x128xf32, #tpu.memory_space<vmem>>) target(%dma_start3A_75 : memref<80x128xf32, #tpu.memory_space<hbm>>) target_semaphore(%arg13 : memref<!tpu.dma_semaphore, #tpu.memory_space<semaphore_mem>>)
      %dma_wait3A = arith.constant 0 : i32
      %dma_wait3A_76 = tpu.memref_slice %arg4[%mul3A_72, %dma_wait3A] : memref<10000x128xf32, #tpu.memory_space<hbm>> -> memref<80x128xf32, #tpu.memory_space<hbm>>
      %dma_wait3A_77 = arith.constant 0 : i32
      %dma_wait3A_78 = tpu.memref_slice %arg4[%mul3A_72, %dma_wait3A_77] : memref<10000x128xf32, #tpu.memory_space<hbm>> -> memref<80x128xf32, #tpu.memory_space<hbm>>
      tpu.wait_dma2 semaphore(%arg13 : memref<!tpu.dma_semaphore, #tpu.memory_space<semaphore_mem>>) src(%arg7 : memref<80x128xf32, #tpu.memory_space<vmem>>) dst(%dma_wait3A_78 : memref<80x128xf32, #tpu.memory_space<hbm>>)
    } else {
    }
    %add3A_51 = arith.constant 2 : i32
    %add3A_52 = arith.addi %mul3A_8, %add3A_51 : i32
    %lt3A_53 = arith.constant 125 : i32
    %lt3A_54 = arith.cmpi slt, %add3A_52, %lt3A_53 : i32
    %convert_element_type3A_55 = arith.extui %lt3A_54 : i1 to i32
    %cond3A_56 = arith.constant 0 : i32
    %cond3A_57 = arith.cmpi ne, %convert_element_type3A_55, %cond3A_56 : i32
    scf.if %cond3A_57 {
      %scan3A = arith.constant 0 : i32
      %scan3A_65 = arith.constant 32 : i32
      %scan3A_66 = arith.addi %scan3A, %scan3A_65 : i32
      %scan3A_67 = arith.constant 1 : i32
      scf.for %scan3A_79 = %scan3A to %scan3A_66 step %scan3A_67  : i32 {
        %mul3A_80 = arith.constant 1 : i32
        %mul3A_81 = arith.muli %scan3A_79, %mul3A_80 : i32
        %add3A_82 = arith.constant 0 : i32
        %add3A_83 = arith.addi %add3A_82, %mul3A_81 : i32
        %dma_wait3A_84 = arith.constant 0 : i32
        %dma_wait3A_85 = arith.constant 0 : i32
        %dma_wait3A_86 = arith.constant 0 : i32
        %dma_wait3A_87 = tpu.memref_slice %arg5[%dma_wait3A_84, %dma_wait3A_85, %dma_wait3A_86] : memref<32x4x80xi32, #tpu.memory_space<vmem>> -> memref<1x1x80xi32, #tpu.memory_space<vmem>>
        %dma_wait3A_88 = tpu.memref_squeeze %dma_wait3A_87 : memref<1x1x80xi32, #tpu.memory_space<vmem>> -> memref<80xi32, #tpu.memory_space<vmem>>
        %dma_wait3A_89 = arith.constant 0 : i32
        %dma_wait3A_90 = arith.constant 0 : i32
        %dma_wait3A_91 = tpu.memref_slice %arg9[%dma_wait3A_89, %dma_wait3A_90] : memref<10000x128xf32, #tpu.memory_space<vmem_shared>> -> memref<10000x128xf32, #tpu.memory_space<vmem_shared>>
        tpu.wait_indirect_dma semaphore(%arg12 : memref<!tpu.dma_semaphore, #tpu.memory_space<semaphore_mem>>) src(%dma_wait3A_91 : memref<10000x128xf32, #tpu.memory_space<vmem_shared>>) dst(%arg8 : memref<80x128xf32, #tpu.memory_space<vmem>>)
      }
      %scan3A_68 = arith.constant 32 : i32
      %add3A_69 = arith.constant 2 : i32
      %add3A_70 = arith.addi %mul3A_8, %add3A_69 : i32
      %mul3A_71 = arith.constant 80 : i32
      %mul3A_72 = arith.muli %add3A_70, %mul3A_71 : i32
      %dma_start3A = arith.constant 0 : i32
      %dma_start3A_73 = tpu.memref_slice %arg4[%mul3A_72, %dma_start3A] : memref<10000x128xf32, #tpu.memory_space<hbm>> -> memref<80x128xf32, #tpu.memory_space<hbm>>
      %dma_start3A_74 = arith.constant 0 : i32
      %dma_start3A_75 = tpu.memref_slice %arg4[%mul3A_72, %dma_start3A_74] : memref<10000x128xf32, #tpu.memory_space<hbm>> -> memref<80x128xf32, #tpu.memory_space<hbm>>
      tpu.enqueue_dma source(%arg8 : memref<80x128xf32, #tpu.memory_space<vmem>>) target(%dma_start3A_75 : memref<80x128xf32, #tpu.memory_space<hbm>>) target_semaphore(%arg13 : memref<!tpu.dma_semaphore, #tpu.memory_space<semaphore_mem>>)
      %dma_wait3A = arith.constant 0 : i32
      %dma_wait3A_76 = tpu.memref_slice %arg4[%mul3A_72, %dma_wait3A] : memref<10000x128xf32, #tpu.memory_space<hbm>> -> memref<80x128xf32, #tpu.memory_space<hbm>>
      %dma_wait3A_77 = arith.constant 0 : i32
      %dma_wait3A_78 = tpu.memref_slice %arg4[%mul3A_72, %dma_wait3A_77] : memref<10000x128xf32, #tpu.memory_space<hbm>> -> memref<80x128xf32, #tpu.memory_space<hbm>>
      tpu.wait_dma2 semaphore(%arg13 : memref<!tpu.dma_semaphore, #tpu.memory_space<semaphore_mem>>) src(%arg8 : memref<80x128xf32, #tpu.memory_space<vmem>>) dst(%dma_wait3A_78 : memref<80x128xf32, #tpu.memory_space<hbm>>)
    } else {
    }
    %add3A_58 = arith.constant 3 : i32
    %add3A_59 = arith.addi %mul3A_8, %add3A_58 : i32
    %lt3A_60 = arith.constant 125 : i32
    %lt3A_61 = arith.cmpi slt, %add3A_59, %lt3A_60 : i32
    %convert_element_type3A_62 = arith.extui %lt3A_61 : i1 to i32
    %cond3A_63 = arith.constant 0 : i32
    %cond3A_64 = arith.cmpi ne, %convert_element_type3A_62, %cond3A_63 : i32
    scf.if %cond3A_64 {
      %scan3A = arith.constant 0 : i32
      %scan3A_65 = arith.constant 32 : i32
      %scan3A_66 = arith.addi %scan3A, %scan3A_65 : i32
      %scan3A_67 = arith.constant 1 : i32
      scf.for %scan3A_79 = %scan3A to %scan3A_66 step %scan3A_67  : i32 {
        %mul3A_80 = arith.constant 1 : i32
        %mul3A_81 = arith.muli %scan3A_79, %mul3A_80 : i32
        %add3A_82 = arith.constant 0 : i32
        %add3A_83 = arith.addi %add3A_82, %mul3A_81 : i32
        %dma_wait3A_84 = arith.constant 0 : i32
        %dma_wait3A_85 = arith.constant 0 : i32
        %dma_wait3A_86 = arith.constant 0 : i32
        %dma_wait3A_87 = tpu.memref_slice %arg5[%dma_wait3A_84, %dma_wait3A_85, %dma_wait3A_86] : memref<32x4x80xi32, #tpu.memory_space<vmem>> -> memref<1x1x80xi32, #tpu.memory_space<vmem>>
        %dma_wait3A_88 = tpu.memref_squeeze %dma_wait3A_87 : memref<1x1x80xi32, #tpu.memory_space<vmem>> -> memref<80xi32, #tpu.memory_space<vmem>>
        %dma_wait3A_89 = arith.constant 0 : i32
        %dma_wait3A_90 = arith.constant 0 : i32
        %dma_wait3A_91 = tpu.memref_slice %arg9[%dma_wait3A_89, %dma_wait3A_90] : memref<10000x128xf32, #tpu.memory_space<vmem_shared>> -> memref<10000x128xf32, #tpu.memory_space<vmem_shared>>
        tpu.wait_indirect_dma semaphore(%arg10 : memref<!tpu.dma_semaphore, #tpu.memory_space<semaphore_mem>>) src(%dma_wait3A_91 : memref<10000x128xf32, #tpu.memory_space<vmem_shared>>) dst(%arg6 : memref<80x128xf32, #tpu.memory_space<vmem>>)
      }
      %scan3A_68 = arith.constant 32 : i32
      %add3A_69 = arith.constant 3 : i32
      %add3A_70 = arith.addi %mul3A_8, %add3A_69 : i32
      %mul3A_71 = arith.constant 80 : i32
      %mul3A_72 = arith.muli %add3A_70, %mul3A_71 : i32
      %dma_start3A = arith.constant 0 : i32
      %dma_start3A_73 = tpu.memref_slice %arg4[%mul3A_72, %dma_start3A] : memref<10000x128xf32, #tpu.memory_space<hbm>> -> memref<80x128xf32, #tpu.memory_space<hbm>>
      %dma_start3A_74 = arith.constant 0 : i32
      %dma_start3A_75 = tpu.memref_slice %arg4[%mul3A_72, %dma_start3A_74] : memref<10000x128xf32, #tpu.memory_space<hbm>> -> memref<80x128xf32, #tpu.memory_space<hbm>>
      tpu.enqueue_dma source(%arg6 : memref<80x128xf32, #tpu.memory_space<vmem>>) target(%dma_start3A_75 : memref<80x128xf32, #tpu.memory_space<hbm>>) target_semaphore(%arg13 : memref<!tpu.dma_semaphore, #tpu.memory_space<semaphore_mem>>)
      %dma_wait3A = arith.constant 0 : i32
      %dma_wait3A_76 = tpu.memref_slice %arg4[%mul3A_72, %dma_wait3A] : memref<10000x128xf32, #tpu.memory_space<hbm>> -> memref<80x128xf32, #tpu.memory_space<hbm>>
      %dma_wait3A_77 = arith.constant 0 : i32
      %dma_wait3A_78 = tpu.memref_slice %arg4[%mul3A_72, %dma_wait3A_77] : memref<10000x128xf32, #tpu.memory_space<hbm>> -> memref<80x128xf32, #tpu.memory_space<hbm>>
      tpu.wait_dma2 semaphore(%arg13 : memref<!tpu.dma_semaphore, #tpu.memory_space<semaphore_mem>>) src(%arg6 : memref<80x128xf32, #tpu.memory_space<vmem>>) dst(%dma_wait3A_78 : memref<80x128xf32, #tpu.memory_space<hbm>>)
    } else {
    }
    return
  }
}

#map = affine_map<(d0, d1) -> (0, 0)>
#map1 = affine_map<(d0, d1) -> (0, 0, 0, 0)>
module attributes {stable_mosaic.version = 14 : i64} {
  func.func @_sc_body(%arg0: i32, %arg1: i32, %arg2: memref<10000x128xf32, #tpu.memory_space<hbm>>, %arg3: memref<32x32x4x80xi32, #tpu.memory_space<hbm>>, %arg4: memref<10000x128xf32, #tpu.memory_space<hbm>>, %arg5: memref<32x4x80xi32, #tpu.memory_space<vmem>>, %arg6: memref<80x128xf32, #tpu.memory_space<vmem>>, %arg7: memref<80x128xf32, #tpu.memory_space<vmem>>, %arg8: memref<80x128xf32, #tpu.memory_space<vmem>>, %arg9: memref<10000x128xf32, #tpu.memory_space<vmem_shared>>, %arg10: memref<!tpu.dma_semaphore, #tpu.memory_space<semaphore_mem>>, %arg11: memref<!tpu.dma_semaphore, #tpu.memory_space<semaphore_mem>>, %arg12: memref<!tpu.dma_semaphore, #tpu.memory_space<semaphore_mem>>, %arg13: memref<!tpu.dma_semaphore, #tpu.memory_space<semaphore_mem>>) attributes {dimension_semantics = [#tpu.dimension_semantics<core_parallel>, #tpu.dimension_semantics<subcore_parallel>], iteration_bounds = array<i64: 2, 16>, scalar_prefetch = 0 : i64, scratch_operands = 9 : i64, tpu.core_type = #tpu.core_type<sc_vector_subcore>, window_params = [{transform_indices = #map}, {transform_indices = #map1}, {transform_indices = #map}]} {
    %mul3A = arith.constant 2 : i32
    %mul3A_0 = arith.muli %arg1, %mul3A : i32
    %add3A = arith.addi %mul3A_0, %arg0 : i32
    "tpu.region"() ({
      %run_scoped3A = tpu.sem_alloc : memref<!tpu.dma_semaphore, #tpu.memory_space<semaphore_mem>>
      %dma_start3A = arith.constant 0 : i32
      %dma_start3A_65 = arith.constant 0 : i32
      %dma_start3A_66 = arith.constant 0 : i32
      %dma_start3A_67 = tpu.memref_slice %arg3[%dma_start3A, %add3A, %dma_start3A_65, %dma_start3A_66] : memref<32x32x4x80xi32, #tpu.memory_space<hbm>> -> memref<32x1x4x80xi32, #tpu.memory_space<hbm>>
      %dma_start3A_68 = tpu.memref_squeeze %dma_start3A_67 : memref<32x1x4x80xi32, #tpu.memory_space<hbm>> -> memref<32x4x80xi32, #tpu.memory_space<hbm>>
      %dma_start3A_69 = arith.constant 0 : i32
      %dma_start3A_70 = arith.constant 0 : i32
      %dma_start3A_71 = arith.constant 0 : i32
      %dma_start3A_72 = tpu.memref_slice %arg3[%dma_start3A_69, %add3A, %dma_start3A_70, %dma_start3A_71] : memref<32x32x4x80xi32, #tpu.memory_space<hbm>> -> memref<32x1x4x80xi32, #tpu.memory_space<hbm>>
      %dma_start3A_73 = tpu.memref_squeeze %dma_start3A_72 : memref<32x1x4x80xi32, #tpu.memory_space<hbm>> -> memref<32x4x80xi32, #tpu.memory_space<hbm>>
      tpu.enqueue_dma source(%dma_start3A_73 : memref<32x4x80xi32, #tpu.memory_space<hbm>>) target(%arg5 : memref<32x4x80xi32, #tpu.memory_space<vmem>>) target_semaphore(%run_scoped3A : memref<!tpu.dma_semaphore, #tpu.memory_space<semaphore_mem>>)
      %dma_wait3A = arith.constant 0 : i32
      %dma_wait3A_74 = arith.constant 0 : i32
      %dma_wait3A_75 = arith.constant 0 : i32
      %dma_wait3A_76 = tpu.memref_slice %arg3[%dma_wait3A, %add3A, %dma_wait3A_74, %dma_wait3A_75] : memref<32x32x4x80xi32, #tpu.memory_space<hbm>> -> memref<32x1x4x80xi32, #tpu.memory_space<hbm>>
      %dma_wait3A_77 = tpu.memref_squeeze %dma_wait3A_76 : memref<32x1x4x80xi32, #tpu.memory_space<hbm>> -> memref<32x4x80xi32, #tpu.memory_space<hbm>>
      %dma_wait3A_78 = arith.constant 0 : i32
      %dma_wait3A_79 = arith.constant 0 : i32
      %dma_wait3A_80 = arith.constant 0 : i32
      %dma_wait3A_81 = tpu.memref_slice %arg3[%dma_wait3A_78, %add3A, %dma_wait3A_79, %dma_wait3A_80] : memref<32x32x4x80xi32, #tpu.memory_space<hbm>> -> memref<32x1x4x80xi32, #tpu.memory_space<hbm>>
      %dma_wait3A_82 = tpu.memref_squeeze %dma_wait3A_81 : memref<32x1x4x80xi32, #tpu.memory_space<hbm>> -> memref<32x4x80xi32, #tpu.memory_space<hbm>>
      tpu.wait_dma2 semaphore(%run_scoped3A : memref<!tpu.dma_semaphore, #tpu.memory_space<semaphore_mem>>) src(%dma_wait3A_82 : memref<32x4x80xi32, #tpu.memory_space<hbm>>) dst(%arg5 : memref<32x4x80xi32, #tpu.memory_space<vmem>>)
      tpu.yield
    }) : () -> ()
    %lt3A = arith.constant 15 : i32
    %lt3A_1 = arith.cmpi slt, %arg1, %lt3A : i32
    %convert_element_type3A = arith.extui %lt3A_1 : i1 to i32
    %cond3A = arith.constant 0 : i32
    %cond3A_2 = arith.cmpi ne, %convert_element_type3A, %cond3A : i32
    scf.if %cond3A_2 {
      %mul3A_65 = arith.constant 624 : i32
      %mul3A_66 = arith.muli %arg1, %mul3A_65 : i32
      %mul3A_67 = arith.constant 624 : i32
      %mul3A_68 = arith.muli %arg1, %mul3A_67 : i32
      "tpu.region"() ({
        %run_scoped3A = tpu.sem_alloc : memref<!tpu.dma_semaphore, #tpu.memory_space<semaphore_mem>>
        %dma_start3A = arith.constant 0 : i32
        %dma_start3A_69 = tpu.memref_slice %arg9[%mul3A_68, %dma_start3A] : memref<10000x128xf32, #tpu.memory_space<vmem_shared>> -> memref<624x128xf32, #tpu.memory_space<vmem_shared>>
        %dma_start3A_70 = arith.constant 0 : i32
        %dma_start3A_71 = tpu.memref_slice %arg2[%mul3A_66, %dma_start3A_70] : memref<10000x128xf32, #tpu.memory_space<hbm>> -> memref<624x128xf32, #tpu.memory_space<hbm>>
        tpu.enqueue_dma source(%dma_start3A_71 : memref<624x128xf32, #tpu.memory_space<hbm>>) target(%dma_start3A_69 : memref<624x128xf32, #tpu.memory_space<vmem_shared>>) target_semaphore(%run_scoped3A : memref<!tpu.dma_semaphore, #tpu.memory_space<semaphore_mem>>)
        %dma_wait3A = arith.constant 0 : i32
        %dma_wait3A_72 = tpu.memref_slice %arg9[%mul3A_68, %dma_wait3A] : memref<10000x128xf32, #tpu.memory_space<vmem_shared>> -> memref<624x128xf32, #tpu.memory_space<vmem_shared>>
        %dma_wait3A_73 = arith.constant 0 : i32
        %dma_wait3A_74 = tpu.memref_slice %arg2[%mul3A_66, %dma_wait3A_73] : memref<10000x128xf32, #tpu.memory_space<hbm>> -> memref<624x128xf32, #tpu.memory_space<hbm>>
        tpu.wait_dma2 semaphore(%run_scoped3A : memref<!tpu.dma_semaphore, #tpu.memory_space<semaphore_mem>>) src(%dma_wait3A_74 : memref<624x128xf32, #tpu.memory_space<hbm>>) dst(%dma_wait3A_72 : memref<624x128xf32, #tpu.memory_space<vmem_shared>>)
        tpu.yield
      }) : () -> ()
    } else {
    }
    %eq3A = arith.constant 15 : i32
    %eq3A_3 = arith.cmpi eq, %arg1, %eq3A : i32
    %convert_element_type3A_4 = arith.extui %eq3A_3 : i1 to i32
    %cond3A_5 = arith.constant 0 : i32
    %cond3A_6 = arith.cmpi ne, %convert_element_type3A_4, %cond3A_5 : i32
    scf.if %cond3A_6 {
      "tpu.region"() ({
        %run_scoped3A = tpu.sem_alloc : memref<!tpu.dma_semaphore, #tpu.memory_space<semaphore_mem>>
        %dma_start3A = arith.constant 9360 : i32
        %dma_start3A_65 = arith.constant 0 : i32
        %dma_start3A_66 = tpu.memref_slice %arg9[%dma_start3A, %dma_start3A_65] : memref<10000x128xf32, #tpu.memory_space<vmem_shared>> -> memref<640x128xf32, #tpu.memory_space<vmem_shared>>
        %dma_start3A_67 = arith.constant 9360 : i32
        %dma_start3A_68 = arith.constant 0 : i32
        %dma_start3A_69 = tpu.memref_slice %arg2[%dma_start3A_67, %dma_start3A_68] : memref<10000x128xf32, #tpu.memory_space<hbm>> -> memref<640x128xf32, #tpu.memory_space<hbm>>
        tpu.enqueue_dma source(%dma_start3A_69 : memref<640x128xf32, #tpu.memory_space<hbm>>) target(%dma_start3A_66 : memref<640x128xf32, #tpu.memory_space<vmem_shared>>) target_semaphore(%run_scoped3A : memref<!tpu.dma_semaphore, #tpu.memory_space<semaphore_mem>>)
        %dma_wait3A = arith.constant 9360 : i32
        %dma_wait3A_70 = arith.constant 0 : i32
        %dma_wait3A_71 = tpu.memref_slice %arg9[%dma_wait3A, %dma_wait3A_70] : memref<10000x128xf32, #tpu.memory_space<vmem_shared>> -> memref<640x128xf32, #tpu.memory_space<vmem_shared>>
        %dma_wait3A_72 = arith.constant 9360 : i32
        %dma_wait3A_73 = arith.constant 0 : i32
        %dma_wait3A_74 = tpu.memref_slice %arg2[%dma_wait3A_72, %dma_wait3A_73] : memref<10000x128xf32, #tpu.memory_space<hbm>> -> memref<640x128xf32, #tpu.memory_space<hbm>>
        tpu.wait_dma2 semaphore(%run_scoped3A : memref<!tpu.dma_semaphore, #tpu.memory_space<semaphore_mem>>) src(%dma_wait3A_74 : memref<640x128xf32, #tpu.memory_space<hbm>>) dst(%dma_wait3A_71 : memref<640x128xf32, #tpu.memory_space<vmem_shared>>)
        tpu.yield
      }) : () -> ()
    } else {
    }
    %barrier3A = arith.constant 0 : index
    tpu.barrier barrier_id(%barrier3A)
    %mul3A_7 = arith.constant 4 : i32
    %mul3A_8 = arith.muli %add3A, %mul3A_7 : i32
    %add3A_9 = arith.constant 0 : i32
    %add3A_10 = arith.addi %mul3A_8, %add3A_9 : i32
    %lt3A_11 = arith.constant 125 : i32
    %lt3A_12 = arith.cmpi slt, %add3A_10, %lt3A_11 : i32
    %convert_element_type3A_13 = arith.extui %lt3A_12 : i1 to i32
    %cond3A_14 = arith.constant 0 : i32
    %cond3A_15 = arith.cmpi ne, %convert_element_type3A_13, %cond3A_14 : i32
    scf.if %cond3A_15 {
      %scan3A = arith.constant 0 : i32
      %scan3A_65 = arith.constant 80 : i32
      %scan3A_66 = arith.addi %scan3A, %scan3A_65 : i32
      %scan3A_67 = arith.constant 1 : i32
      scf.for %scan3A_74 = %scan3A to %scan3A_66 step %scan3A_67  : i32 {
        %mul3A_75 = arith.constant 1 : i32
        %mul3A_76 = arith.muli %scan3A_74, %mul3A_75 : i32
        %add3A_77 = arith.constant 0 : i32
        %add3A_78 = arith.addi %add3A_77, %mul3A_76 : i32
        %broadcast_in_dim3A = arith.constant 0.000000e+00 : f32
        %broadcast_in_dim3A_79 = vector.broadcast %broadcast_in_dim3A : f32 to vector<16xf32>
        %swap3A = arith.index_cast %add3A_78 : i32 to index
        %swap3A_80 = arith.constant 0 : index
        %swap3A_81 = tpu.vector_load %arg6[%swap3A, %swap3A_80] {strides = array<i32>} : memref<80x128xf32, #tpu.memory_space<vmem>>, vector<1x16xf32>,
        %swap3A_82 = vector.shape_cast %swap3A_81 : vector<1x16xf32> to vector<16xf32>
        %swap3A_83 = vector.shape_cast %broadcast_in_dim3A_79 : vector<16xf32> to vector<1x16xf32>
        tpu.vector_store %arg6[%swap3A, %swap3A_80], %swap3A_83 {strides = array<i32>} : memref<80x128xf32, #tpu.memory_space<vmem>>, vector<1x16xf32>,
        %broadcast_in_dim3A_84 = arith.constant 0.000000e+00 : f32
        %broadcast_in_dim3A_85 = vector.broadcast %broadcast_in_dim3A_84 : f32 to vector<16xf32>
        %swap3A_86 = arith.index_cast %add3A_78 : i32 to index
        %swap3A_87 = arith.constant 16 : index
        %swap3A_88 = tpu.vector_load %arg6[%swap3A_86, %swap3A_87] {strides = array<i32>} : memref<80x128xf32, #tpu.memory_space<vmem>>, vector<1x16xf32>,
        %swap3A_89 = vector.shape_cast %swap3A_88 : vector<1x16xf32> to vector<16xf32>
        %swap3A_90 = vector.shape_cast %broadcast_in_dim3A_85 : vector<16xf32> to vector<1x16xf32>
        tpu.vector_store %arg6[%swap3A_86, %swap3A_87], %swap3A_90 {strides = array<i32>} : memref<80x128xf32, #tpu.memory_space<vmem>>, vector<1x16xf32>,
        %broadcast_in_dim3A_91 = arith.constant 0.000000e+00 : f32
        %broadcast_in_dim3A_92 = vector.broadcast %broadcast_in_dim3A_91 : f32 to vector<16xf32>
        %swap3A_93 = arith.index_cast %add3A_78 : i32 to index
        %swap3A_94 = arith.constant 32 : index
        %swap3A_95 = tpu.vector_load %arg6[%swap3A_93, %swap3A_94] {strides = array<i32>} : memref<80x128xf32, #tpu.memory_space<vmem>>, vector<1x16xf32>,
        %swap3A_96 = vector.shape_cast %swap3A_95 : vector<1x16xf32> to vector<16xf32>
        %swap3A_97 = vector.shape_cast %broadcast_in_dim3A_92 : vector<16xf32> to vector<1x16xf32>
        tpu.vector_store %arg6[%swap3A_93, %swap3A_94], %swap3A_97 {strides = array<i32>} : memref<80x128xf32, #tpu.memory_space<vmem>>, vector<1x16xf32>,
        %broadcast_in_dim3A_98 = arith.constant 0.000000e+00 : f32
        %broadcast_in_dim3A_99 = vector.broadcast %broadcast_in_dim3A_98 : f32 to vector<16xf32>
        %swap3A_100 = arith.index_cast %add3A_78 : i32 to index
        %swap3A_101 = arith.constant 48 : index
        %swap3A_102 = tpu.vector_load %arg6[%swap3A_100, %swap3A_101] {strides = array<i32>} : memref<80x128xf32, #tpu.memory_space<vmem>>, vector<1x16xf32>,
        %swap3A_103 = vector.shape_cast %swap3A_102 : vector<1x16xf32> to vector<16xf32>
        %swap3A_104 = vector.shape_cast %broadcast_in_dim3A_99 : vector<16xf32> to vector<1x16xf32>
        tpu.vector_store %arg6[%swap3A_100, %swap3A_101], %swap3A_104 {strides = array<i32>} : memref<80x128xf32, #tpu.memory_space<vmem>>, vector<1x16xf32>,
        %broadcast_in_dim3A_105 = arith.constant 0.000000e+00 : f32
        %broadcast_in_dim3A_106 = vector.broadcast %broadcast_in_dim3A_105 : f32 to vector<16xf32>
        %swap3A_107 = arith.index_cast %add3A_78 : i32 to index
        %swap3A_108 = arith.constant 64 : index
        %swap3A_109 = tpu.vector_load %arg6[%swap3A_107, %swap3A_108] {strides = array<i32>} : memref<80x128xf32, #tpu.memory_space<vmem>>, vector<1x16xf32>,
        %swap3A_110 = vector.shape_cast %swap3A_109 : vector<1x16xf32> to vector<16xf32>
        %swap3A_111 = vector.shape_cast %broadcast_in_dim3A_106 : vector<16xf32> to vector<1x16xf32>
        tpu.vector_store %arg6[%swap3A_107, %swap3A_108], %swap3A_111 {strides = array<i32>} : memref<80x128xf32, #tpu.memory_space<vmem>>, vector<1x16xf32>,
        %broadcast_in_dim3A_112 = arith.constant 0.000000e+00 : f32
        %broadcast_in_dim3A_113 = vector.broadcast %broadcast_in_dim3A_112 : f32 to vector<16xf32>
        %swap3A_114 = arith.index_cast %add3A_78 : i32 to index
        %swap3A_115 = arith.constant 80 : index
        %swap3A_116 = tpu.vector_load %arg6[%swap3A_114, %swap3A_115] {strides = array<i32>} : memref<80x128xf32, #tpu.memory_space<vmem>>, vector<1x16xf32>,
        %swap3A_117 = vector.shape_cast %swap3A_116 : vector<1x16xf32> to vector<16xf32>
        %swap3A_118 = vector.shape_cast %broadcast_in_dim3A_113 : vector<16xf32> to vector<1x16xf32>
        tpu.vector_store %arg6[%swap3A_114, %swap3A_115], %swap3A_118 {strides = array<i32>} : memref<80x128xf32, #tpu.memory_space<vmem>>, vector<1x16xf32>,
        %broadcast_in_dim3A_119 = arith.constant 0.000000e+00 : f32
        %broadcast_in_dim3A_120 = vector.broadcast %broadcast_in_dim3A_119 : f32 to vector<16xf32>
        %swap3A_121 = arith.index_cast %add3A_78 : i32 to index
        %swap3A_122 = arith.constant 96 : index
        %swap3A_123 = tpu.vector_load %arg6[%swap3A_121, %swap3A_122] {strides = array<i32>} : memref<80x128xf32, #tpu.memory_space<vmem>>, vector<1x16xf32>,
        %swap3A_124 = vector.shape_cast %swap3A_123 : vector<1x16xf32> to vector<16xf32>
        %swap3A_125 = vector.shape_cast %broadcast_in_dim3A_120 : vector<16xf32> to vector<1x16xf32>
        tpu.vector_store %arg6[%swap3A_121, %swap3A_122], %swap3A_125 {strides = array<i32>} : memref<80x128xf32, #tpu.memory_space<vmem>>, vector<1x16xf32>,
        %broadcast_in_dim3A_126 = arith.constant 0.000000e+00 : f32
        %broadcast_in_dim3A_127 = vector.broadcast %broadcast_in_dim3A_126 : f32 to vector<16xf32>
        %swap3A_128 = arith.index_cast %add3A_78 : i32 to index
        %swap3A_129 = arith.constant 112 : index
        %swap3A_130 = tpu.vector_load %arg6[%swap3A_128, %swap3A_129] {strides = array<i32>} : memref<80x128xf32, #tpu.memory_space<vmem>>, vector<1x16xf32>,
        %swap3A_131 = vector.shape_cast %swap3A_130 : vector<1x16xf32> to vector<16xf32>
        %swap3A_132 = vector.shape_cast %broadcast_in_dim3A_127 : vector<16xf32> to vector<1x16xf32>
        tpu.vector_store %arg6[%swap3A_128, %swap3A_129], %swap3A_132 {strides = array<i32>} : memref<80x128xf32, #tpu.memory_space<vmem>>, vector<1x16xf32>,
      }
      %scan3A_68 = arith.constant 80 : i32
      %scan3A_69 = arith.constant 0 : i32
      %scan3A_70 = arith.constant 32 : i32
      %scan3A_71 = arith.addi %scan3A_69, %scan3A_70 : i32
      %scan3A_72 = arith.constant 1 : i32
      scf.for %scan3A_74 = %scan3A_69 to %scan3A_71 step %scan3A_72  : i32 {
        %mul3A_75 = arith.constant 1 : i32
        %mul3A_76 = arith.muli %scan3A_74, %mul3A_75 : i32
        %add3A_77 = arith.constant 0 : i32
        %add3A_78 = arith.addi %add3A_77, %mul3A_76 : i32
        %dma_start3A = arith.constant 0 : i32
        %dma_start3A_79 = arith.constant 0 : i32
        %dma_start3A_80 = tpu.memref_slice %arg5[%add3A_78, %dma_start3A, %dma_start3A_79] : memref<32x4x80xi32, #tpu.memory_space<vmem>> -> memref<1x1x80xi32, #tpu.memory_space<vmem>>
        %dma_start3A_81 = tpu.memref_squeeze %dma_start3A_80 : memref<1x1x80xi32, #tpu.memory_space<vmem>> -> memref<80xi32, #tpu.memory_space<vmem>>
        %dma_start3A_82 = arith.constant 0 : i32
        %dma_start3A_83 = arith.constant 0 : i32
        %dma_start3A_84 = tpu.memref_slice %arg9[%dma_start3A_82, %dma_start3A_83] : memref<10000x128xf32, #tpu.memory_space<vmem_shared>> -> memref<10000x128xf32, #tpu.memory_space<vmem_shared>>
        tpu.enqueue_indirect_dma source(%dma_start3A_84 : memref<10000x128xf32, #tpu.memory_space<vmem_shared>>) target(%arg6 : memref<80x128xf32, #tpu.memory_space<vmem>>) offsets(%dma_start3A_81 : memref<80xi32, #tpu.memory_space<vmem>>) semaphore(%arg10 : memref<!tpu.dma_semaphore, #tpu.memory_space<semaphore_mem>>) {add = true}
      }
      %scan3A_73 = arith.constant 32 : i32
    } else {
    }
    %add3A_16 = arith.constant 1 : i32
    %add3A_17 = arith.addi %mul3A_8, %add3A_16 : i32
    %lt3A_18 = arith.constant 125 : i32
    %lt3A_19 = arith.cmpi slt, %add3A_17, %lt3A_18 : i32
    %convert_element_type3A_20 = arith.extui %lt3A_19 : i1 to i32
    %cond3A_21 = arith.constant 0 : i32
    %cond3A_22 = arith.cmpi ne, %convert_element_type3A_20, %cond3A_21 : i32
    scf.if %cond3A_22 {
      %scan3A = arith.constant 0 : i32
      %scan3A_65 = arith.constant 80 : i32
      %scan3A_66 = arith.addi %scan3A, %scan3A_65 : i32
      %scan3A_67 = arith.constant 1 : i32
      scf.for %scan3A_74 = %scan3A to %scan3A_66 step %scan3A_67  : i32 {
        %mul3A_75 = arith.constant 1 : i32
        %mul3A_76 = arith.muli %scan3A_74, %mul3A_75 : i32
        %add3A_77 = arith.constant 0 : i32
        %add3A_78 = arith.addi %add3A_77, %mul3A_76 : i32
        %broadcast_in_dim3A = arith.constant 0.000000e+00 : f32
        %broadcast_in_dim3A_79 = vector.broadcast %broadcast_in_dim3A : f32 to vector<16xf32>
        %swap3A = arith.index_cast %add3A_78 : i32 to index
        %swap3A_80 = arith.constant 0 : index
        %swap3A_81 = tpu.vector_load %arg7[%swap3A, %swap3A_80] {strides = array<i32>} : memref<80x128xf32, #tpu.memory_space<vmem>>, vector<1x16xf32>,
        %swap3A_82 = vector.shape_cast %swap3A_81 : vector<1x16xf32> to vector<16xf32>
        %swap3A_83 = vector.shape_cast %broadcast_in_dim3A_79 : vector<16xf32> to vector<1x16xf32>
        tpu.vector_store %arg7[%swap3A, %swap3A_80], %swap3A_83 {strides = array<i32>} : memref<80x128xf32, #tpu.memory_space<vmem>>, vector<1x16xf32>,
        %broadcast_in_dim3A_84 = arith.constant 0.000000e+00 : f32
        %broadcast_in_dim3A_85 = vector.broadcast %broadcast_in_dim3A_84 : f32 to vector<16xf32>
        %swap3A_86 = arith.index_cast %add3A_78 : i32 to index
        %swap3A_87 = arith.constant 16 : index
        %swap3A_88 = tpu.vector_load %arg7[%swap3A_86, %swap3A_87] {strides = array<i32>} : memref<80x128xf32, #tpu.memory_space<vmem>>, vector<1x16xf32>,
        %swap3A_89 = vector.shape_cast %swap3A_88 : vector<1x16xf32> to vector<16xf32>
        %swap3A_90 = vector.shape_cast %broadcast_in_dim3A_85 : vector<16xf32> to vector<1x16xf32>
        tpu.vector_store %arg7[%swap3A_86, %swap3A_87], %swap3A_90 {strides = array<i32>} : memref<80x128xf32, #tpu.memory_space<vmem>>, vector<1x16xf32>,
        %broadcast_in_dim3A_91 = arith.constant 0.000000e+00 : f32
        %broadcast_in_dim3A_92 = vector.broadcast %broadcast_in_dim3A_91 : f32 to vector<16xf32>
        %swap3A_93 = arith.index_cast %add3A_78 : i32 to index
        %swap3A_94 = arith.constant 32 : index
        %swap3A_95 = tpu.vector_load %arg7[%swap3A_93, %swap3A_94] {strides = array<i32>} : memref<80x128xf32, #tpu.memory_space<vmem>>, vector<1x16xf32>,
        %swap3A_96 = vector.shape_cast %swap3A_95 : vector<1x16xf32> to vector<16xf32>
        %swap3A_97 = vector.shape_cast %broadcast_in_dim3A_92 : vector<16xf32> to vector<1x16xf32>
        tpu.vector_store %arg7[%swap3A_93, %swap3A_94], %swap3A_97 {strides = array<i32>} : memref<80x128xf32, #tpu.memory_space<vmem>>, vector<1x16xf32>,
        %broadcast_in_dim3A_98 = arith.constant 0.000000e+00 : f32
        %broadcast_in_dim3A_99 = vector.broadcast %broadcast_in_dim3A_98 : f32 to vector<16xf32>
        %swap3A_100 = arith.index_cast %add3A_78 : i32 to index
        %swap3A_101 = arith.constant 48 : index
        %swap3A_102 = tpu.vector_load %arg7[%swap3A_100, %swap3A_101] {strides = array<i32>} : memref<80x128xf32, #tpu.memory_space<vmem>>, vector<1x16xf32>,
        %swap3A_103 = vector.shape_cast %swap3A_102 : vector<1x16xf32> to vector<16xf32>
        %swap3A_104 = vector.shape_cast %broadcast_in_dim3A_99 : vector<16xf32> to vector<1x16xf32>
        tpu.vector_store %arg7[%swap3A_100, %swap3A_101], %swap3A_104 {strides = array<i32>} : memref<80x128xf32, #tpu.memory_space<vmem>>, vector<1x16xf32>,
        %broadcast_in_dim3A_105 = arith.constant 0.000000e+00 : f32
        %broadcast_in_dim3A_106 = vector.broadcast %broadcast_in_dim3A_105 : f32 to vector<16xf32>
        %swap3A_107 = arith.index_cast %add3A_78 : i32 to index
        %swap3A_108 = arith.constant 64 : index
        %swap3A_109 = tpu.vector_load %arg7[%swap3A_107, %swap3A_108] {strides = array<i32>} : memref<80x128xf32, #tpu.memory_space<vmem>>, vector<1x16xf32>,
        %swap3A_110 = vector.shape_cast %swap3A_109 : vector<1x16xf32> to vector<16xf32>
        %swap3A_111 = vector.shape_cast %broadcast_in_dim3A_106 : vector<16xf32> to vector<1x16xf32>
        tpu.vector_store %arg7[%swap3A_107, %swap3A_108], %swap3A_111 {strides = array<i32>} : memref<80x128xf32, #tpu.memory_space<vmem>>, vector<1x16xf32>,
        %broadcast_in_dim3A_112 = arith.constant 0.000000e+00 : f32
        %broadcast_in_dim3A_113 = vector.broadcast %broadcast_in_dim3A_112 : f32 to vector<16xf32>
        %swap3A_114 = arith.index_cast %add3A_78 : i32 to index
        %swap3A_115 = arith.constant 80 : index
        %swap3A_116 = tpu.vector_load %arg7[%swap3A_114, %swap3A_115] {strides = array<i32>} : memref<80x128xf32, #tpu.memory_space<vmem>>, vector<1x16xf32>,
        %swap3A_117 = vector.shape_cast %swap3A_116 : vector<1x16xf32> to vector<16xf32>
        %swap3A_118 = vector.shape_cast %broadcast_in_dim3A_113 : vector<16xf32> to vector<1x16xf32>
        tpu.vector_store %arg7[%swap3A_114, %swap3A_115], %swap3A_118 {strides = array<i32>} : memref<80x128xf32, #tpu.memory_space<vmem>>, vector<1x16xf32>,
        %broadcast_in_dim3A_119 = arith.constant 0.000000e+00 : f32
        %broadcast_in_dim3A_120 = vector.broadcast %broadcast_in_dim3A_119 : f32 to vector<16xf32>
        %swap3A_121 = arith.index_cast %add3A_78 : i32 to index
        %swap3A_122 = arith.constant 96 : index
        %swap3A_123 = tpu.vector_load %arg7[%swap3A_121, %swap3A_122] {strides = array<i32>} : memref<80x128xf32, #tpu.memory_space<vmem>>, vector<1x16xf32>,
        %swap3A_124 = vector.shape_cast %swap3A_123 : vector<1x16xf32> to vector<16xf32>
        %swap3A_125 = vector.shape_cast %broadcast_in_dim3A_120 : vector<16xf32> to vector<1x16xf32>
        tpu.vector_store %arg7[%swap3A_121, %swap3A_122], %swap3A_125 {strides = array<i32>} : memref<80x128xf32, #tpu.memory_space<vmem>>, vector<1x16xf32>,
        %broadcast_in_dim3A_126 = arith.constant 0.000000e+00 : f32
        %broadcast_in_dim3A_127 = vector.broadcast %broadcast_in_dim3A_126 : f32 to vector<16xf32>
        %swap3A_128 = arith.index_cast %add3A_78 : i32 to index
        %swap3A_129 = arith.constant 112 : index
        %swap3A_130 = tpu.vector_load %arg7[%swap3A_128, %swap3A_129] {strides = array<i32>} : memref<80x128xf32, #tpu.memory_space<vmem>>, vector<1x16xf32>,
        %swap3A_131 = vector.shape_cast %swap3A_130 : vector<1x16xf32> to vector<16xf32>
        %swap3A_132 = vector.shape_cast %broadcast_in_dim3A_127 : vector<16xf32> to vector<1x16xf32>
        tpu.vector_store %arg7[%swap3A_128, %swap3A_129], %swap3A_132 {strides = array<i32>} : memref<80x128xf32, #tpu.memory_space<vmem>>, vector<1x16xf32>,
      }
      %scan3A_68 = arith.constant 80 : i32
      %scan3A_69 = arith.constant 0 : i32
      %scan3A_70 = arith.constant 32 : i32
      %scan3A_71 = arith.addi %scan3A_69, %scan3A_70 : i32
      %scan3A_72 = arith.constant 1 : i32
      scf.for %scan3A_74 = %scan3A_69 to %scan3A_71 step %scan3A_72  : i32 {
        %mul3A_75 = arith.constant 1 : i32
        %mul3A_76 = arith.muli %scan3A_74, %mul3A_75 : i32
        %add3A_77 = arith.constant 0 : i32
        %add3A_78 = arith.addi %add3A_77, %mul3A_76 : i32
        %dma_start3A = arith.constant 1 : i32
        %dma_start3A_79 = arith.constant 0 : i32
        %dma_start3A_80 = tpu.memref_slice %arg5[%add3A_78, %dma_start3A, %dma_start3A_79] : memref<32x4x80xi32, #tpu.memory_space<vmem>> -> memref<1x1x80xi32, #tpu.memory_space<vmem>>
        %dma_start3A_81 = tpu.memref_squeeze %dma_start3A_80 : memref<1x1x80xi32, #tpu.memory_space<vmem>> -> memref<80xi32, #tpu.memory_space<vmem>>
        %dma_start3A_82 = arith.constant 0 : i32
        %dma_start3A_83 = arith.constant 0 : i32
        %dma_start3A_84 = tpu.memref_slice %arg9[%dma_start3A_82, %dma_start3A_83] : memref<10000x128xf32, #tpu.memory_space<vmem_shared>> -> memref<10000x128xf32, #tpu.memory_space<vmem_shared>>
        tpu.enqueue_indirect_dma source(%dma_start3A_84 : memref<10000x128xf32, #tpu.memory_space<vmem_shared>>) target(%arg7 : memref<80x128xf32, #tpu.memory_space<vmem>>) offsets(%dma_start3A_81 : memref<80xi32, #tpu.memory_space<vmem>>) semaphore(%arg11 : memref<!tpu.dma_semaphore, #tpu.memory_space<semaphore_mem>>) {add = true}
      }
      %scan3A_73 = arith.constant 32 : i32
    } else {
    }
    %add3A_23 = arith.constant 2 : i32
    %add3A_24 = arith.addi %mul3A_8, %add3A_23 : i32
    %lt3A_25 = arith.constant 125 : i32
    %lt3A_26 = arith.cmpi slt, %add3A_24, %lt3A_25 : i32
    %convert_element_type3A_27 = arith.extui %lt3A_26 : i1 to i32
    %cond3A_28 = arith.constant 0 : i32
    %cond3A_29 = arith.cmpi ne, %convert_element_type3A_27, %cond3A_28 : i32
    scf.if %cond3A_29 {
      %scan3A = arith.constant 0 : i32
      %scan3A_65 = arith.constant 80 : i32
      %scan3A_66 = arith.addi %scan3A, %scan3A_65 : i32
      %scan3A_67 = arith.constant 1 : i32
      scf.for %scan3A_74 = %scan3A to %scan3A_66 step %scan3A_67  : i32 {
        %mul3A_75 = arith.constant 1 : i32
        %mul3A_76 = arith.muli %scan3A_74, %mul3A_75 : i32
        %add3A_77 = arith.constant 0 : i32
        %add3A_78 = arith.addi %add3A_77, %mul3A_76 : i32
        %broadcast_in_dim3A = arith.constant 0.000000e+00 : f32
        %broadcast_in_dim3A_79 = vector.broadcast %broadcast_in_dim3A : f32 to vector<16xf32>
        %swap3A = arith.index_cast %add3A_78 : i32 to index
        %swap3A_80 = arith.constant 0 : index
        %swap3A_81 = tpu.vector_load %arg8[%swap3A, %swap3A_80] {strides = array<i32>} : memref<80x128xf32, #tpu.memory_space<vmem>>, vector<1x16xf32>,
        %swap3A_82 = vector.shape_cast %swap3A_81 : vector<1x16xf32> to vector<16xf32>
        %swap3A_83 = vector.shape_cast %broadcast_in_dim3A_79 : vector<16xf32> to vector<1x16xf32>
        tpu.vector_store %arg8[%swap3A, %swap3A_80], %swap3A_83 {strides = array<i32>} : memref<80x128xf32, #tpu.memory_space<vmem>>, vector<1x16xf32>,
        %broadcast_in_dim3A_84 = arith.constant 0.000000e+00 : f32
        %broadcast_in_dim3A_85 = vector.broadcast %broadcast_in_dim3A_84 : f32 to vector<16xf32>
        %swap3A_86 = arith.index_cast %add3A_78 : i32 to index
        %swap3A_87 = arith.constant 16 : index
        %swap3A_88 = tpu.vector_load %arg8[%swap3A_86, %swap3A_87] {strides = array<i32>} : memref<80x128xf32, #tpu.memory_space<vmem>>, vector<1x16xf32>,
        %swap3A_89 = vector.shape_cast %swap3A_88 : vector<1x16xf32> to vector<16xf32>
        %swap3A_90 = vector.shape_cast %broadcast_in_dim3A_85 : vector<16xf32> to vector<1x16xf32>
        tpu.vector_store %arg8[%swap3A_86, %swap3A_87], %swap3A_90 {strides = array<i32>} : memref<80x128xf32, #tpu.memory_space<vmem>>, vector<1x16xf32>,
        %broadcast_in_dim3A_91 = arith.constant 0.000000e+00 : f32
        %broadcast_in_dim3A_92 = vector.broadcast %broadcast_in_dim3A_91 : f32 to vector<16xf32>
        %swap3A_93 = arith.index_cast %add3A_78 : i32 to index
        %swap3A_94 = arith.constant 32 : index
        %swap3A_95 = tpu.vector_load %arg8[%swap3A_93, %swap3A_94] {strides = array<i32>} : memref<80x128xf32, #tpu.memory_space<vmem>>, vector<1x16xf32>,
        %swap3A_96 = vector.shape_cast %swap3A_95 : vector<1x16xf32> to vector<16xf32>
        %swap3A_97 = vector.shape_cast %broadcast_in_dim3A_92 : vector<16xf32> to vector<1x16xf32>
        tpu.vector_store %arg8[%swap3A_93, %swap3A_94], %swap3A_97 {strides = array<i32>} : memref<80x128xf32, #tpu.memory_space<vmem>>, vector<1x16xf32>,
        %broadcast_in_dim3A_98 = arith.constant 0.000000e+00 : f32
        %broadcast_in_dim3A_99 = vector.broadcast %broadcast_in_dim3A_98 : f32 to vector<16xf32>
        %swap3A_100 = arith.index_cast %add3A_78 : i32 to index
        %swap3A_101 = arith.constant 48 : index
        %swap3A_102 = tpu.vector_load %arg8[%swap3A_100, %swap3A_101] {strides = array<i32>} : memref<80x128xf32, #tpu.memory_space<vmem>>, vector<1x16xf32>,
        %swap3A_103 = vector.shape_cast %swap3A_102 : vector<1x16xf32> to vector<16xf32>
        %swap3A_104 = vector.shape_cast %broadcast_in_dim3A_99 : vector<16xf32> to vector<1x16xf32>
        tpu.vector_store %arg8[%swap3A_100, %swap3A_101], %swap3A_104 {strides = array<i32>} : memref<80x128xf32, #tpu.memory_space<vmem>>, vector<1x16xf32>,
        %broadcast_in_dim3A_105 = arith.constant 0.000000e+00 : f32
        %broadcast_in_dim3A_106 = vector.broadcast %broadcast_in_dim3A_105 : f32 to vector<16xf32>
        %swap3A_107 = arith.index_cast %add3A_78 : i32 to index
        %swap3A_108 = arith.constant 64 : index
        %swap3A_109 = tpu.vector_load %arg8[%swap3A_107, %swap3A_108] {strides = array<i32>} : memref<80x128xf32, #tpu.memory_space<vmem>>, vector<1x16xf32>,
        %swap3A_110 = vector.shape_cast %swap3A_109 : vector<1x16xf32> to vector<16xf32>
        %swap3A_111 = vector.shape_cast %broadcast_in_dim3A_106 : vector<16xf32> to vector<1x16xf32>
        tpu.vector_store %arg8[%swap3A_107, %swap3A_108], %swap3A_111 {strides = array<i32>} : memref<80x128xf32, #tpu.memory_space<vmem>>, vector<1x16xf32>,
        %broadcast_in_dim3A_112 = arith.constant 0.000000e+00 : f32
        %broadcast_in_dim3A_113 = vector.broadcast %broadcast_in_dim3A_112 : f32 to vector<16xf32>
        %swap3A_114 = arith.index_cast %add3A_78 : i32 to index
        %swap3A_115 = arith.constant 80 : index
        %swap3A_116 = tpu.vector_load %arg8[%swap3A_114, %swap3A_115] {strides = array<i32>} : memref<80x128xf32, #tpu.memory_space<vmem>>, vector<1x16xf32>,
        %swap3A_117 = vector.shape_cast %swap3A_116 : vector<1x16xf32> to vector<16xf32>
        %swap3A_118 = vector.shape_cast %broadcast_in_dim3A_113 : vector<16xf32> to vector<1x16xf32>
        tpu.vector_store %arg8[%swap3A_114, %swap3A_115], %swap3A_118 {strides = array<i32>} : memref<80x128xf32, #tpu.memory_space<vmem>>, vector<1x16xf32>,
        %broadcast_in_dim3A_119 = arith.constant 0.000000e+00 : f32
        %broadcast_in_dim3A_120 = vector.broadcast %broadcast_in_dim3A_119 : f32 to vector<16xf32>
        %swap3A_121 = arith.index_cast %add3A_78 : i32 to index
        %swap3A_122 = arith.constant 96 : index
        %swap3A_123 = tpu.vector_load %arg8[%swap3A_121, %swap3A_122] {strides = array<i32>} : memref<80x128xf32, #tpu.memory_space<vmem>>, vector<1x16xf32>,
        %swap3A_124 = vector.shape_cast %swap3A_123 : vector<1x16xf32> to vector<16xf32>
        %swap3A_125 = vector.shape_cast %broadcast_in_dim3A_120 : vector<16xf32> to vector<1x16xf32>
        tpu.vector_store %arg8[%swap3A_121, %swap3A_122], %swap3A_125 {strides = array<i32>} : memref<80x128xf32, #tpu.memory_space<vmem>>, vector<1x16xf32>,
        %broadcast_in_dim3A_126 = arith.constant 0.000000e+00 : f32
        %broadcast_in_dim3A_127 = vector.broadcast %broadcast_in_dim3A_126 : f32 to vector<16xf32>
        %swap3A_128 = arith.index_cast %add3A_78 : i32 to index
        %swap3A_129 = arith.constant 112 : index
        %swap3A_130 = tpu.vector_load %arg8[%swap3A_128, %swap3A_129] {strides = array<i32>} : memref<80x128xf32, #tpu.memory_space<vmem>>, vector<1x16xf32>,
        %swap3A_131 = vector.shape_cast %swap3A_130 : vector<1x16xf32> to vector<16xf32>
        %swap3A_132 = vector.shape_cast %broadcast_in_dim3A_127 : vector<16xf32> to vector<1x16xf32>
        tpu.vector_store %arg8[%swap3A_128, %swap3A_129], %swap3A_132 {strides = array<i32>} : memref<80x128xf32, #tpu.memory_space<vmem>>, vector<1x16xf32>,
      }
      %scan3A_68 = arith.constant 80 : i32
      %scan3A_69 = arith.constant 0 : i32
      %scan3A_70 = arith.constant 32 : i32
      %scan3A_71 = arith.addi %scan3A_69, %scan3A_70 : i32
      %scan3A_72 = arith.constant 1 : i32
      scf.for %scan3A_74 = %scan3A_69 to %scan3A_71 step %scan3A_72  : i32 {
        %mul3A_75 = arith.constant 1 : i32
        %mul3A_76 = arith.muli %scan3A_74, %mul3A_75 : i32
        %add3A_77 = arith.constant 0 : i32
        %add3A_78 = arith.addi %add3A_77, %mul3A_76 : i32
        %dma_start3A = arith.constant 2 : i32
        %dma_start3A_79 = arith.constant 0 : i32
        %dma_start3A_80 = tpu.memref_slice %arg5[%add3A_78, %dma_start3A, %dma_start3A_79] : memref<32x4x80xi32, #tpu.memory_space<vmem>> -> memref<1x1x80xi32, #tpu.memory_space<vmem>>
        %dma_start3A_81 = tpu.memref_squeeze %dma_start3A_80 : memref<1x1x80xi32, #tpu.memory_space<vmem>> -> memref<80xi32, #tpu.memory_space<vmem>>
        %dma_start3A_82 = arith.constant 0 : i32
        %dma_start3A_83 = arith.constant 0 : i32
        %dma_start3A_84 = tpu.memref_slice %arg9[%dma_start3A_82, %dma_start3A_83] : memref<10000x128xf32, #tpu.memory_space<vmem_shared>> -> memref<10000x128xf32, #tpu.memory_space<vmem_shared>>
        tpu.enqueue_indirect_dma source(%dma_start3A_84 : memref<10000x128xf32, #tpu.memory_space<vmem_shared>>) target(%arg8 : memref<80x128xf32, #tpu.memory_space<vmem>>) offsets(%dma_start3A_81 : memref<80xi32, #tpu.memory_space<vmem>>) semaphore(%arg12 : memref<!tpu.dma_semaphore, #tpu.memory_space<semaphore_mem>>) {add = true}
      }
      %scan3A_73 = arith.constant 32 : i32
    } else {
    }
    %add3A_30 = arith.constant 0 : i32
    %add3A_31 = arith.addi %mul3A_8, %add3A_30 : i32
    %lt3A_32 = arith.constant 125 : i32
    %lt3A_33 = arith.cmpi slt, %add3A_31, %lt3A_32 : i32
    %convert_element_type3A_34 = arith.extui %lt3A_33 : i1 to i32
    %cond3A_35 = arith.constant 0 : i32
    %cond3A_36 = arith.cmpi ne, %convert_element_type3A_34, %cond3A_35 : i32
    scf.if %cond3A_36 {
      %scan3A = arith.constant 0 : i32
      %scan3A_65 = arith.constant 32 : i32
      %scan3A_66 = arith.addi %scan3A, %scan3A_65 : i32
      %scan3A_67 = arith.constant 1 : i32
      scf.for %scan3A_79 = %scan3A to %scan3A_66 step %scan3A_67  : i32 {
        %mul3A_80 = arith.constant 1 : i32
        %mul3A_81 = arith.muli %scan3A_79, %mul3A_80 : i32
        %add3A_82 = arith.constant 0 : i32
        %add3A_83 = arith.addi %add3A_82, %mul3A_81 : i32
        %dma_wait3A_84 = arith.constant 0 : i32
        %dma_wait3A_85 = arith.constant 0 : i32
        %dma_wait3A_86 = arith.constant 0 : i32
        %dma_wait3A_87 = tpu.memref_slice %arg5[%dma_wait3A_84, %dma_wait3A_85, %dma_wait3A_86] : memref<32x4x80xi32, #tpu.memory_space<vmem>> -> memref<1x1x80xi32, #tpu.memory_space<vmem>>
        %dma_wait3A_88 = tpu.memref_squeeze %dma_wait3A_87 : memref<1x1x80xi32, #tpu.memory_space<vmem>> -> memref<80xi32, #tpu.memory_space<vmem>>
        %dma_wait3A_89 = arith.constant 0 : i32
        %dma_wait3A_90 = arith.constant 0 : i32
        %dma_wait3A_91 = tpu.memref_slice %arg9[%dma_wait3A_89, %dma_wait3A_90] : memref<10000x128xf32, #tpu.memory_space<vmem_shared>> -> memref<10000x128xf32, #tpu.memory_space<vmem_shared>>
        tpu.wait_indirect_dma semaphore(%arg10 : memref<!tpu.dma_semaphore, #tpu.memory_space<semaphore_mem>>) src(%dma_wait3A_91 : memref<10000x128xf32, #tpu.memory_space<vmem_shared>>) dst(%arg6 : memref<80x128xf32, #tpu.memory_space<vmem>>)
      }
      %scan3A_68 = arith.constant 32 : i32
      %add3A_69 = arith.constant 0 : i32
      %add3A_70 = arith.addi %mul3A_8, %add3A_69 : i32
      %mul3A_71 = arith.constant 80 : i32
      %mul3A_72 = arith.muli %add3A_70, %mul3A_71 : i32
      %dma_start3A = arith.constant 0 : i32
      %dma_start3A_73 = tpu.memref_slice %arg4[%mul3A_72, %dma_start3A] : memref<10000x128xf32, #tpu.memory_space<hbm>> -> memref<80x128xf32, #tpu.memory_space<hbm>>
      %dma_start3A_74 = arith.constant 0 : i32
      %dma_start3A_75 = tpu.memref_slice %arg4[%mul3A_72, %dma_start3A_74] : memref<10000x128xf32, #tpu.memory_space<hbm>> -> memref<80x128xf32, #tpu.memory_space<hbm>>
      tpu.enqueue_dma source(%arg6 : memref<80x128xf32, #tpu.memory_space<vmem>>) target(%dma_start3A_75 : memref<80x128xf32, #tpu.memory_space<hbm>>) target_semaphore(%arg13 : memref<!tpu.dma_semaphore, #tpu.memory_space<semaphore_mem>>)
      %dma_wait3A = arith.constant 0 : i32
      %dma_wait3A_76 = tpu.memref_slice %arg4[%mul3A_72, %dma_wait3A] : memref<10000x128xf32, #tpu.memory_space<hbm>> -> memref<80x128xf32, #tpu.memory_space<hbm>>
      %dma_wait3A_77 = arith.constant 0 : i32
      %dma_wait3A_78 = tpu.memref_slice %arg4[%mul3A_72, %dma_wait3A_77] : memref<10000x128xf32, #tpu.memory_space<hbm>> -> memref<80x128xf32, #tpu.memory_space<hbm>>
      tpu.wait_dma2 semaphore(%arg13 : memref<!tpu.dma_semaphore, #tpu.memory_space<semaphore_mem>>) src(%arg6 : memref<80x128xf32, #tpu.memory_space<vmem>>) dst(%dma_wait3A_78 : memref<80x128xf32, #tpu.memory_space<hbm>>)
    } else {
    }
    %add3A_37 = arith.constant 3 : i32
    %add3A_38 = arith.addi %mul3A_8, %add3A_37 : i32
    %lt3A_39 = arith.constant 125 : i32
    %lt3A_40 = arith.cmpi slt, %add3A_38, %lt3A_39 : i32
    %convert_element_type3A_41 = arith.extui %lt3A_40 : i1 to i32
    %cond3A_42 = arith.constant 0 : i32
    %cond3A_43 = arith.cmpi ne, %convert_element_type3A_41, %cond3A_42 : i32
    scf.if %cond3A_43 {
      %scan3A = arith.constant 0 : i32
      %scan3A_65 = arith.constant 80 : i32
      %scan3A_66 = arith.addi %scan3A, %scan3A_65 : i32
      %scan3A_67 = arith.constant 1 : i32
      scf.for %scan3A_74 = %scan3A to %scan3A_66 step %scan3A_67  : i32 {
        %mul3A_75 = arith.constant 1 : i32
        %mul3A_76 = arith.muli %scan3A_74, %mul3A_75 : i32
        %add3A_77 = arith.constant 0 : i32
        %add3A_78 = arith.addi %add3A_77, %mul3A_76 : i32
        %broadcast_in_dim3A = arith.constant 0.000000e+00 : f32
        %broadcast_in_dim3A_79 = vector.broadcast %broadcast_in_dim3A : f32 to vector<16xf32>
        %swap3A = arith.index_cast %add3A_78 : i32 to index
        %swap3A_80 = arith.constant 0 : index
        %swap3A_81 = tpu.vector_load %arg6[%swap3A, %swap3A_80] {strides = array<i32>} : memref<80x128xf32, #tpu.memory_space<vmem>>, vector<1x16xf32>,
        %swap3A_82 = vector.shape_cast %swap3A_81 : vector<1x16xf32> to vector<16xf32>
        %swap3A_83 = vector.shape_cast %broadcast_in_dim3A_79 : vector<16xf32> to vector<1x16xf32>
        tpu.vector_store %arg6[%swap3A, %swap3A_80], %swap3A_83 {strides = array<i32>} : memref<80x128xf32, #tpu.memory_space<vmem>>, vector<1x16xf32>,
        %broadcast_in_dim3A_84 = arith.constant 0.000000e+00 : f32
        %broadcast_in_dim3A_85 = vector.broadcast %broadcast_in_dim3A_84 : f32 to vector<16xf32>
        %swap3A_86 = arith.index_cast %add3A_78 : i32 to index
        %swap3A_87 = arith.constant 16 : index
        %swap3A_88 = tpu.vector_load %arg6[%swap3A_86, %swap3A_87] {strides = array<i32>} : memref<80x128xf32, #tpu.memory_space<vmem>>, vector<1x16xf32>,
        %swap3A_89 = vector.shape_cast %swap3A_88 : vector<1x16xf32> to vector<16xf32>
        %swap3A_90 = vector.shape_cast %broadcast_in_dim3A_85 : vector<16xf32> to vector<1x16xf32>
        tpu.vector_store %arg6[%swap3A_86, %swap3A_87], %swap3A_90 {strides = array<i32>} : memref<80x128xf32, #tpu.memory_space<vmem>>, vector<1x16xf32>,
        %broadcast_in_dim3A_91 = arith.constant 0.000000e+00 : f32
        %broadcast_in_dim3A_92 = vector.broadcast %broadcast_in_dim3A_91 : f32 to vector<16xf32>
        %swap3A_93 = arith.index_cast %add3A_78 : i32 to index
        %swap3A_94 = arith.constant 32 : index
        %swap3A_95 = tpu.vector_load %arg6[%swap3A_93, %swap3A_94] {strides = array<i32>} : memref<80x128xf32, #tpu.memory_space<vmem>>, vector<1x16xf32>,
        %swap3A_96 = vector.shape_cast %swap3A_95 : vector<1x16xf32> to vector<16xf32>
        %swap3A_97 = vector.shape_cast %broadcast_in_dim3A_92 : vector<16xf32> to vector<1x16xf32>
        tpu.vector_store %arg6[%swap3A_93, %swap3A_94], %swap3A_97 {strides = array<i32>} : memref<80x128xf32, #tpu.memory_space<vmem>>, vector<1x16xf32>,
        %broadcast_in_dim3A_98 = arith.constant 0.000000e+00 : f32
        %broadcast_in_dim3A_99 = vector.broadcast %broadcast_in_dim3A_98 : f32 to vector<16xf32>
        %swap3A_100 = arith.index_cast %add3A_78 : i32 to index
        %swap3A_101 = arith.constant 48 : index
        %swap3A_102 = tpu.vector_load %arg6[%swap3A_100, %swap3A_101] {strides = array<i32>} : memref<80x128xf32, #tpu.memory_space<vmem>>, vector<1x16xf32>,
        %swap3A_103 = vector.shape_cast %swap3A_102 : vector<1x16xf32> to vector<16xf32>
        %swap3A_104 = vector.shape_cast %broadcast_in_dim3A_99 : vector<16xf32> to vector<1x16xf32>
        tpu.vector_store %arg6[%swap3A_100, %swap3A_101], %swap3A_104 {strides = array<i32>} : memref<80x128xf32, #tpu.memory_space<vmem>>, vector<1x16xf32>,
        %broadcast_in_dim3A_105 = arith.constant 0.000000e+00 : f32
        %broadcast_in_dim3A_106 = vector.broadcast %broadcast_in_dim3A_105 : f32 to vector<16xf32>
        %swap3A_107 = arith.index_cast %add3A_78 : i32 to index
        %swap3A_108 = arith.constant 64 : index
        %swap3A_109 = tpu.vector_load %arg6[%swap3A_107, %swap3A_108] {strides = array<i32>} : memref<80x128xf32, #tpu.memory_space<vmem>>, vector<1x16xf32>,
        %swap3A_110 = vector.shape_cast %swap3A_109 : vector<1x16xf32> to vector<16xf32>
        %swap3A_111 = vector.shape_cast %broadcast_in_dim3A_106 : vector<16xf32> to vector<1x16xf32>
        tpu.vector_store %arg6[%swap3A_107, %swap3A_108], %swap3A_111 {strides = array<i32>} : memref<80x128xf32, #tpu.memory_space<vmem>>, vector<1x16xf32>,
        %broadcast_in_dim3A_112 = arith.constant 0.000000e+00 : f32
        %broadcast_in_dim3A_113 = vector.broadcast %broadcast_in_dim3A_112 : f32 to vector<16xf32>
        %swap3A_114 = arith.index_cast %add3A_78 : i32 to index
        %swap3A_115 = arith.constant 80 : index
        %swap3A_116 = tpu.vector_load %arg6[%swap3A_114, %swap3A_115] {strides = array<i32>} : memref<80x128xf32, #tpu.memory_space<vmem>>, vector<1x16xf32>,
        %swap3A_117 = vector.shape_cast %swap3A_116 : vector<1x16xf32> to vector<16xf32>
        %swap3A_118 = vector.shape_cast %broadcast_in_dim3A_113 : vector<16xf32> to vector<1x16xf32>
        tpu.vector_store %arg6[%swap3A_114, %swap3A_115], %swap3A_118 {strides = array<i32>} : memref<80x128xf32, #tpu.memory_space<vmem>>, vector<1x16xf32>,
        %broadcast_in_dim3A_119 = arith.constant 0.000000e+00 : f32
        %broadcast_in_dim3A_120 = vector.broadcast %broadcast_in_dim3A_119 : f32 to vector<16xf32>
        %swap3A_121 = arith.index_cast %add3A_78 : i32 to index
        %swap3A_122 = arith.constant 96 : index
        %swap3A_123 = tpu.vector_load %arg6[%swap3A_121, %swap3A_122] {strides = array<i32>} : memref<80x128xf32, #tpu.memory_space<vmem>>, vector<1x16xf32>,
        %swap3A_124 = vector.shape_cast %swap3A_123 : vector<1x16xf32> to vector<16xf32>
        %swap3A_125 = vector.shape_cast %broadcast_in_dim3A_120 : vector<16xf32> to vector<1x16xf32>
        tpu.vector_store %arg6[%swap3A_121, %swap3A_122], %swap3A_125 {strides = array<i32>} : memref<80x128xf32, #tpu.memory_space<vmem>>, vector<1x16xf32>,
        %broadcast_in_dim3A_126 = arith.constant 0.000000e+00 : f32
        %broadcast_in_dim3A_127 = vector.broadcast %broadcast_in_dim3A_126 : f32 to vector<16xf32>
        %swap3A_128 = arith.index_cast %add3A_78 : i32 to index
        %swap3A_129 = arith.constant 112 : index
        %swap3A_130 = tpu.vector_load %arg6[%swap3A_128, %swap3A_129] {strides = array<i32>} : memref<80x128xf32, #tpu.memory_space<vmem>>, vector<1x16xf32>,
        %swap3A_131 = vector.shape_cast %swap3A_130 : vector<1x16xf32> to vector<16xf32>
        %swap3A_132 = vector.shape_cast %broadcast_in_dim3A_127 : vector<16xf32> to vector<1x16xf32>
        tpu.vector_store %arg6[%swap3A_128, %swap3A_129], %swap3A_132 {strides = array<i32>} : memref<80x128xf32, #tpu.memory_space<vmem>>, vector<1x16xf32>,
      }
      %scan3A_68 = arith.constant 80 : i32
      %scan3A_69 = arith.constant 0 : i32
      %scan3A_70 = arith.constant 32 : i32
      %scan3A_71 = arith.addi %scan3A_69, %scan3A_70 : i32
      %scan3A_72 = arith.constant 1 : i32
      scf.for %scan3A_74 = %scan3A_69 to %scan3A_71 step %scan3A_72  : i32 {
        %mul3A_75 = arith.constant 1 : i32
        %mul3A_76 = arith.muli %scan3A_74, %mul3A_75 : i32
        %add3A_77 = arith.constant 0 : i32
        %add3A_78 = arith.addi %add3A_77, %mul3A_76 : i32
        %dma_start3A = arith.constant 3 : i32
        %dma_start3A_79 = arith.constant 0 : i32
        %dma_start3A_80 = tpu.memref_slice %arg5[%add3A_78, %dma_start3A, %dma_start3A_79] : memref<32x4x80xi32, #tpu.memory_space<vmem>> -> memref<1x1x80xi32, #tpu.memory_space<vmem>>
        %dma_start3A_81 = tpu.memref_squeeze %dma_start3A_80 : memref<1x1x80xi32, #tpu.memory_space<vmem>> -> memref<80xi32, #tpu.memory_space<vmem>>
        %dma_start3A_82 = arith.constant 0 : i32
        %dma_start3A_83 = arith.constant 0 : i32
        %dma_start3A_84 = tpu.memref_slice %arg9[%dma_start3A_82, %dma_start3A_83] : memref<10000x128xf32, #tpu.memory_space<vmem_shared>> -> memref<10000x128xf32, #tpu.memory_space<vmem_shared>>
        tpu.enqueue_indirect_dma source(%dma_start3A_84 : memref<10000x128xf32, #tpu.memory_space<vmem_shared>>) target(%arg6 : memref<80x128xf32, #tpu.memory_space<vmem>>) offsets(%dma_start3A_81 : memref<80xi32, #tpu.memory_space<vmem>>) semaphore(%arg10 : memref<!tpu.dma_semaphore, #tpu.memory_space<semaphore_mem>>) {add = true}
      }
      %scan3A_73 = arith.constant 32 : i32
    } else {
    }
    %add3A_44 = arith.constant 1 : i32
    %add3A_45 = arith.addi %mul3A_8, %add3A_44 : i32
    %lt3A_46 = arith.constant 125 : i32
    %lt3A_47 = arith.cmpi slt, %add3A_45, %lt3A_46 : i32
    %convert_element_type3A_48 = arith.extui %lt3A_47 : i1 to i32
    %cond3A_49 = arith.constant 0 : i32
    %cond3A_50 = arith.cmpi ne, %convert_element_type3A_48, %cond3A_49 : i32
    scf.if %cond3A_50 {
      %scan3A = arith.constant 0 : i32
      %scan3A_65 = arith.constant 32 : i32
      %scan3A_66 = arith.addi %scan3A, %scan3A_65 : i32
      %scan3A_67 = arith.constant 1 : i32
      scf.for %scan3A_79 = %scan3A to %scan3A_66 step %scan3A_67  : i32 {
        %mul3A_80 = arith.constant 1 : i32
        %mul3A_81 = arith.muli %scan3A_79, %mul3A_80 : i32
        %add3A_82 = arith.constant 0 : i32
        %add3A_83 = arith.addi %add3A_82, %mul3A_81 : i32
        %dma_wait3A_84 = arith.constant 0 : i32
        %dma_wait3A_85 = arith.constant 0 : i32
        %dma_wait3A_86 = arith.constant 0 : i32
        %dma_wait3A_87 = tpu.memref_slice %arg5[%dma_wait3A_84, %dma_wait3A_85, %dma_wait3A_86] : memref<32x4x80xi32, #tpu.memory_space<vmem>> -> memref<1x1x80xi32, #tpu.memory_space<vmem>>
        %dma_wait3A_88 = tpu.memref_squeeze %dma_wait3A_87 : memref<1x1x80xi32, #tpu.memory_space<vmem>> -> memref<80xi32, #tpu.memory_space<vmem>>
        %dma_wait3A_89 = arith.constant 0 : i32
        %dma_wait3A_90 = arith.constant 0 : i32
        %dma_wait3A_91 = tpu.memref_slice %arg9[%dma_wait3A_89, %dma_wait3A_90] : memref<10000x128xf32, #tpu.memory_space<vmem_shared>> -> memref<10000x128xf32, #tpu.memory_space<vmem_shared>>
        tpu.wait_indirect_dma semaphore(%arg11 : memref<!tpu.dma_semaphore, #tpu.memory_space<semaphore_mem>>) src(%dma_wait3A_91 : memref<10000x128xf32, #tpu.memory_space<vmem_shared>>) dst(%arg7 : memref<80x128xf32, #tpu.memory_space<vmem>>)
      }
      %scan3A_68 = arith.constant 32 : i32
      %add3A_69 = arith.constant 1 : i32
      %add3A_70 = arith.addi %mul3A_8, %add3A_69 : i32
      %mul3A_71 = arith.constant 80 : i32
      %mul3A_72 = arith.muli %add3A_70, %mul3A_71 : i32
      %dma_start3A = arith.constant 0 : i32
      %dma_start3A_73 = tpu.memref_slice %arg4[%mul3A_72, %dma_start3A] : memref<10000x128xf32, #tpu.memory_space<hbm>> -> memref<80x128xf32, #tpu.memory_space<hbm>>
      %dma_start3A_74 = arith.constant 0 : i32
      %dma_start3A_75 = tpu.memref_slice %arg4[%mul3A_72, %dma_start3A_74] : memref<10000x128xf32, #tpu.memory_space<hbm>> -> memref<80x128xf32, #tpu.memory_space<hbm>>
      tpu.enqueue_dma source(%arg7 : memref<80x128xf32, #tpu.memory_space<vmem>>) target(%dma_start3A_75 : memref<80x128xf32, #tpu.memory_space<hbm>>) target_semaphore(%arg13 : memref<!tpu.dma_semaphore, #tpu.memory_space<semaphore_mem>>)
      %dma_wait3A = arith.constant 0 : i32
      %dma_wait3A_76 = tpu.memref_slice %arg4[%mul3A_72, %dma_wait3A] : memref<10000x128xf32, #tpu.memory_space<hbm>> -> memref<80x128xf32, #tpu.memory_space<hbm>>
      %dma_wait3A_77 = arith.constant 0 : i32
      %dma_wait3A_78 = tpu.memref_slice %arg4[%mul3A_72, %dma_wait3A_77] : memref<10000x128xf32, #tpu.memory_space<hbm>> -> memref<80x128xf32, #tpu.memory_space<hbm>>
      tpu.wait_dma2 semaphore(%arg13 : memref<!tpu.dma_semaphore, #tpu.memory_space<semaphore_mem>>) src(%arg7 : memref<80x128xf32, #tpu.memory_space<vmem>>) dst(%dma_wait3A_78 : memref<80x128xf32, #tpu.memory_space<hbm>>)
    } else {
    }
    %add3A_51 = arith.constant 2 : i32
    %add3A_52 = arith.addi %mul3A_8, %add3A_51 : i32
    %lt3A_53 = arith.constant 125 : i32
    %lt3A_54 = arith.cmpi slt, %add3A_52, %lt3A_53 : i32
    %convert_element_type3A_55 = arith.extui %lt3A_54 : i1 to i32
    %cond3A_56 = arith.constant 0 : i32
    %cond3A_57 = arith.cmpi ne, %convert_element_type3A_55, %cond3A_56 : i32
    scf.if %cond3A_57 {
      %scan3A = arith.constant 0 : i32
      %scan3A_65 = arith.constant 32 : i32
      %scan3A_66 = arith.addi %scan3A, %scan3A_65 : i32
      %scan3A_67 = arith.constant 1 : i32
      scf.for %scan3A_79 = %scan3A to %scan3A_66 step %scan3A_67  : i32 {
        %mul3A_80 = arith.constant 1 : i32
        %mul3A_81 = arith.muli %scan3A_79, %mul3A_80 : i32
        %add3A_82 = arith.constant 0 : i32
        %add3A_83 = arith.addi %add3A_82, %mul3A_81 : i32
        %dma_wait3A_84 = arith.constant 0 : i32
        %dma_wait3A_85 = arith.constant 0 : i32
        %dma_wait3A_86 = arith.constant 0 : i32
        %dma_wait3A_87 = tpu.memref_slice %arg5[%dma_wait3A_84, %dma_wait3A_85, %dma_wait3A_86] : memref<32x4x80xi32, #tpu.memory_space<vmem>> -> memref<1x1x80xi32, #tpu.memory_space<vmem>>
        %dma_wait3A_88 = tpu.memref_squeeze %dma_wait3A_87 : memref<1x1x80xi32, #tpu.memory_space<vmem>> -> memref<80xi32, #tpu.memory_space<vmem>>
        %dma_wait3A_89 = arith.constant 0 : i32
        %dma_wait3A_90 = arith.constant 0 : i32
        %dma_wait3A_91 = tpu.memref_slice %arg9[%dma_wait3A_89, %dma_wait3A_90] : memref<10000x128xf32, #tpu.memory_space<vmem_shared>> -> memref<10000x128xf32, #tpu.memory_space<vmem_shared>>
        tpu.wait_indirect_dma semaphore(%arg12 : memref<!tpu.dma_semaphore, #tpu.memory_space<semaphore_mem>>) src(%dma_wait3A_91 : memref<10000x128xf32, #tpu.memory_space<vmem_shared>>) dst(%arg8 : memref<80x128xf32, #tpu.memory_space<vmem>>)
      }
      %scan3A_68 = arith.constant 32 : i32
      %add3A_69 = arith.constant 2 : i32
      %add3A_70 = arith.addi %mul3A_8, %add3A_69 : i32
      %mul3A_71 = arith.constant 80 : i32
      %mul3A_72 = arith.muli %add3A_70, %mul3A_71 : i32
      %dma_start3A = arith.constant 0 : i32
      %dma_start3A_73 = tpu.memref_slice %arg4[%mul3A_72, %dma_start3A] : memref<10000x128xf32, #tpu.memory_space<hbm>> -> memref<80x128xf32, #tpu.memory_space<hbm>>
      %dma_start3A_74 = arith.constant 0 : i32
      %dma_start3A_75 = tpu.memref_slice %arg4[%mul3A_72, %dma_start3A_74] : memref<10000x128xf32, #tpu.memory_space<hbm>> -> memref<80x128xf32, #tpu.memory_space<hbm>>
      tpu.enqueue_dma source(%arg8 : memref<80x128xf32, #tpu.memory_space<vmem>>) target(%dma_start3A_75 : memref<80x128xf32, #tpu.memory_space<hbm>>) target_semaphore(%arg13 : memref<!tpu.dma_semaphore, #tpu.memory_space<semaphore_mem>>)
      %dma_wait3A = arith.constant 0 : i32
      %dma_wait3A_76 = tpu.memref_slice %arg4[%mul3A_72, %dma_wait3A] : memref<10000x128xf32, #tpu.memory_space<hbm>> -> memref<80x128xf32, #tpu.memory_space<hbm>>
      %dma_wait3A_77 = arith.constant 0 : i32
      %dma_wait3A_78 = tpu.memref_slice %arg4[%mul3A_72, %dma_wait3A_77] : memref<10000x128xf32, #tpu.memory_space<hbm>> -> memref<80x128xf32, #tpu.memory_space<hbm>>
      tpu.wait_dma2 semaphore(%arg13 : memref<!tpu.dma_semaphore, #tpu.memory_space<semaphore_mem>>) src(%arg8 : memref<80x128xf32, #tpu.memory_space<vmem>>) dst(%dma_wait3A_78 : memref<80x128xf32, #tpu.memory_space<hbm>>)
    } else {
    }
    %add3A_58 = arith.constant 3 : i32
    %add3A_59 = arith.addi %mul3A_8, %add3A_58 : i32
    %lt3A_60 = arith.constant 125 : i32
    %lt3A_61 = arith.cmpi slt, %add3A_59, %lt3A_60 : i32
    %convert_element_type3A_62 = arith.extui %lt3A_61 : i1 to i32
    %cond3A_63 = arith.constant 0 : i32
    %cond3A_64 = arith.cmpi ne, %convert_element_type3A_62, %cond3A_63 : i32
    scf.if %cond3A_64 {
      %scan3A = arith.constant 0 : i32
      %scan3A_65 = arith.constant 32 : i32
      %scan3A_66 = arith.addi %scan3A, %scan3A_65 : i32
      %scan3A_67 = arith.constant 1 : i32
      scf.for %scan3A_79 = %scan3A to %scan3A_66 step %scan3A_67  : i32 {
        %mul3A_80 = arith.constant 1 : i32
        %mul3A_81 = arith.muli %scan3A_79, %mul3A_80 : i32
        %add3A_82 = arith.constant 0 : i32
        %add3A_83 = arith.addi %add3A_82, %mul3A_81 : i32
        %dma_wait3A_84 = arith.constant 0 : i32
        %dma_wait3A_85 = arith.constant 0 : i32
        %dma_wait3A_86 = arith.constant 0 : i32
        %dma_wait3A_87 = tpu.memref_slice %arg5[%dma_wait3A_84, %dma_wait3A_85, %dma_wait3A_86] : memref<32x4x80xi32, #tpu.memory_space<vmem>> -> memref<1x1x80xi32, #tpu.memory_space<vmem>>
        %dma_wait3A_88 = tpu.memref_squeeze %dma_wait3A_87 : memref<1x1x80xi32, #tpu.memory_space<vmem>> -> memref<80xi32, #tpu.memory_space<vmem>>
        %dma_wait3A_89 = arith.constant 0 : i32
        %dma_wait3A_90 = arith.constant 0 : i32
        %dma_wait3A_91 = tpu.memref_slice %arg9[%dma_wait3A_89, %dma_wait3A_90] : memref<10000x128xf32, #tpu.memory_space<vmem_shared>> -> memref<10000x128xf32, #tpu.memory_space<vmem_shared>>
        tpu.wait_indirect_dma semaphore(%arg10 : memref<!tpu.dma_semaphore, #tpu.memory_space<semaphore_mem>>) src(%dma_wait3A_91 : memref<10000x128xf32, #tpu.memory_space<vmem_shared>>) dst(%arg6 : memref<80x128xf32, #tpu.memory_space<vmem>>)
      }
      %scan3A_68 = arith.constant 32 : i32
      %add3A_69 = arith.constant 3 : i32
      %add3A_70 = arith.addi %mul3A_8, %add3A_69 : i32
      %mul3A_71 = arith.constant 80 : i32
      %mul3A_72 = arith.muli %add3A_70, %mul3A_71 : i32
      %dma_start3A = arith.constant 0 : i32
      %dma_start3A_73 = tpu.memref_slice %arg4[%mul3A_72, %dma_start3A] : memref<10000x128xf32, #tpu.memory_space<hbm>> -> memref<80x128xf32, #tpu.memory_space<hbm>>
      %dma_start3A_74 = arith.constant 0 : i32
      %dma_start3A_75 = tpu.memref_slice %arg4[%mul3A_72, %dma_start3A_74] : memref<10000x128xf32, #tpu.memory_space<hbm>> -> memref<80x128xf32, #tpu.memory_space<hbm>>
      tpu.enqueue_dma source(%arg6 : memref<80x128xf32, #tpu.memory_space<vmem>>) target(%dma_start3A_75 : memref<80x128xf32, #tpu.memory_space<hbm>>) target_semaphore(%arg13 : memref<!tpu.dma_semaphore, #tpu.memory_space<semaphore_mem>>)
      %dma_wait3A = arith.constant 0 : i32
      %dma_wait3A_76 = tpu.memref_slice %arg4[%mul3A_72, %dma_wait3A] : memref<10000x128xf32, #tpu.memory_space<hbm>> -> memref<80x128xf32, #tpu.memory_space<hbm>>
      %dma_wait3A_77 = arith.constant 0 : i32
      %dma_wait3A_78 = tpu.memref_slice %arg4[%mul3A_72, %dma_wait3A_77] : memref<10000x128xf32, #tpu.memory_space<hbm>> -> memref<80x128xf32, #tpu.memory_space<hbm>>
      tpu.wait_dma2 semaphore(%arg13 : memref<!tpu.dma_semaphore, #tpu.memory_space<semaphore_mem>>) src(%arg6 : memref<80x128xf32, #tpu.memory_space<vmem>>) dst(%dma_wait3A_78 : memref<80x128xf32, #tpu.memory_space<hbm>>)
    } else {
    }
    return
  }
}

module attributes {stable_mosaic.version = 14 : i64} {
  func.func @_stage_a_body(%arg0: i32, %arg1: memref<5000x128xf32, #tpu.memory_space<vmem>>, %arg2: memref<128x128xf32, #tpu.memory_space<vmem>>, %arg3: memref<128x128xf32, #tpu.memory_space<vmem>>, %arg4: memref<5000x128xf32, #tpu.memory_space<vmem>>) attributes {dimension_semantics = [#tpu.dimension_semantics<arbitrary>], iteration_bounds = array<i64: 2>, scalar_prefetch = 0 : i64, scratch_operands = 0 : i64, tpu.core_type = #tpu.core_type<tc>, window_params = [{transform_indices = @transform_0, window_bounds = array<i64: 5000, 128>}, {pipeline_mode = #tpu.pipeline_mode<synchronous>, transform_indices = @transform_1, window_bounds = array<i64: 128, 128>}, {pipeline_mode = #tpu.pipeline_mode<synchronous>, transform_indices = @transform_2, window_bounds = array<i64: 128, 128>}, {transform_indices = @transform_3, window_bounds = array<i64: 5000, 128>}]} {
    %get3A = arith.constant 0 : index
    %get3A_0 = arith.constant 0 : index
    %get3A_1 = vector.load %arg1[%get3A, %get3A_0] : memref<5000x128xf32, #tpu.memory_space<vmem>>, vector<5000x128xf32>
    %get3A_2 = arith.constant 0 : index
    %get3A_3 = arith.constant 0 : index
    %get3A_4 = vector.load %arg2[%get3A_2, %get3A_3] : memref<128x128xf32, #tpu.memory_space<vmem>>, vector<128x128xf32>
    %dot_general3A = arith.constant dense<0.000000e+00> : vector<5000x128xf32>
    %dot_general3A_5 = tpu.matmul %get3A_1, %get3A_4, %dot_general3A {dimension_numbers = #tpu.dot_dimension_numbers<[1], [1], [0], [0], [0, 0, 1, 0], [], []>, transpose_lhs_hint = false} : vector<5000x128xf32>, vector<128x128xf32>, vector<5000x128xf32> -> vector<5000x128xf32>
    %max3A = arith.constant 0.000000e+00 : f32
    %max3A_6 = vector.broadcast %max3A : f32 to vector<5000x128xf32>
    %max3A_7 = arith.maximumf %dot_general3A_5, %max3A_6 : vector<5000x128xf32>
    %get3A_8 = arith.constant 0 : index
    %get3A_9 = arith.constant 0 : index
    %get3A_10 = vector.load %arg3[%get3A_8, %get3A_9] : memref<128x128xf32, #tpu.memory_space<vmem>>, vector<128x128xf32>
    %dot_general3A_11 = arith.constant dense<0.000000e+00> : vector<5000x128xf32>
    %dot_general3A_12 = tpu.matmul %max3A_7, %get3A_10, %dot_general3A_11 {dimension_numbers = #tpu.dot_dimension_numbers<[1], [1], [0], [0], [0, 0, 1, 0], [], []>, transpose_lhs_hint = false} : vector<5000x128xf32>, vector<128x128xf32>, vector<5000x128xf32> -> vector<5000x128xf32>
    %swap3A = arith.constant 0 : index
    %swap3A_13 = arith.constant 0 : index
    %swap3A_14 = vector.load %arg4[%swap3A, %swap3A_13] : memref<5000x128xf32, #tpu.memory_space<vmem>>, vector<5000x128xf32>
    tpu.vector_store %arg4[%swap3A, %swap3A_13], %dot_general3A_12 {strides = array<i32>} : memref<5000x128xf32, #tpu.memory_space<vmem>>, vector<5000x128xf32>,
    return
  }
  func.func @transform_0(%arg0: i32) -> (i32, i32) {
    %c0_i32 = arith.constant 0 : i32
    %c0_i32_0 = arith.constant 0 : i32
    return %arg0, %c0_i32 : i32, i32
  }
  func.func @transform_1(%arg0: i32) -> (i32, i32) {
    %c0_i32 = arith.constant 0 : i32
    %c0_i32_0 = arith.constant 0 : i32
    %c0_i32_1 = arith.constant 0 : i32
    return %c0_i32, %c0_i32_0 : i32, i32
  }
  func.func @transform_2(%arg0: i32) -> (i32, i32) {
    %c0_i32 = arith.constant 0 : i32
    %c0_i32_0 = arith.constant 0 : i32
    %c0_i32_1 = arith.constant 0 : i32
    return %c0_i32, %c0_i32_0 : i32, i32
  }
  func.func @transform_3(%arg0: i32) -> (i32, i32) {
    %c0_i32 = arith.constant 0 : i32
    %c0_i32_0 = arith.constant 0 : i32
    return %arg0, %c0_i32 : i32, i32
  }
}

module attributes {stable_mosaic.version = 14 : i64} {
  func.func @_stage_b_body(%arg0: i32, %arg1: memref<5000x128xf32, #tpu.memory_space<vmem>>, %arg2: memref<1x128xf32, #tpu.memory_space<vmem>>, %arg3: memref<128x128xf32, #tpu.memory_space<vmem>>, %arg4: memref<5000x128xf32, #tpu.memory_space<vmem>>) attributes {dimension_semantics = [#tpu.dimension_semantics<arbitrary>], iteration_bounds = array<i64: 2>, scalar_prefetch = 0 : i64, scratch_operands = 0 : i64, tpu.core_type = #tpu.core_type<tc>, window_params = [{transform_indices = @transform_0, window_bounds = array<i64: 5000, 128>}, {pipeline_mode = #tpu.pipeline_mode<synchronous>, transform_indices = @transform_1, window_bounds = array<i64: 1, 128>}, {pipeline_mode = #tpu.pipeline_mode<synchronous>, transform_indices = @transform_2, window_bounds = array<i64: 128, 128>}, {transform_indices = @transform_3, window_bounds = array<i64: 5000, 128>}]} {
    %get3A = arith.constant 0 : index
    %get3A_0 = arith.constant 0 : index
    %get3A_1 = vector.load %arg1[%get3A, %get3A_0] : memref<5000x128xf32, #tpu.memory_space<vmem>>, vector<5000x128xf32>
    %mul3A = arith.constant 3.125000e-02 : f32
    %mul3A_2 = vector.broadcast %mul3A : f32 to vector<5000x128xf32>
    %mul3A_3 = arith.mulf %get3A_1, %mul3A_2 : vector<5000x128xf32>
    %get3A_4 = arith.constant 0 : index
    %get3A_5 = arith.constant 0 : index
    %get3A_6 = vector.load %arg2[%get3A_4, %get3A_5] : memref<1x128xf32, #tpu.memory_space<vmem>>, vector<1x128xf32>
    %add3A = vector.broadcast %get3A_6 : vector<1x128xf32> to vector<5000x128xf32>
    %add3A_7 = arith.addf %mul3A_3, %add3A : vector<5000x128xf32>
    %max3A = arith.constant 0.000000e+00 : f32
    %max3A_8 = vector.broadcast %max3A : f32 to vector<5000x128xf32>
    %max3A_9 = arith.maximumf %add3A_7, %max3A_8 : vector<5000x128xf32>
    %get3A_10 = arith.constant 0 : index
    %get3A_11 = arith.constant 0 : index
    %get3A_12 = vector.load %arg3[%get3A_10, %get3A_11] : memref<128x128xf32, #tpu.memory_space<vmem>>, vector<128x128xf32>
    %dot_general3A = arith.constant dense<0.000000e+00> : vector<5000x128xf32>
    %dot_general3A_13 = tpu.matmul %max3A_9, %get3A_12, %dot_general3A {dimension_numbers = #tpu.dot_dimension_numbers<[1], [1], [0], [0], [0, 0, 1, 0], [], []>, transpose_lhs_hint = false} : vector<5000x128xf32>, vector<128x128xf32>, vector<5000x128xf32> -> vector<5000x128xf32>
    %swap3A = arith.constant 0 : index
    %swap3A_14 = arith.constant 0 : index
    %swap3A_15 = vector.load %arg4[%swap3A, %swap3A_14] : memref<5000x128xf32, #tpu.memory_space<vmem>>, vector<5000x128xf32>
    tpu.vector_store %arg4[%swap3A, %swap3A_14], %dot_general3A_13 {strides = array<i32>} : memref<5000x128xf32, #tpu.memory_space<vmem>>, vector<5000x128xf32>,
    return
  }
  func.func @transform_0(%arg0: i32) -> (i32, i32) {
    %c0_i32 = arith.constant 0 : i32
    %c0_i32_0 = arith.constant 0 : i32
    return %arg0, %c0_i32 : i32, i32
  }
  func.func @transform_1(%arg0: i32) -> (i32, i32) {
    %c0_i32 = arith.constant 0 : i32
    %c0_i32_0 = arith.constant 0 : i32
    %c0_i32_1 = arith.constant 0 : i32
    return %c0_i32, %c0_i32_0 : i32, i32
  }
  func.func @transform_2(%arg0: i32) -> (i32, i32) {
    %c0_i32 = arith.constant 0 : i32
    %c0_i32_0 = arith.constant 0 : i32
    %c0_i32_1 = arith.constant 0 : i32
    return %c0_i32, %c0_i32_0 : i32, i32
  }
  func.func @transform_3(%arg0: i32) -> (i32, i32) {
    %c0_i32 = arith.constant 0 : i32
    %c0_i32_0 = arith.constant 0 : i32
    return %arg0, %c0_i32 : i32, i32
  }
}

module attributes {stable_mosaic.version = 14 : i64} {
  func.func @_stage_c_body(%arg0: i32, %arg1: memref<5000x128xf32, #tpu.memory_space<vmem>>, %arg2: memref<1x128xf32, #tpu.memory_space<vmem>>, %arg3: memref<5000x128xf32, #tpu.memory_space<vmem>>) attributes {dimension_semantics = [#tpu.dimension_semantics<arbitrary>], iteration_bounds = array<i64: 2>, scalar_prefetch = 0 : i64, scratch_operands = 0 : i64, tpu.core_type = #tpu.core_type<tc>, window_params = [{transform_indices = @transform_0, window_bounds = array<i64: 5000, 128>}, {pipeline_mode = #tpu.pipeline_mode<synchronous>, transform_indices = @transform_1, window_bounds = array<i64: 1, 128>}, {transform_indices = @transform_2, window_bounds = array<i64: 5000, 128>}]} {
    %get3A = arith.constant 0 : index
    %get3A_0 = arith.constant 0 : index
    %get3A_1 = vector.load %arg1[%get3A, %get3A_0] : memref<5000x128xf32, #tpu.memory_space<vmem>>, vector<5000x128xf32>
    %mul3A = arith.constant 3.125000e-02 : f32
    %mul3A_2 = vector.broadcast %mul3A : f32 to vector<5000x128xf32>
    %mul3A_3 = arith.mulf %get3A_1, %mul3A_2 : vector<5000x128xf32>
    %get3A_4 = arith.constant 0 : index
    %get3A_5 = arith.constant 0 : index
    %get3A_6 = vector.load %arg2[%get3A_4, %get3A_5] : memref<1x128xf32, #tpu.memory_space<vmem>>, vector<1x128xf32>
    %add3A = vector.broadcast %get3A_6 : vector<1x128xf32> to vector<5000x128xf32>
    %add3A_7 = arith.addf %mul3A_3, %add3A : vector<5000x128xf32>
    %mul3A_8 = arith.mulf %add3A_7, %add3A_7 : vector<5000x128xf32>
    %reduce_sum3A = arith.constant dense<0.000000e+00> : vector<5000xf32>
    %reduce_sum3A_9 = vector.multi_reduction <add>, %mul3A_8, %reduce_sum3A [1] : vector<5000x128xf32> to vector<5000xf32>
    %broadcast_in_dim3A = vector.shape_cast %reduce_sum3A_9 : vector<5000xf32> to vector<5000x1xf32>
    %sqrt3A = math.sqrt %broadcast_in_dim3A : vector<5000x1xf32>
    %div3A = vector.broadcast %sqrt3A : vector<5000x1xf32> to vector<5000x128xf32>
    %div3A_10 = arith.divf %add3A_7, %div3A : vector<5000x128xf32>
    %swap3A = arith.constant 0 : index
    %swap3A_11 = arith.constant 0 : index
    %swap3A_12 = vector.load %arg3[%swap3A, %swap3A_11] : memref<5000x128xf32, #tpu.memory_space<vmem>>, vector<5000x128xf32>
    tpu.vector_store %arg3[%swap3A, %swap3A_11], %div3A_10 {strides = array<i32>} : memref<5000x128xf32, #tpu.memory_space<vmem>>, vector<5000x128xf32>,
    return
  }
  func.func @transform_0(%arg0: i32) -> (i32, i32) {
    %c0_i32 = arith.constant 0 : i32
    %c0_i32_0 = arith.constant 0 : i32
    return %arg0, %c0_i32 : i32, i32
  }
  func.func @transform_1(%arg0: i32) -> (i32, i32) {
    %c0_i32 = arith.constant 0 : i32
    %c0_i32_0 = arith.constant 0 : i32
    %c0_i32_1 = arith.constant 0 : i32
    return %c0_i32, %c0_i32_0 : i32, i32
  }
  func.func @transform_2(%arg0: i32) -> (i32, i32) {
    %c0_i32 = arith.constant 0 : i32
    %c0_i32_0 = arith.constant 0 : i32
    return %arg0, %c0_i32 : i32, i32
  }
}

</mosaic_0001>

<sc_bundles>
// kernel: kernel.10.cloned.1.call-start
scs
__scs_entry_jumppad:
0x0: {  	(pc) =	sbr.rel $0x88, $3  }
0x1: {  	(tag) =	ssettag $0x0;
	lr =	simm.s32 $0x1  }
0x2: {  	[smem:$0x3F9A] =	sst lr;
	_ =	strace $0xD0000000  }
0x3: {  	_ = 	snop  }
0x4: {  	_ = 	snop  }
0x5: {  	_ = 	snop  }
0x6: {  	_ = 	snop  }
0x7: {  	_ = 	snop  }
__scs_overlays_trampoline_lowered:
0x8: {  	[smem:$0x3FA9] =	sst s0  }
0x9: {  	[smem:$0x3FAA] =	sst s1  }
0xa: {  	[smem:$0x3FAB] =	sst s2  }
0xb: {  	[smem:$0x3FAC] =	sst s3  }
0xc: {  	[smem:$0x3FAD] =	sst s4  }
0xd: {  	[smem:$0x3FAE] =	sst s5  }
0xe: {  	[smem:$0x3FAF] =	sst s6  }
0xf: {  	[smem:$0x3FB0] =	sst s7  }
0x10: {  	[smem:$0x3FB1] =	sst s8  }
0x11: {  	[smem:$0x3FB2] =	sst s9;
	s0 =	simm.s32 @!p0 $0x0  }
0x12: {  	s1 =	sld [smem:$0x3F98];
	s0 =	simm.s32 @p0 $0x1  }
0x13: {  	[smem:$0x3FB3] =	sst s0;
	s0 =	simm.s32 @!p1 $0x0  }
0x14: {  	s2 =	sld [smem:$0x3F97];
	s0 =	simm.s32 @p1 $0x1  }
0x15: {  	[smem:$0x3FB4] =	sst s0;
	s0 =	simm.s32 @!p2 $0x0  }
0x16: {  	s3 =	sld [smem:$0x3FDB];
	s0 =	simm.s32 @p2 $0x1  }
0x17: {  	s4 =	simm.s32 $0x1BF5;
	[smem:$0x3FB6] =	sst s0  }
0x18: {  	s0 =	sld [smem:$0x3F99];
	_ =	swait.ge [sflag:s4], $0x0  }
0x19: {  	s7 =	sld [smem:$0x3F9A]  }
0x1a: {  	s8 =	sadd.s32 $0xFFFFE003, lr  }
0x1b: {  	s9 =	sadd.s32 $0xFFFFFEF7, lr;
	s5 =	simm.s32 $0xFFFFFFFF;
	p2 =	slt.u32 s8, $0xFFFFF086  }
0x1c: {  	p1 =	slt.u32 s9, $0xF7A;
	s5 =	simm.s32 @!p2 $0x0  }
0x1d: {  	s5 =	simm.s32 @p1 $0x1;
	p0 =	seq.s32 s7, s2  }
0x1e: {  	s7 =	smul.u32 @!p0 $0xF7A, s2;
	p2 =	seq.s32 @!p0 s5, $0x0  }
0x1f: {  	s9 =	smul.u32 $0xF7A, s1;
	s8 =	simm.s32 @!p0 $0x1BF5;
	p2 =	por !p2, p0  }
0x20: {  	[sflag:s8] =	ssyncset.s32 @!p0 $0xFFFFF086;
	s6 =	sadd.s32 @!p0 s3, s7;
	s7 =	simm.s32 @!p0 $0x108  }
0x21: {  	s3 =	sadd.s32 s3, s9;
	s6 =	sadd.s32 @!p0 $0x88, s6;
	s7 =	simm.s32 @p2 $0x1082  }
0x22: {  	[simem:s7], [sflag:s8] =	dma.local @!p0 [hbm:s6], $0xF7A  }
0x23: {  	s9 =	sor.u32 $0xD0000000, s2;
	s6 =	simm.s32 $0x108;
	_ =	swait.ge @!p0 [sflag:s8], $0x0  }
0x24: {  	s3 =	sadd.s32 $0x88, s3;
	s6 =	simm.s32 @!p1 $0x1082;
	[sflag:s4] =	ssyncset.s32 $0xFFFFF086  }
0x25: {  	[simem:s6], [sflag:s4] =	dma.local [hbm:s3], $0xF7A  }
0x26: {  	[smem:$0x3F9A] =	sst s1;
	(tag) =	ssettag s2;
	_ =	strace s9  }
0x27: {  	s1 =	sld [smem:$0x3FAA]  }
0x28: {  	s2 =	sld [smem:$0x3FAB]  }
0x29: {  	s4 =	sld [smem:$0x3FAD]  }
0x2a: {  	p0 =	seq.s32 s5, $0x0;
	s5 =	sld [smem:$0x3FAE]  }
0x2b: {  	s6 =	sld [smem:$0x3FAF]  }
0x2c: {  	s7 =	sld [smem:$0x3FB0]  }
0x2d: {  	s3 =	simm.s32 $0x108;
	s8 =	sld [smem:$0x3FB1]  }
0x2e: {  	s3 =	simm.s32 @!p0 $0x1082;
	s9 =	sld [smem:$0x3FB2]  }
0x2f: {  	lr =	sadd.s32 s0, s3;
	s0 =	sld [smem:$0x3FA9]  }
0x30: {  	s3 =	sld [smem:$0x3FAC]  }
0x31: {  	[smem:$0x3FB5] =	sst s10  }
0x32: {  	s10 =	sld [smem:$0x3FB3];
	_ =	sdelay $0x3  }
0x33: {  	p0 =	seq.s32 s10, $0x1;
	s10 =	sld [smem:$0x3FB5];
	_ =	sdelay $0x3  }
0x34: {  	[smem:$0x3FB5] =	sst s10  }
0x35: {  	s10 =	sld [smem:$0x3FB4];
	_ =	sdelay $0x3  }
0x36: {  	p1 =	seq.s32 s10, $0x1;
	s10 =	sld [smem:$0x3FB5];
	_ =	sdelay $0x3  }
0x37: {  	[smem:$0x3FB5] =	sst s10  }
0x38: {  	s10 =	sld [smem:$0x3FB6]  }
0x39: {  	_ = 	snop;
	(pc) =	sbr.ind lr, $3  }
0x3a: {  	_ = 	snop  }
0x3b: {  	_ = 	snop  }
0x3c: {  	p2 =	seq.s32 s10, $0x1;
	s10 =	sld [smem:$0x3FB5]  }
0x3d: {  	_ =	shalt  }
0x3e: {  	_ =	shalt  }
0x3f: {  	_ =	shalt  }
0x40: {  	_ =	shalt  }
0x41: {  	_ =	shalt  }
0x42: {  	_ =	shalt  }
0x43: {  	_ =	shalt  }
0x44: {  	_ =	shalt  }
0x45: {  	_ =	shalt  }
0x46: {  	_ =	shalt  }
0x47: {  	_ =	shalt  }
0x48: {  	_ =	shalt  }
0x49: {  	_ =	shalt  }
0x4a: {  	_ =	shalt  }
0x4b: {  	_ =	shalt  }
0x4c: {  	_ =	shalt  }
0x4d: {  	_ =	shalt  }
0x4e: {  	_ =	shalt  }
0x4f: {  	_ =	shalt  }
0x50: {  	_ =	shalt  }
0x51: {  	_ =	shalt  }
0x52: {  	_ =	shalt  }
0x53: {  	_ =	shalt  }
0x54: {  	_ =	shalt  }
0x55: {  	_ =	shalt  }
0x56: {  	_ =	shalt  }
0x57: {  	_ =	shalt  }
0x58: {  	_ =	shalt  }
0x59: {  	_ =	shalt  }
0x5a: {  	_ =	shalt  }
0x5b: {  	_ =	shalt  }
0x5c: {  	_ =	shalt  }
0x5d: {  	_ =	shalt  }
0x5e: {  	_ =	shalt  }
0x5f: {  	_ =	shalt  }
0x60: {  	_ =	shalt  }
0x61: {  	_ =	shalt  }
0x62: {  	_ =	shalt  }
0x63: {  	_ =	shalt  }
0x64: {  	_ =	shalt  }
0x65: {  	_ =	shalt  }
0x66: {  	_ =	shalt  }
0x67: {  	_ =	shalt  }
0x68: {  	_ =	shalt  }
0x69: {  	_ =	shalt  }
0x6a: {  	_ =	shalt  }
0x6b: {  	_ =	shalt  }
0x6c: {  	_ =	shalt  }
0x6d: {  	_ =	shalt  }
0x6e: {  	_ =	shalt  }
0x6f: {  	_ =	shalt  }
0x70: {  	_ =	shalt  }
0x71: {  	_ =	shalt  }
0x72: {  	_ =	shalt  }
0x73: {  	_ =	shalt  }
0x74: {  	_ =	shalt  }
0x75: {  	_ =	shalt  }
0x76: {  	_ =	shalt  }
0x77: {  	_ =	shalt  }
0x78: {  	_ =	shalt  }
0x79: {  	_ =	shalt  }
0x7a: {  	_ =	shalt  }
0x7b: {  	_ =	shalt  }
0x7c: {  	_ =	shalt  }
0x7d: {  	_ =	shalt  }
0x7e: {  	_ =	shalt  }
0x7f: {  	_ =	shalt  }
0x80: {  	_ =	shalt  }
0x81: {  	_ =	shalt  }
0x82: {  	_ =	shalt  }
0x83: {  	_ =	shalt  }
0x84: {  	_ =	shalt  }
0x85: {  	_ =	shalt  }
0x86: {  	_ =	shalt  }
0x87: {  	_ =	shalt  }
.Lfunc_end0:
.L_simem_size_0:
called_computation.1_lowered:
.L_overlay_start_0:
0x88: {  	s2 =	sld [smem:$0x3FD9]  }
0x89: {  	s3 =	sld [smem:$0x3FFE];
	_ =	sdelay $0x1  }
0x8a: {  	s1 =	srdreg.scid  }
0x8b: {  	s0 =	sand.u32 $0x1, s1  }
0x8c: {  	s17 =	sshll.u32 s0, $0xA;
	s2 =	sadd.s32 s3, s2  }
0x8d: {  	s2 =	sadd.s32 s2, s17  }
0x8e: {  	[smem:$0x3FC1] =	sst s2  }
0x8f: {  	_ = 	snop  }
0x90: {  	s2 =	sld [smem:$0x3FD0];
	(tm) =	ssettm $0x1  }
0x91: {  	s18 =	sld [smem:$0x3FFB];
	_ =	sdelay $0x3  }
0x92: {  	_ =	strace s18  }
0x93: {  	s3 =	sld [smem:$0x3FFC];
	_ =	sdelay $0x3  }
0x94: {  	_ =	strace s3  }
0x95: {  	s3 =	sld [smem:$0x3FFD];
	_ =	sdelay $0x3  }
0x96: {  	_ =	strace s3  }
0x97: {  	_ =	strace $0x8FFFFFFF  }
0x98: {  	s19 =	sld [smem:$0x3FDB];
	_ =	sdelay $0x1  }
0x99: {  	s4 =	simm.s32 $_scs_section_size  }
0x9a: {  	s5 =	simm.s32 $_size__tile_overlayer_lowered;
	s6 =	simm.s32 $_tile_overlayer_lowered  }
0x9b: {  	s22 =	simm.s32 $0x1BFF;
	s21 =	sshll.u32 s6, $0x1;
	s3 =	sadd.s32 s4, s19  }
0x9c: {  	s7 =	simm.s32 $0x0;
	s20 =	sshll.u32 s5, $0x1;
	s5 =	sadd.s32 s21, s3  }
0x9d: {  	[timem:s7], [sflag:s22] =	dma.local [hbm:s5], s20  }
0x9e: {  	_ =	swait.ge [sflag:s22], s20  }
0x9f: {  	s4 =	ssub.s32 $0x0, s20;
	[sflag:s22] =	ssyncset.done $0x0  }
0xa0: {  	[sflag:s22] =	ssyncadd.s32 s4;
	_ =	sdelay $0x1  }
0xa1: {  	s23 =	simm.s32 $0x1B8B  }
0xa2: {  	_ =	swait.ge [sflag:s23], $0x1  }
0xa3: {  	[sflag:s23] =	ssyncset.done $0x0  }
0xa4: {  	s25 =	simm.s32 $0x1B8E;
	s24 =	sld [smem:$0x3FFE];
	[sflag:s23] =	ssyncadd.s32 $0xFFFFFFFF  }
0xa5: {  	s26 =	simm.s32 $execute0_lowered;
	[smem:$0x3FD2] =	sst s25  }
0xa6: {  	s5 =	sshll.u32 s26, $0x1;
	_ =	strace $0x80000049;
	[dreg:$0x1] =	wrdreg $0xFFFFFFFF  }
0xa7: {  	s28 =	simm.s32 $_size_execute0_lowered;
	s3 =	sadd.s32 s3, s5;
	[dreg:$0x0] =	wrdreg $0x0  }
0xa8: {  	s5 =	sshll.u32 s28, $0x1;
	[dreg:$0x2] =	wrdreg s3  }
0xa9: {  	[dreg:$0x3] =	wrdreg s5  }
0xaa: {  	[dreg:$0x4] =	wrdreg $0xC0  }
0xab: {  	_ =	task [dreg:s7], $0x5FFFF  }
0xac: {  	[dreg:$0x1] =	wrdreg $0xFFFFFFFF  }
0xad: {  	[dreg:$0x0] =	wrdreg $0x60  }
0xae: {  	[dreg:$0x2] =	wrdreg s2  }
0xaf: {  	[dreg:$0x3] =	wrdreg s24  }
0xb0: {  	[dreg:$0x4] =	wrdreg $0xB8000  }
0xb1: {  	[dreg:$0x5] =	wrdreg $0x9  }
0xb2: {  	_ =	task.clear_ibuf [dreg:s7], $0x6FFFF;
	_ =	strace $0x90000049  }
0xb3: {  	s29 =	simm.s32 $0x9;
	_ =	strace $0x8000004B  }
0xb4: {  	_ =	swait.ge [sflag:s29], $0x1  }
0xb5: {  	[sflag:s29] =	ssyncadd.s32 $0xFFFFFFFF  }
0xb6: {  	_ =	strace $0x9000004B  }
0xb7: {  	_ =	sfence  }
0xb8: {  	s30 =	sld [smem:$0x0];
	_ =	sdelay $0x2  }
0xb9: {  	s31 =	sshll.u32 s1, $0xD;
	s1 =	sshrl.u32 s1, $0x2  }
0xba: {  	s3 =	sand.u32 $0x4000, s31;
	s1 =	sadd.s32 s1, s30  }
0xbb: {  	s0 =	sor.u32 s3, s0;
	s1 =	sshll.u32 s1, $0x11  }
0xbc: {  	s0 =	sor.u32 s1, s0  }
0xbd: {  	s0 =	sadd.s32 $0x8F2B, s0  }
0xbe: {  	[sflag:s0] =	ssyncadd.remote.s32 $0x1  }
0xbf: {  	_ =	sfence.sel $0xFFFF  }
0xc0: {  	[dreg:$0x0] =	wrdreg $0xFFFFFFFF;
	(pc) =	sbr.abs _section_cstart, $3  }
0xc1: {  	[dreg:$0x1] =	wrdreg $0xFFFFFFFF  }
0xc2: {  	_ =	task.clear_ibuf [dreg:s7], $0x2FFFF;
	_ =	strace $0x9FFFFFFF  }
0xc3: {  	(tm) =	ssettm $0x7FFFFFFF  }
tec
execute0_lowered:
.L_overlay_start_1:
0x0: {  	(tag) =	ssettag $0x1  }
0x1: {  	s0 =	rddreg [dreg:$0x0]  }
0x2: {  	s1 =	rddreg [dreg:$0x1]  }
0x3: {  	s2 =	rddreg [dreg:$0x2];
	s4 =	srdreg.scid  }
0x4: {  	s14 =	stileid.u32;
	s3 =	simm.s32 $0x0;
	s13 =	simm.s32 $0x4000  }
0x5: {  	s18 =	simm.s32 $0x50;
	s28 =	simm.s32 $0x3000;
	s29 =	simm.s32 $0x3200  }
0x6: {  	s30 =	simm.s32 $0x3600;
	s31 =	simm.s32 $0x3A00;
	s4 =	sand.u32 $0x1, s4  }
0x7: {  	s5 =	sshll.u32 s14, $0x1;
	[smem:$0x7FF] =	sst s3;
	s7 =	smul.u32 $0x4E000, s14  }
0x8: {  	s21 =	smul.u32 $0x2700, s14;
	s15 =	sadd.s32 $0x124800, s2;
	p0 =	seq.s32 s14, $0xF  }
0x9: {  	s8 =	sor.u32 s4, s5;
	_ =	strace $0x8000004A;
	s4 =	ssub.s32 $0x2, s4  }
0xa: {  	s15 =	sshrl.u32 @p0 s15, $0x3;
	s5 =	sshll.u32 s8, $0x6;
	s6 =	sshrl.u32 s4, $0x1  }
0xb: {  	s20 =	sshrl.u32 s7, $0x2;
	s22 =	sshll.u32 s8, $0x2;
	s23 =	smul.u32 $0x1400, s8  }
0xc: {  	s7 =	sadd.s32 $0x24900, s0;
	p1 =	seq.s32 s8, $0x1F;
	s5 =	sadd.s32 s5, s1  }
0xd: {  	s1 =	sadd.s32 $0x11C00, s1;
	s9 =	ssub.s32 s4, s6;
	s10 =	sadd.s32 s20, s2  }
0xe: {  	s19 =	sor.u32 $0x2, s22;
	s20 =	sshllo.u32 s8, $0x2;
	s8 =	simm.s32 $0x3400  }
0xf: {  	s22 =	simm.s32 $0x2;
	s4 =	sadd.s32 $0x1C00, s5;
	s11 =	smul.u32 $0x500, s19  }
0x10: {  	s5 =	sadd.s32 s0, s21;
	s6 =	sadd.s32 s1, s23;
	s12 =	smul.u32 $0x500, s20  }
0x11: {  	s0 =	sshll.u32 @!p0 s14, $0x6;
	s14 =	simm.s32 $0x5;
	s17 =	sshrl.u32 @!p0 s10, $0x3  }
0x12: {  	p2 =	sgt.u32 s19, $0x7C;
	p3 =	sgt.u32 s20, $0x7C;
	s10 =	simm.s32 $0x3C00  }
0x13: {  	s19 =	simm.s32 $0x1;
	s20 =	simm.s32 $0x4;
	s21 =	simm.s32 $0x3  }
.Ltmp0:
0x14: {  	s23 =	simm.s32 $0x6800;
	s24 =	sadd.s32 $0x500, s6;
	(pc) =	sbr.rel .LBB2_1-.Ltmp0, $4  }
0x15: {  	s16 =	sor.u32 @!p0 $0x1C05, s0;
	s0 =	simm.s32 $0x3E00;
	[dreg:$0x4] =	wrdreg s24  }
0x16: {  	s25 =	sadd.s32 s1, s11;
	s26 =	sadd.s32 s1, s12;
	s11 =	smax.u32 s9, $0x1  }
0x17: {  	s12 =	simm.s32 $0x200;
	s9 =	simm.s32 $0x3800;
	[dreg:$0x5] =	wrdreg s25  }
0x18: {  	v0 =	vimm.f32 $0.0e+00;
	s1 =	simm.s32 $0x9000;
	s24 =	simm.s32 $0x0;
	[dreg:$0x6] =	wrdreg s26  }
.LBB2_21:
0x19: {  	s24 =	sadd.s32 $0x1, s24  }
0x1a: {  	p4 =	sne.s32 s24, s11  }
.Ltmp1:
0x1b: {  	_ = 	snop;
	(pc) =	sbr.rel @!p4 .LBB2_22-.Ltmp1, $1  }
0x1c: {  	_ =	sdelay $0x3  }
.LBB2_1:
0x1d: {  	[tilespmem:s3], [sflag:$0x5] =	stream.strided.gather [hbm4b:s4+s12], $0x4000, s13, s12, $0x38;
	[tilespmem:$0x1F080] =	vst v63  }
0x1e: {  	_ =	swait.ge [sflag:s14], $0x4000  }
0x1f: {  	[sflag:s14] =	ssyncset.done $0x0  }
0x20: {  	s25 =	simm.s32 @p0 $0x1FC5;
	[sflag:s14] =	ssyncadd.s32 $0xFFFFC000  }
0x21: {  	[spmem:s15], [sflag:s25] =	dma.local @p0 [hbm:s7], $0x2800  }
0x22: {  	s25 =	simm.s32 @p0 $0x5  }
0x23: {  	_ =	swait.ge @p0 [sflag:s25], $0x2800  }
0x24: {  	[sflag:s25] =	ssyncset.done @p0 $0x0  }
0x25: {  	[sflag:s25] =	ssyncadd.s32 @p0 $0xFFFFD800;
	s25 =	simm.s32 @!p0 $0x5  }
0x26: {  	[spmem:s17], [sflag:s16] =	dma.local @!p0 [hbm:s5], $0x2700  }
0x27: {  	_ =	swait.ge @!p0 [sflag:s25], $0x2700  }
0x28: {  	[sflag:s25] =	ssyncset.done @!p0 $0x0  }
0x29: {  	[sflag:s25] =	ssyncadd.s32 @!p0 $0xFFFFD900  }
0x2a: {  	s26 =	simm.s32 $0x200;
	s25 =	simm.s32 $0x0;
	[bflag:$0x0] =	sbarrier.arrive $0xFFFF  }
.LBB2_2:
0x2b: {  	p4 =	sne.s32 s26, $0x9E00;
	[tilespmem:s25+$0x4070] =	vst v0  }
0x2c: {  	[tilespmem:s25+$0x4000] =	vst v0  }
0x2d: {  	[tilespmem:s25+$0x4010] =	vst v0  }
.Ltmp2:
0x2e: {  	[tilespmem:s25+$0x4020] =	vst v0;
	(pc) =	sbr.rel @p4 .LBB2_2-.Ltmp2, $4  }
0x2f: {  	[tilespmem:s25+$0x4030] =	vst v0  }
0x30: {  	[tilespmem:s25+$0x4040] =	vst v0  }
0x31: {  	[tilespmem:s25+$0x4050] =	vst v0  }
0x32: {  	[tilespmem:s25+$0x4060] =	vst v0;
	s25 =	sshra.s32 s26, $0x2;
	s26 =	sadd.s32 $0x200, s26  }
0x33: {  	[tilespmem:s25+$0x4070] =	vst v0  }
0x34: {  	[tilespmem:s25+$0x4000] =	vst v0  }
0x35: {  	[tilespmem:s25+$0x4010] =	vst v0  }
0x36: {  	[tilespmem:s25+$0x4020] =	vst v0  }
0x37: {  	[tilespmem:s25+$0x4030] =	vst v0  }
0x38: {  	[tilespmem:s25+$0x4040] =	vst v0  }
0x39: {  	[tilespmem:s25+$0x4050] =	vst v0  }
0x3a: {  	[tilespmem:s25+$0x4060] =	vst v0;
	s25 =	simm.s32 $0x0  }
0x3b: {  	[tilespmem:s13], [sflag:$0x1] =	stream.indirect.gather.add.f32 [spmem:s2], $0x80, s25, s18, $0xb8;
	[tilespmem:$0x1F080] =	vst v63  }
0x3c: {  	_ = 	snop  }
0x3d: {  	[tilespmem:s13], [sflag:$0x1] =	stream.indirect.gather.add.f32 [spmem:s2], $0x80, s12, s18, $0xb8;
	[tilespmem:$0x1F080] =	vst v63  }
0x3e: {  	s26 =	simm.s32 $0x400  }
0x3f: {  	[tilespmem:s13], [sflag:$0x1] =	stream.indirect.gather.add.f32 [spmem:s2], $0x80, s26, s18, $0xb8;
	[tilespmem:$0x1F080] =	vst v63  }
0x40: {  	s26 =	simm.s32 $0x600  }
0x41: {  	[tilespmem:s13], [sflag:$0x1] =	stream.indirect.gather.add.f32 [spmem:s2], $0x80, s26, s18, $0xb8;
	[tilespmem:$0x1F080] =	vst v63  }
0x42: {  	s26 =	simm.s32 $0x800  }
0x43: {  	[tilespmem:s13], [sflag:$0x1] =	stream.indirect.gather.add.f32 [spmem:s2], $0x80, s26, s18, $0xb8;
	[tilespmem:$0x1F080] =	vst v63  }
0x44: {  	s26 =	simm.s32 $0xA00  }
0x45: {  	[tilespmem:s13], [sflag:$0x1] =	stream.indirect.gather.add.f32 [spmem:s2], $0x80, s26, s18, $0xb8;
	[tilespmem:$0x1F080] =	vst v63  }
0x46: {  	s26 =	simm.s32 $0xC00  }
0x47: {  	[tilespmem:s13], [sflag:$0x1] =	stream.indirect.gather.add.f32 [spmem:s2], $0x80, s26, s18, $0xb8;
	[tilespmem:$0x1F080] =	vst v63  }
0x48: {  	s26 =	simm.s32 $0xE00  }
0x49: {  	[tilespmem:s13], [sflag:$0x1] =	stream.indirect.gather.add.f32 [spmem:s2], $0x80, s26, s18, $0xb8;
	[tilespmem:$0x1F080] =	vst v63  }
0x4a: {  	s26 =	simm.s32 $0x1000  }
0x4b: {  	[tilespmem:s13], [sflag:$0x1] =	stream.indirect.gather.add.f32 [spmem:s2], $0x80, s26, s18, $0xb8;
	[tilespmem:$0x1F080] =	vst v63  }
0x4c: {  	s26 =	simm.s32 $0x1200  }
0x4d: {  	[tilespmem:s13], [sflag:$0x1] =	stream.indirect.gather.add.f32 [spmem:s2], $0x80, s26, s18, $0xb8;
	[tilespmem:$0x1F080] =	vst v63  }
0x4e: {  	s26 =	simm.s32 $0x1400  }
0x4f: {  	[tilespmem:s13], [sflag:$0x1] =	stream.indirect.gather.add.f32 [spmem:s2], $0x80, s26, s18, $0xb8;
	[tilespmem:$0x1F080] =	vst v63  }
0x50: {  	s26 =	simm.s32 $0x1600  }
0x51: {  	[tilespmem:s13], [sflag:$0x1] =	stream.indirect.gather.add.f32 [spmem:s2], $0x80, s26, s18, $0xb8;
	[tilespmem:$0x1F080] =	vst v63  }
0x52: {  	s26 =	simm.s32 $0x1800  }
0x53: {  	[tilespmem:s13], [sflag:$0x1] =	stream.indirect.gather.add.f32 [spmem:s2], $0x80, s26, s18, $0xb8;
	[tilespmem:$0x1F080] =	vst v63  }
0x54: {  	s26 =	simm.s32 $0x1A00  }
0x55: {  	[tilespmem:s13], [sflag:$0x1] =	stream.indirect.gather.add.f32 [spmem:s2], $0x80, s26, s18, $0xb8;
	[tilespmem:$0x1F080] =	vst v63  }
0x56: {  	s26 =	simm.s32 $0x1C00  }
0x57: {  	[tilespmem:s13], [sflag:$0x1] =	stream.indirect.gather.add.f32 [spmem:s2], $0x80, s26, s18, $0xb8;
	[tilespmem:$0x1F080] =	vst v63  }
0x58: {  	s26 =	simm.s32 $0x1E00  }
0x59: {  	[tilespmem:s13], [sflag:$0x1] =	stream.indirect.gather.add.f32 [spmem:s2], $0x80, s26, s18, $0xb8;
	[tilespmem:$0x1F080] =	vst v63  }
0x5a: {  	s26 =	simm.s32 $0x2000  }
0x5b: {  	[tilespmem:s13], [sflag:$0x1] =	stream.indirect.gather.add.f32 [spmem:s2], $0x80, s26, s18, $0xb8;
	[tilespmem:$0x1F080] =	vst v63  }
0x5c: {  	s26 =	simm.s32 $0x2200  }
0x5d: {  	[tilespmem:s13], [sflag:$0x1] =	stream.indirect.gather.add.f32 [spmem:s2], $0x80, s26, s18, $0xb8;
	[tilespmem:$0x1F080] =	vst v63  }
0x5e: {  	s26 =	simm.s32 $0x2400  }
0x5f: {  	[tilespmem:s13], [sflag:$0x1] =	stream.indirect.gather.add.f32 [spmem:s2], $0x80, s26, s18, $0xb8;
	[tilespmem:$0x1F080] =	vst v63  }
0x60: {  	s26 =	simm.s32 $0x2600  }
0x61: {  	[tilespmem:s13], [sflag:$0x1] =	stream.indirect.gather.add.f32 [spmem:s2], $0x80, s26, s18, $0xb8;
	[tilespmem:$0x1F080] =	vst v63  }
0x62: {  	s26 =	simm.s32 $0x2800  }
0x63: {  	[tilespmem:s13], [sflag:$0x1] =	stream.indirect.gather.add.f32 [spmem:s2], $0x80, s26, s18, $0xb8;
	[tilespmem:$0x1F080] =	vst v63  }
0x64: {  	s26 =	simm.s32 $0x2A00  }
0x65: {  	[tilespmem:s13], [sflag:$0x1] =	stream.indirect.gather.add.f32 [spmem:s2], $0x80, s26, s18, $0xb8;
	[tilespmem:$0x1F080] =	vst v63  }
0x66: {  	s26 =	simm.s32 $0x2C00  }
0x67: {  	[tilespmem:s13], [sflag:$0x1] =	stream.indirect.gather.add.f32 [spmem:s2], $0x80, s26, s18, $0xb8;
	[tilespmem:$0x1F080] =	vst v63  }
0x68: {  	s26 =	simm.s32 $0x2E00  }
0x69: {  	[tilespmem:s13], [sflag:$0x1] =	stream.indirect.gather.add.f32 [spmem:s2], $0x80, s26, s18, $0xb8;
	[tilespmem:$0x1F080] =	vst v63  }
0x6a: {  	_ = 	snop  }
0x6b: {  	[tilespmem:s13], [sflag:$0x1] =	stream.indirect.gather.add.f32 [spmem:s2], $0x80, s28, s18, $0xb8;
	[tilespmem:$0x1F080] =	vst v63  }
0x6c: {  	_ = 	snop  }
0x6d: {  	[tilespmem:s13], [sflag:$0x1] =	stream.indirect.gather.add.f32 [spmem:s2], $0x80, s29, s18, $0xb8;
	[tilespmem:$0x1F080] =	vst v63  }
0x6e: {  	_ = 	snop  }
0x6f: {  	[tilespmem:s13], [sflag:$0x1] =	stream.indirect.gather.add.f32 [spmem:s2], $0x80, s8, s18, $0xb8;
	[tilespmem:$0x1F080] =	vst v63  }
0x70: {  	_ = 	snop  }
0x71: {  	[tilespmem:s13], [sflag:$0x1] =	stream.indirect.gather.add.f32 [spmem:s2], $0x80, s30, s18, $0xb8;
	[tilespmem:$0x1F080] =	vst v63  }
0x72: {  	_ = 	snop  }
0x73: {  	[tilespmem:s13], [sflag:$0x1] =	stream.indirect.gather.add.f32 [spmem:s2], $0x80, s9, s18, $0xb8;
	[tilespmem:$0x1F080] =	vst v63  }
0x74: {  	_ = 	snop  }
0x75: {  	[tilespmem:s13], [sflag:$0x1] =	stream.indirect.gather.add.f32 [spmem:s2], $0x80, s31, s18, $0xb8;
	[tilespmem:$0x1F080] =	vst v63  }
.Ltmp3:
0x76: {  	_ = 	snop;
	(pc) =	sbr.rel @p1 .LBB2_7-.Ltmp3, $4  }
0x77: {  	_ = 	snop  }
0x78: {  	[tilespmem:s13], [sflag:$0x1] =	stream.indirect.gather.add.f32 [spmem:s2], $0x80, s10, s18, $0xb8;
	[tilespmem:$0x1F080] =	vst v63  }
0x79: {  	_ = 	snop  }
0x7a: {  	[tilespmem:s13], [sflag:$0x1] =	stream.indirect.gather.add.f32 [spmem:s2], $0x80, s0, s18, $0xb8;
	[tilespmem:$0x1F080] =	vst v63  }
0x7b: {  	s26 =	sshra.s32 s25, $0x2;
	s25 =	sadd.s32 $0x200, s25  }
.LBB2_5:
0x7c: {  	p4 =	sne.s32 s25, $0x9E00;
	[tilespmem:s26+$0x6870] =	vst v0  }
0x7d: {  	[tilespmem:s26+$0x6800] =	vst v0  }
0x7e: {  	[tilespmem:s26+$0x6810] =	vst v0  }
.Ltmp4:
0x7f: {  	[tilespmem:s26+$0x6820] =	vst v0;
	(pc) =	sbr.rel @p4 .LBB2_5-.Ltmp4, $4  }
0x80: {  	[tilespmem:s26+$0x6830] =	vst v0  }
0x81: {  	[tilespmem:s26+$0x6840] =	vst v0  }
0x82: {  	[tilespmem:s26+$0x6850] =	vst v0  }
0x83: {  	[tilespmem:s26+$0x6860] =	vst v0;
	s26 =	sshra.s32 s25, $0x2;
	s25 =	sadd.s32 $0x200, s25  }
0x84: {  	[tilespmem:s26+$0x6870] =	vst v0  }
0x85: {  	[tilespmem:s26+$0x6800] =	vst v0  }
0x86: {  	[tilespmem:s26+$0x6810] =	vst v0  }
0x87: {  	[tilespmem:s26+$0x6820] =	vst v0  }
0x88: {  	[tilespmem:s26+$0x6830] =	vst v0  }
0x89: {  	[tilespmem:s26+$0x6840] =	vst v0  }
0x8a: {  	[tilespmem:s26+$0x6850] =	vst v0  }
0x8b: {  	[tilespmem:s26+$0x6860] =	vst v0;
	s25 =	simm.s32 $0x80  }
0x8c: {  	[tilespmem:s23], [sflag:$0x2] =	stream.indirect.gather.add.f32 [spmem:s2], $0x80, s25, s18, $0xb8;
	[tilespmem:$0x1F080] =	vst v63  }
0x8d: {  	s26 =	simm.s32 $0x280  }
0x8e: {  	[tilespmem:s23], [sflag:$0x2] =	stream.indirect.gather.add.f32 [spmem:s2], $0x80, s26, s18, $0xb8;
	[tilespmem:$0x1F080] =	vst v63  }
0x8f: {  	s26 =	simm.s32 $0x480  }
0x90: {  	[tilespmem:s23], [sflag:$0x2] =	stream.indirect.gather.add.f32 [spmem:s2], $0x80, s26, s18, $0xb8;
	[tilespmem:$0x1F080] =	vst v63  }
0x91: {  	s26 =	simm.s32 $0x680  }
0x92: {  	[tilespmem:s23], [sflag:$0x2] =	stream.indirect.gather.add.f32 [spmem:s2], $0x80, s26, s18, $0xb8;
	[tilespmem:$0x1F080] =	vst v63  }
0x93: {  	s26 =	simm.s32 $0x880  }
0x94: {  	[tilespmem:s23], [sflag:$0x2] =	stream.indirect.gather.add.f32 [spmem:s2], $0x80, s26, s18, $0xb8;
	[tilespmem:$0x1F080] =	vst v63  }
0x95: {  	s26 =	simm.s32 $0xA80  }
0x96: {  	[tilespmem:s23], [sflag:$0x2] =	stream.indirect.gather.add.f32 [spmem:s2], $0x80, s26, s18, $0xb8;
	[tilespmem:$0x1F080] =	vst v63  }
0x97: {  	s26 =	simm.s32 $0xC80  }
0x98: {  	[tilespmem:s23], [sflag:$0x2] =	stream.indirect.gather.add.f32 [spmem:s2], $0x80, s26, s18, $0xb8;
	[tilespmem:$0x1F080] =	vst v63  }
0x99: {  	s26 =	simm.s32 $0xE80  }
0x9a: {  	[tilespmem:s23], [sflag:$0x2] =	stream.indirect.gather.add.f32 [spmem:s2], $0x80, s26, s18, $0xb8;
	[tilespmem:$0x1F080] =	vst v63  }
0x9b: {  	s26 =	simm.s32 $0x1080  }
0x9c: {  	[tilespmem:s23], [sflag:$0x2] =	stream.indirect.gather.add.f32 [spmem:s2], $0x80, s26, s18, $0xb8;
	[tilespmem:$0x1F080] =	vst v63  }
0x9d: {  	s26 =	simm.s32 $0x1280  }
0x9e: {  	[tilespmem:s23], [sflag:$0x2] =	stream.indirect.gather.add.f32 [spmem:s2], $0x80, s26, s18, $0xb8;
	[tilespmem:$0x1F080] =	vst v63  }
0x9f: {  	s26 =	simm.s32 $0x1480  }
0xa0: {  	[tilespmem:s23], [sflag:$0x2] =	stream.indirect.gather.add.f32 [spmem:s2], $0x80, s26, s18, $0xb8;
	[tilespmem:$0x1F080] =	vst v63  }
0xa1: {  	s26 =	simm.s32 $0x1680  }
0xa2: {  	[tilespmem:s23], [sflag:$0x2] =	stream.indirect.gather.add.f32 [spmem:s2], $0x80, s26, s18, $0xb8;
	[tilespmem:$0x1F080] =	vst v63  }
0xa3: {  	s26 =	simm.s32 $0x1880  }
0xa4: {  	[tilespmem:s23], [sflag:$0x2] =	stream.indirect.gather.add.f32 [spmem:s2], $0x80, s26, s18, $0xb8;
	[tilespmem:$0x1F080] =	vst v63  }
0xa5: {  	s26 =	simm.s32 $0x1A80  }
0xa6: {  	[tilespmem:s23], [sflag:$0x2] =	stream.indirect.gather.add.f32 [spmem:s2], $0x80, s26, s18, $0xb8;
	[tilespmem:$0x1F080] =	vst v63  }
0xa7: {  	s26 =	simm.s32 $0x1C80  }
0xa8: {  	[tilespmem:s23], [sflag:$0x2] =	stream.indirect.gather.add.f32 [spmem:s2], $0x80, s26, s18, $0xb8;
	[tilespmem:$0x1F080] =	vst v63  }
0xa9: {  	s26 =	simm.s32 $0x1E80  }
0xaa: {  	[tilespmem:s23], [sflag:$0x2] =	stream.indirect.gather.add.f32 [spmem:s2], $0x80, s26, s18, $0xb8;
	[tilespmem:$0x1F080] =	vst v63  }
0xab: {  	s26 =	simm.s32 $0x2080  }
0xac: {  	[tilespmem:s23], [sflag:$0x2] =	stream.indirect.gather.add.f32 [spmem:s2], $0x80, s26, s18, $0xb8;
	[tilespmem:$0x1F080] =	vst v63  }
0xad: {  	s26 =	simm.s32 $0x2280  }
0xae: {  	[tilespmem:s23], [sflag:$0x2] =	stream.indirect.gather.add.f32 [spmem:s2], $0x80, s26, s18, $0xb8;
	[tilespmem:$0x1F080] =	vst v63  }
0xaf: {  	s26 =	simm.s32 $0x2480  }
0xb0: {  	[tilespmem:s23], [sflag:$0x2] =	stream.indirect.gather.add.f32 [spmem:s2], $0x80, s26, s18, $0xb8;
	[tilespmem:$0x1F080] =	vst v63  }
0xb1: {  	s26 =	simm.s32 $0x2680  }
0xb2: {  	[tilespmem:s23], [sflag:$0x2] =	stream.indirect.gather.add.f32 [spmem:s2], $0x80, s26, s18, $0xb8;
	[tilespmem:$0x1F080] =	vst v63  }
0xb3: {  	s26 =	simm.s32 $0x2880  }
0xb4: {  	[tilespmem:s23], [sflag:$0x2] =	stream.indirect.gather.add.f32 [spmem:s2], $0x80, s26, s18, $0xb8;
	[tilespmem:$0x1F080] =	vst v63  }
0xb5: {  	s26 =	simm.s32 $0x2A80  }
0xb6: {  	[tilespmem:s23], [sflag:$0x2] =	stream.indirect.gather.add.f32 [spmem:s2], $0x80, s26, s18, $0xb8;
	[tilespmem:$0x1F080] =	vst v63  }
0xb7: {  	s26 =	simm.s32 $0x2C80  }
0xb8: {  	[tilespmem:s23], [sflag:$0x2] =	stream.indirect.gather.add.f32 [spmem:s2], $0x80, s26, s18, $0xb8;
	[tilespmem:$0x1F080] =	vst v63  }
0xb9: {  	s26 =	simm.s32 $0x2E80  }
0xba: {  	[tilespmem:s23], [sflag:$0x2] =	stream.indirect.gather.add.f32 [spmem:s2], $0x80, s26, s18, $0xb8;
	[tilespmem:$0x1F080] =	vst v63  }
0xbb: {  	s26 =	simm.s32 $0x3080  }
0xbc: {  	[tilespmem:s23], [sflag:$0x2] =	stream.indirect.gather.add.f32 [spmem:s2], $0x80, s26, s18, $0xb8;
	[tilespmem:$0x1F080] =	vst v63  }
0xbd: {  	s26 =	simm.s32 $0x3280  }
0xbe: {  	[tilespmem:s23], [sflag:$0x2] =	stream.indirect.gather.add.f32 [spmem:s2], $0x80, s26, s18, $0xb8;
	[tilespmem:$0x1F080] =	vst v63  }
0xbf: {  	s26 =	simm.s32 $0x3480  }
0xc0: {  	[tilespmem:s23], [sflag:$0x2] =	stream.indirect.gather.add.f32 [spmem:s2], $0x80, s26, s18, $0xb8;
	[tilespmem:$0x1F080] =	vst v63  }
0xc1: {  	s26 =	simm.s32 $0x3680  }
0xc2: {  	[tilespmem:s23], [sflag:$0x2] =	stream.indirect.gather.add.f32 [spmem:s2], $0x80, s26, s18, $0xb8;
	[tilespmem:$0x1F080] =	vst v63  }
0xc3: {  	s26 =	simm.s32 $0x3880  }
0xc4: {  	[tilespmem:s23], [sflag:$0x2] =	stream.indirect.gather.add.f32 [spmem:s2], $0x80, s26, s18, $0xb8;
	[tilespmem:$0x1F080] =	vst v63  }
0xc5: {  	s26 =	simm.s32 $0x3A80  }
0xc6: {  	[tilespmem:s23], [sflag:$0x2] =	stream.indirect.gather.add.f32 [spmem:s2], $0x80, s26, s18, $0xb8;
	[tilespmem:$0x1F080] =	vst v63  }
0xc7: {  	s26 =	simm.s32 $0x3C80  }
0xc8: {  	[tilespmem:s23], [sflag:$0x2] =	stream.indirect.gather.add.f32 [spmem:s2], $0x80, s26, s18, $0xb8;
	[tilespmem:$0x1F080] =	vst v63  }
0xc9: {  	s26 =	simm.s32 $0x3E80  }
0xca: {  	[tilespmem:s23], [sflag:$0x2] =	stream.indirect.gather.add.f32 [spmem:s2], $0x80, s26, s18, $0xb8;
	[tilespmem:$0x1F080] =	vst v63  }
.LBB2_7:
.Ltmp5:
0xcb: {  	(pc) =	sbr.rel @p2 .LBB2_11-.Ltmp5, $2  }
0xcc: {  	_ =	sdelay $0x2  }
0xcd: {  	s26 =	simm.s32 $0x0  }
0xce: {  	s25 =	sshra.s32 s26, $0x2;
	s26 =	sadd.s32 $0x200, s26  }
.LBB2_9:
0xcf: {  	p4 =	sne.s32 s26, $0x9E00;
	[tilespmem:s25+$0x9070] =	vst v0  }
0xd0: {  	[tilespmem:s25+$0x9000] =	vst v0  }
0xd1: {  	[tilespmem:s25+$0x9010] =	vst v0  }
.Ltmp6:
0xd2: {  	[tilespmem:s25+$0x9020] =	vst v0;
	(pc) =	sbr.rel @p4 .LBB2_9-.Ltmp6, $4  }
0xd3: {  	[tilespmem:s25+$0x9030] =	vst v0  }
0xd4: {  	[tilespmem:s25+$0x9040] =	vst v0  }
0xd5: {  	[tilespmem:s25+$0x9050] =	vst v0  }
0xd6: {  	[tilespmem:s25+$0x9060] =	vst v0;
	s25 =	sshra.s32 s26, $0x2;
	s26 =	sadd.s32 $0x200, s26  }
0xd7: {  	[tilespmem:s25+$0x9070] =	vst v0  }
0xd8: {  	[tilespmem:s25+$0x9000] =	vst v0  }
0xd9: {  	[tilespmem:s25+$0x9010] =	vst v0  }
0xda: {  	[tilespmem:s25+$0x9020] =	vst v0  }
0xdb: {  	[tilespmem:s25+$0x9030] =	vst v0  }
0xdc: {  	[tilespmem:s25+$0x9040] =	vst v0  }
0xdd: {  	[tilespmem:s25+$0x9050] =	vst v0  }
0xde: {  	[tilespmem:s25+$0x9060] =	vst v0;
	s26 =	simm.s32 $0x100  }
0xdf: {  	[tilespmem:s1], [sflag:$0x3] =	stream.indirect.gather.add.f32 [spmem:s2], $0x80, s26, s18, $0xb8;
	[tilespmem:$0x1F080] =	vst v63  }
0xe0: {  	s26 =	simm.s32 $0x300  }
0xe1: {  	[tilespmem:s1], [sflag:$0x3] =	stream.indirect.gather.add.f32 [spmem:s2], $0x80, s26, s18, $0xb8;
	[tilespmem:$0x1F080] =	vst v63  }
0xe2: {  	s26 =	simm.s32 $0x500  }
0xe3: {  	[tilespmem:s1], [sflag:$0x3] =	stream.indirect.gather.add.f32 [spmem:s2], $0x80, s26, s18, $0xb8;
	[tilespmem:$0x1F080] =	vst v63  }
0xe4: {  	s26 =	simm.s32 $0x700  }
0xe5: {  	[tilespmem:s1], [sflag:$0x3] =	stream.indirect.gather.add.f32 [spmem:s2], $0x80, s26, s18, $0xb8;
	[tilespmem:$0x1F080] =	vst v63  }
0xe6: {  	s26 =	simm.s32 $0x900  }
0xe7: {  	[tilespmem:s1], [sflag:$0x3] =	stream.indirect.gather.add.f32 [spmem:s2], $0x80, s26, s18, $0xb8;
	[tilespmem:$0x1F080] =	vst v63  }
0xe8: {  	s26 =	simm.s32 $0xB00  }
0xe9: {  	[tilespmem:s1], [sflag:$0x3] =	stream.indirect.gather.add.f32 [spmem:s2], $0x80, s26, s18, $0xb8;
	[tilespmem:$0x1F080] =	vst v63  }
0xea: {  	s26 =	simm.s32 $0xD00  }
0xeb: {  	[tilespmem:s1], [sflag:$0x3] =	stream.indirect.gather.add.f32 [spmem:s2], $0x80, s26, s18, $0xb8;
	[tilespmem:$0x1F080] =	vst v63  }
0xec: {  	s26 =	simm.s32 $0xF00  }
0xed: {  	[tilespmem:s1], [sflag:$0x3] =	stream.indirect.gather.add.f32 [spmem:s2], $0x80, s26, s18, $0xb8;
	[tilespmem:$0x1F080] =	vst v63  }
0xee: {  	s26 =	simm.s32 $0x1100  }
0xef: {  	[tilespmem:s1], [sflag:$0x3] =	stream.indirect.gather.add.f32 [spmem:s2], $0x80, s26, s18, $0xb8;
	[tilespmem:$0x1F080] =	vst v63  }
0xf0: {  	s26 =	simm.s32 $0x1300  }
0xf1: {  	[tilespmem:s1], [sflag:$0x3] =	stream.indirect.gather.add.f32 [spmem:s2], $0x80, s26, s18, $0xb8;
	[tilespmem:$0x1F080] =	vst v63  }
0xf2: {  	s26 =	simm.s32 $0x1500  }
0xf3: {  	[tilespmem:s1], [sflag:$0x3] =	stream.indirect.gather.add.f32 [spmem:s2], $0x80, s26, s18, $0xb8;
	[tilespmem:$0x1F080] =	vst v63  }
0xf4: {  	s26 =	simm.s32 $0x1700  }
0xf5: {  	[tilespmem:s1], [sflag:$0x3] =	stream.indirect.gather.add.f32 [spmem:s2], $0x80, s26, s18, $0xb8;
	[tilespmem:$0x1F080] =	vst v63  }
0xf6: {  	s26 =	simm.s32 $0x1900  }
0xf7: {  	[tilespmem:s1], [sflag:$0x3] =	stream.indirect.gather.add.f32 [spmem:s2], $0x80, s26, s18, $0xb8;
	[tilespmem:$0x1F080] =	vst v63  }
0xf8: {  	s26 =	simm.s32 $0x1B00  }
0xf9: {  	[tilespmem:s1], [sflag:$0x3] =	stream.indirect.gather.add.f32 [spmem:s2], $0x80, s26, s18, $0xb8;
	[tilespmem:$0x1F080] =	vst v63  }
0xfa: {  	s26 =	simm.s32 $0x1D00  }
0xfb: {  	[tilespmem:s1], [sflag:$0x3] =	stream.indirect.gather.add.f32 [spmem:s2], $0x80, s26, s18, $0xb8;
	[tilespmem:$0x1F080] =	vst v63  }
0xfc: {  	s26 =	simm.s32 $0x1F00  }
0xfd: {  	[tilespmem:s1], [sflag:$0x3] =	stream.indirect.gather.add.f32 [spmem:s2], $0x80, s26, s18, $0xb8;
	[tilespmem:$0x1F080] =	vst v63  }
0xfe: {  	s26 =	simm.s32 $0x2100  }
0xff: {  	[tilespmem:s1], [sflag:$0x3] =	stream.indirect.gather.add.f32 [spmem:s2], $0x80, s26, s18, $0xb8;
	[tilespmem:$0x1F080] =	vst v63  }
0x100: {  	s26 =	simm.s32 $0x2300  }
0x101: {  	[tilespmem:s1], [sflag:$0x3] =	stream.indirect.gather.add.f32 [spmem:s2], $0x80, s26, s18, $0xb8;
	[tilespmem:$0x1F080] =	vst v63  }
0x102: {  	s26 =	simm.s32 $0x2500  }
0x103: {  	[tilespmem:s1], [sflag:$0x3] =	stream.indirect.gather.add.f32 [spmem:s2], $0x80, s26, s18, $0xb8;
	[tilespmem:$0x1F080] =	vst v63  }
0x104: {  	s26 =	simm.s32 $0x2700  }
0x105: {  	[tilespmem:s1], [sflag:$0x3] =	stream.indirect.gather.add.f32 [spmem:s2], $0x80, s26, s18, $0xb8;
	[tilespmem:$0x1F080] =	vst v63  }
0x106: {  	s26 =	simm.s32 $0x2900  }
0x107: {  	[tilespmem:s1], [sflag:$0x3] =	stream.indirect.gather.add.f32 [spmem:s2], $0x80, s26, s18, $0xb8;
	[tilespmem:$0x1F080] =	vst v63  }
0x108: {  	s26 =	simm.s32 $0x2B00  }
0x109: {  	[tilespmem:s1], [sflag:$0x3] =	stream.indirect.gather.add.f32 [spmem:s2], $0x80, s26, s18, $0xb8;
	[tilespmem:$0x1F080] =	vst v63  }
0x10a: {  	s26 =	simm.s32 $0x2D00  }
0x10b: {  	[tilespmem:s1], [sflag:$0x3] =	stream.indirect.gather.add.f32 [spmem:s2], $0x80, s26, s18, $0xb8;
	[tilespmem:$0x1F080] =	vst v63  }
0x10c: {  	s26 =	simm.s32 $0x2F00  }
0x10d: {  	[tilespmem:s1], [sflag:$0x3] =	stream.indirect.gather.add.f32 [spmem:s2], $0x80, s26, s18, $0xb8;
	[tilespmem:$0x1F080] =	vst v63  }
0x10e: {  	s26 =	simm.s32 $0x3100  }
0x10f: {  	[tilespmem:s1], [sflag:$0x3] =	stream.indirect.gather.add.f32 [spmem:s2], $0x80, s26, s18, $0xb8;
	[tilespmem:$0x1F080] =	vst v63  }
0x110: {  	s26 =	simm.s32 $0x3300  }
0x111: {  	[tilespmem:s1], [sflag:$0x3] =	stream.indirect.gather.add.f32 [spmem:s2], $0x80, s26, s18, $0xb8;
	[tilespmem:$0x1F080] =	vst v63  }
0x112: {  	s26 =	simm.s32 $0x3500  }
0x113: {  	[tilespmem:s1], [sflag:$0x3] =	stream.indirect.gather.add.f32 [spmem:s2], $0x80, s26, s18, $0xb8;
	[tilespmem:$0x1F080] =	vst v63  }
0x114: {  	s26 =	simm.s32 $0x3700  }
0x115: {  	[tilespmem:s1], [sflag:$0x3] =	stream.indirect.gather.add.f32 [spmem:s2], $0x80, s26, s18, $0xb8;
	[tilespmem:$0x1F080] =	vst v63  }
0x116: {  	s26 =	simm.s32 $0x3900  }
0x117: {  	[tilespmem:s1], [sflag:$0x3] =	stream.indirect.gather.add.f32 [spmem:s2], $0x80, s26, s18, $0xb8;
	[tilespmem:$0x1F080] =	vst v63  }
0x118: {  	s26 =	simm.s32 $0x3B00  }
0x119: {  	[tilespmem:s1], [sflag:$0x3] =	stream.indirect.gather.add.f32 [spmem:s2], $0x80, s26, s18, $0xb8;
	[tilespmem:$0x1F080] =	vst v63  }
0x11a: {  	s26 =	simm.s32 $0x3D00  }
0x11b: {  	[tilespmem:s1], [sflag:$0x3] =	stream.indirect.gather.add.f32 [spmem:s2], $0x80, s26, s18, $0xb8;
	[tilespmem:$0x1F080] =	vst v63  }
0x11c: {  	s26 =	simm.s32 $0x3F00  }
0x11d: {  	[tilespmem:s1], [sflag:$0x3] =	stream.indirect.gather.add.f32 [spmem:s2], $0x80, s26, s18, $0xb8;
	[tilespmem:$0x1F080] =	vst v63  }
.LBB2_11:
0x11e: {  	_ =	swait.ge [sflag:s19], $0x2800  }
0x11f: {  	[sflag:s19] =	ssyncset.done $0x0  }
0x120: {  	[sflag:s19] =	ssyncadd.s32 $0xFFFFD800  }
0x121: {  	_ =	swait.ge [sflag:s19], $0x2800  }
0x122: {  	[sflag:s19] =	ssyncset.done $0x0  }
0x123: {  	[sflag:s19] =	ssyncadd.s32 $0xFFFFD800  }
0x124: {  	_ =	swait.ge [sflag:s19], $0x2800  }
0x125: {  	[sflag:s19] =	ssyncset.done $0x0  }
0x126: {  	[sflag:s19] =	ssyncadd.s32 $0xFFFFD800  }
0x127: {  	_ =	swait.ge [sflag:s19], $0x2800  }
0x128: {  	[sflag:s19] =	ssyncset.done $0x0  }
0x129: {  	[sflag:s19] =	ssyncadd.s32 $0xFFFFD800  }
0x12a: {  	_ =	swait.ge [sflag:s19], $0x2800  }
0x12b: {  	[sflag:s19] =	ssyncset.done $0x0  }
0x12c: {  	[sflag:s19] =	ssyncadd.s32 $0xFFFFD800  }
0x12d: {  	_ =	swait.ge [sflag:s19], $0x2800  }
0x12e: {  	[sflag:s19] =	ssyncset.done $0x0  }
0x12f: {  	[sflag:s19] =	ssyncadd.s32 $0xFFFFD800  }
0x130: {  	_ =	swait.ge [sflag:s19], $0x2800  }
0x131: {  	[sflag:s19] =	ssyncset.done $0x0  }
0x132: {  	[sflag:s19] =	ssyncadd.s32 $0xFFFFD800  }
0x133: {  	_ =	swait.ge [sflag:s19], $0x2800  }
0x134: {  	[sflag:s19] =	ssyncset.done $0x0  }
0x135: {  	[sflag:s19] =	ssyncadd.s32 $0xFFFFD800  }
0x136: {  	_ =	swait.ge [sflag:s19], $0x2800  }
0x137: {  	[sflag:s19] =	ssyncset.done $0x0  }
0x138: {  	[sflag:s19] =	ssyncadd.s32 $0xFFFFD800  }
0x139: {  	_ =	swait.ge [sflag:s19], $0x2800  }
0x13a: {  	[sflag:s19] =	ssyncset.done $0x0  }
0x13b: {  	[sflag:s19] =	ssyncadd.s32 $0xFFFFD800  }
0x13c: {  	_ =	swait.ge [sflag:s19], $0x2800  }
0x13d: {  	[sflag:s19] =	ssyncset.done $0x0  }
0x13e: {  	[sflag:s19] =	ssyncadd.s32 $0xFFFFD800  }
0x13f: {  	_ =	swait.ge [sflag:s19], $0x2800  }
0x140: {  	[sflag:s19] =	ssyncset.done $0x0  }
0x141: {  	[sflag:s19] =	ssyncadd.s32 $0xFFFFD800  }
0x142: {  	_ =	swait.ge [sflag:s19], $0x2800  }
0x143: {  	[sflag:s19] =	ssyncset.done $0x0  }
0x144: {  	[sflag:s19] =	ssyncadd.s32 $0xFFFFD800  }
0x145: {  	_ =	swait.ge [sflag:s19], $0x2800  }
0x146: {  	[sflag:s19] =	ssyncset.done $0x0  }
0x147: {  	[sflag:s19] =	ssyncadd.s32 $0xFFFFD800  }
0x148: {  	_ =	swait.ge [sflag:s19], $0x2800  }
0x149: {  	[sflag:s19] =	ssyncset.done $0x0  }
0x14a: {  	[sflag:s19] =	ssyncadd.s32 $0xFFFFD800  }
0x14b: {  	_ =	swait.ge [sflag:s19], $0x2800  }
0x14c: {  	[sflag:s19] =	ssyncset.done $0x0  }
0x14d: {  	[sflag:s19] =	ssyncadd.s32 $0xFFFFD800  }
0x14e: {  	_ =	swait.ge [sflag:s19], $0x2800  }
0x14f: {  	[sflag:s19] =	ssyncset.done $0x0  }
0x150: {  	[sflag:s19] =	ssyncadd.s32 $0xFFFFD800  }
0x151: {  	_ =	swait.ge [sflag:s19], $0x2800  }
0x152: {  	[sflag:s19] =	ssyncset.done $0x0  }
0x153: {  	[sflag:s19] =	ssyncadd.s32 $0xFFFFD800  }
0x154: {  	_ =	swait.ge [sflag:s19], $0x2800  }
0x155: {  	[sflag:s19] =	ssyncset.done $0x0  }
0x156: {  	[sflag:s19] =	ssyncadd.s32 $0xFFFFD800  }
0x157: {  	_ =	swait.ge [sflag:s19], $0x2800  }
0x158: {  	[sflag:s19] =	ssyncset.done $0x0  }
0x159: {  	[sflag:s19] =	ssyncadd.s32 $0xFFFFD800  }
0x15a: {  	_ =	swait.ge [sflag:s19], $0x2800  }
0x15b: {  	[sflag:s19] =	ssyncset.done $0x0  }
0x15c: {  	[sflag:s19] =	ssyncadd.s32 $0xFFFFD800  }
0x15d: {  	_ =	swait.ge [sflag:s19], $0x2800  }
0x15e: {  	[sflag:s19] =	ssyncset.done $0x0  }
0x15f: {  	[sflag:s19] =	ssyncadd.s32 $0xFFFFD800  }
0x160: {  	_ =	swait.ge [sflag:s19], $0x2800  }
0x161: {  	[sflag:s19] =	ssyncset.done $0x0  }
0x162: {  	[sflag:s19] =	ssyncadd.s32 $0xFFFFD800  }
0x163: {  	_ =	swait.ge [sflag:s19], $0x2800  }
0x164: {  	[sflag:s19] =	ssyncset.done $0x0  }
0x165: {  	[sflag:s19] =	ssyncadd.s32 $0xFFFFD800  }
0x166: {  	_ =	swait.ge [sflag:s19], $0x2800  }
0x167: {  	[sflag:s19] =	ssyncset.done $0x0  }
0x168: {  	[sflag:s19] =	ssyncadd.s32 $0xFFFFD800  }
0x169: {  	_ =	swait.ge [sflag:s19], $0x2800  }
0x16a: {  	[sflag:s19] =	ssyncset.done $0x0  }
0x16b: {  	[sflag:s19] =	ssyncadd.s32 $0xFFFFD800  }
0x16c: {  	_ =	swait.ge [sflag:s19], $0x2800  }
0x16d: {  	[sflag:s19] =	ssyncset.done $0x0  }
0x16e: {  	[sflag:s19] =	ssyncadd.s32 $0xFFFFD800  }
0x16f: {  	_ =	swait.ge [sflag:s19], $0x2800  }
0x170: {  	[sflag:s19] =	ssyncset.done $0x0  }
0x171: {  	[sflag:s19] =	ssyncadd.s32 $0xFFFFD800  }
0x172: {  	_ =	swait.ge [sflag:s19], $0x2800  }
0x173: {  	[sflag:s19] =	ssyncset.done $0x0  }
0x174: {  	[sflag:s19] =	ssyncadd.s32 $0xFFFFD800  }
0x175: {  	_ =	swait.ge [sflag:s19], $0x2800  }
0x176: {  	[sflag:s19] =	ssyncset.done $0x0  }
0x177: {  	[sflag:s19] =	ssyncadd.s32 $0xFFFFD800  }
0x178: {  	_ =	swait.ge [sflag:s19], $0x2800  }
0x179: {  	[sflag:s19] =	ssyncset.done $0x0  }
0x17a: {  	[sflag:s19] =	ssyncadd.s32 $0xFFFFD800  }
0x17b: {  	_ =	swait.ge [sflag:s19], $0x2800  }
0x17c: {  	[sflag:s19] =	ssyncset.done $0x0  }
.Ltmp7:
0x17d: {  	s26 =	simm.s32 $0x0;
	[sflag:s19] =	ssyncadd.s32 $0xFFFFD800;
	(pc) =	sbr.rel @p3 .LBB2_15-.Ltmp7, $4  }
0x17e: {  	[hbm4b:s6+s26] =	stream.linear.scatter [tilespmem:s13], [sflag:$0x4], $0x2800, $0x38;
	[tilespmem:$0x1F080] =	vst v63  }
0x17f: {  	_ =	swait.ge [sflag:s20], $0x2800  }
0x180: {  	[sflag:s20] =	ssyncset.done $0x0  }
0x181: {  	[sflag:s20] =	ssyncadd.s32 $0xFFFFD800  }
0x182: {  	s25 =	sshra.s32 s26, $0x2;
	s26 =	sadd.s32 $0x200, s26  }
.LBB2_13:
0x183: {  	p4 =	sne.s32 s26, $0x9E00;
	[tilespmem:s25+$0x4070] =	vst v0  }
0x184: {  	[tilespmem:s25+$0x4000] =	vst v0  }
0x185: {  	[tilespmem:s25+$0x4010] =	vst v0  }
.Ltmp8:
0x186: {  	[tilespmem:s25+$0x4020] =	vst v0;
	(pc) =	sbr.rel @p4 .LBB2_13-.Ltmp8, $4  }
0x187: {  	[tilespmem:s25+$0x4030] =	vst v0  }
0x188: {  	[tilespmem:s25+$0x4040] =	vst v0  }
0x189: {  	[tilespmem:s25+$0x4050] =	vst v0  }
0x18a: {  	[tilespmem:s25+$0x4060] =	vst v0;
	s25 =	sshra.s32 s26, $0x2;
	s26 =	sadd.s32 $0x200, s26  }
0x18b: {  	[tilespmem:s25+$0x4070] =	vst v0  }
0x18c: {  	[tilespmem:s25+$0x4000] =	vst v0  }
0x18d: {  	[tilespmem:s25+$0x4010] =	vst v0  }
0x18e: {  	[tilespmem:s25+$0x4020] =	vst v0  }
0x18f: {  	[tilespmem:s25+$0x4030] =	vst v0  }
0x190: {  	[tilespmem:s25+$0x4040] =	vst v0  }
0x191: {  	[tilespmem:s25+$0x4050] =	vst v0  }
0x192: {  	[tilespmem:s25+$0x4060] =	vst v0;
	s26 =	simm.s32 $0x180  }
0x193: {  	[tilespmem:s13], [sflag:$0x1] =	stream.indirect.gather.add.f32 [spmem:s2], $0x80, s26, s18, $0xb8;
	[tilespmem:$0x1F080] =	vst v63  }
0x194: {  	s26 =	simm.s32 $0x380  }
0x195: {  	[tilespmem:s13], [sflag:$0x1] =	stream.indirect.gather.add.f32 [spmem:s2], $0x80, s26, s18, $0xb8;
	[tilespmem:$0x1F080] =	vst v63  }
0x196: {  	s26 =	simm.s32 $0x580  }
0x197: {  	[tilespmem:s13], [sflag:$0x1] =	stream.indirect.gather.add.f32 [spmem:s2], $0x80, s26, s18, $0xb8;
	[tilespmem:$0x1F080] =	vst v63  }
0x198: {  	s26 =	simm.s32 $0x780  }
0x199: {  	[tilespmem:s13], [sflag:$0x1] =	stream.indirect.gather.add.f32 [spmem:s2], $0x80, s26, s18, $0xb8;
	[tilespmem:$0x1F080] =	vst v63  }
0x19a: {  	s26 =	simm.s32 $0x980  }
0x19b: {  	[tilespmem:s13], [sflag:$0x1] =	stream.indirect.gather.add.f32 [spmem:s2], $0x80, s26, s18, $0xb8;
	[tilespmem:$0x1F080] =	vst v63  }
0x19c: {  	s26 =	simm.s32 $0xB80  }
0x19d: {  	[tilespmem:s13], [sflag:$0x1] =	stream.indirect.gather.add.f32 [spmem:s2], $0x80, s26, s18, $0xb8;
	[tilespmem:$0x1F080] =	vst v63  }
0x19e: {  	s26 =	simm.s32 $0xD80  }
0x19f: {  	[tilespmem:s13], [sflag:$0x1] =	stream.indirect.gather.add.f32 [spmem:s2], $0x80, s26, s18, $0xb8;
	[tilespmem:$0x1F080] =	vst v63  }
0x1a0: {  	s26 =	simm.s32 $0xF80  }
0x1a1: {  	[tilespmem:s13], [sflag:$0x1] =	stream.indirect.gather.add.f32 [spmem:s2], $0x80, s26, s18, $0xb8;
	[tilespmem:$0x1F080] =	vst v63  }
0x1a2: {  	s26 =	simm.s32 $0x1180  }
0x1a3: {  	[tilespmem:s13], [sflag:$0x1] =	stream.indirect.gather.add.f32 [spmem:s2], $0x80, s26, s18, $0xb8;
	[tilespmem:$0x1F080] =	vst v63  }
0x1a4: {  	s26 =	simm.s32 $0x1380  }
0x1a5: {  	[tilespmem:s13], [sflag:$0x1] =	stream.indirect.gather.add.f32 [spmem:s2], $0x80, s26, s18, $0xb8;
	[tilespmem:$0x1F080] =	vst v63  }
0x1a6: {  	s26 =	simm.s32 $0x1580  }
0x1a7: {  	[tilespmem:s13], [sflag:$0x1] =	stream.indirect.gather.add.f32 [spmem:s2], $0x80, s26, s18, $0xb8;
	[tilespmem:$0x1F080] =	vst v63  }
0x1a8: {  	s26 =	simm.s32 $0x1780  }
0x1a9: {  	[tilespmem:s13], [sflag:$0x1] =	stream.indirect.gather.add.f32 [spmem:s2], $0x80, s26, s18, $0xb8;
	[tilespmem:$0x1F080] =	vst v63  }
0x1aa: {  	s26 =	simm.s32 $0x1980  }
0x1ab: {  	[tilespmem:s13], [sflag:$0x1] =	stream.indirect.gather.add.f32 [spmem:s2], $0x80, s26, s18, $0xb8;
	[tilespmem:$0x1F080] =	vst v63  }
0x1ac: {  	s26 =	simm.s32 $0x1B80  }
0x1ad: {  	[tilespmem:s13], [sflag:$0x1] =	stream.indirect.gather.add.f32 [spmem:s2], $0x80, s26, s18, $0xb8;
	[tilespmem:$0x1F080] =	vst v63  }
0x1ae: {  	s26 =	simm.s32 $0x1D80  }
0x1af: {  	[tilespmem:s13], [sflag:$0x1] =	stream.indirect.gather.add.f32 [spmem:s2], $0x80, s26, s18, $0xb8;
	[tilespmem:$0x1F080] =	vst v63  }
0x1b0: {  	s26 =	simm.s32 $0x1F80  }
0x1b1: {  	[tilespmem:s13], [sflag:$0x1] =	stream.indirect.gather.add.f32 [spmem:s2], $0x80, s26, s18, $0xb8;
	[tilespmem:$0x1F080] =	vst v63  }
0x1b2: {  	s26 =	simm.s32 $0x2180  }
0x1b3: {  	[tilespmem:s13], [sflag:$0x1] =	stream.indirect.gather.add.f32 [spmem:s2], $0x80, s26, s18, $0xb8;
	[tilespmem:$0x1F080] =	vst v63  }
0x1b4: {  	s26 =	simm.s32 $0x2380  }
0x1b5: {  	[tilespmem:s13], [sflag:$0x1] =	stream.indirect.gather.add.f32 [spmem:s2], $0x80, s26, s18, $0xb8;
	[tilespmem:$0x1F080] =	vst v63  }
0x1b6: {  	s26 =	simm.s32 $0x2580  }
0x1b7: {  	[tilespmem:s13], [sflag:$0x1] =	stream.indirect.gather.add.f32 [spmem:s2], $0x80, s26, s18, $0xb8;
	[tilespmem:$0x1F080] =	vst v63  }
0x1b8: {  	s26 =	simm.s32 $0x2780  }
0x1b9: {  	[tilespmem:s13], [sflag:$0x1] =	stream.indirect.gather.add.f32 [spmem:s2], $0x80, s26, s18, $0xb8;
	[tilespmem:$0x1F080] =	vst v63  }
0x1ba: {  	s26 =	simm.s32 $0x2980  }
0x1bb: {  	[tilespmem:s13], [sflag:$0x1] =	stream.indirect.gather.add.f32 [spmem:s2], $0x80, s26, s18, $0xb8;
	[tilespmem:$0x1F080] =	vst v63  }
0x1bc: {  	s26 =	simm.s32 $0x2B80  }
0x1bd: {  	[tilespmem:s13], [sflag:$0x1] =	stream.indirect.gather.add.f32 [spmem:s2], $0x80, s26, s18, $0xb8;
	[tilespmem:$0x1F080] =	vst v63  }
0x1be: {  	s26 =	simm.s32 $0x2D80  }
0x1bf: {  	[tilespmem:s13], [sflag:$0x1] =	stream.indirect.gather.add.f32 [spmem:s2], $0x80, s26, s18, $0xb8;
	[tilespmem:$0x1F080] =	vst v63  }
0x1c0: {  	s26 =	simm.s32 $0x2F80  }
0x1c1: {  	[tilespmem:s13], [sflag:$0x1] =	stream.indirect.gather.add.f32 [spmem:s2], $0x80, s26, s18, $0xb8;
	[tilespmem:$0x1F080] =	vst v63  }
0x1c2: {  	s26 =	simm.s32 $0x3180  }
0x1c3: {  	[tilespmem:s13], [sflag:$0x1] =	stream.indirect.gather.add.f32 [spmem:s2], $0x80, s26, s18, $0xb8;
	[tilespmem:$0x1F080] =	vst v63  }
0x1c4: {  	s26 =	simm.s32 $0x3380  }
0x1c5: {  	[tilespmem:s13], [sflag:$0x1] =	stream.indirect.gather.add.f32 [spmem:s2], $0x80, s26, s18, $0xb8;
	[tilespmem:$0x1F080] =	vst v63  }
0x1c6: {  	s26 =	simm.s32 $0x3580  }
0x1c7: {  	[tilespmem:s13], [sflag:$0x1] =	stream.indirect.gather.add.f32 [spmem:s2], $0x80, s26, s18, $0xb8;
	[tilespmem:$0x1F080] =	vst v63  }
0x1c8: {  	s26 =	simm.s32 $0x3780  }
0x1c9: {  	[tilespmem:s13], [sflag:$0x1] =	stream.indirect.gather.add.f32 [spmem:s2], $0x80, s26, s18, $0xb8;
	[tilespmem:$0x1F080] =	vst v63  }
0x1ca: {  	s26 =	simm.s32 $0x3980  }
0x1cb: {  	[tilespmem:s13], [sflag:$0x1] =	stream.indirect.gather.add.f32 [spmem:s2], $0x80, s26, s18, $0xb8;
	[tilespmem:$0x1F080] =	vst v63  }
0x1cc: {  	s26 =	simm.s32 $0x3B80  }
0x1cd: {  	[tilespmem:s13], [sflag:$0x1] =	stream.indirect.gather.add.f32 [spmem:s2], $0x80, s26, s18, $0xb8;
	[tilespmem:$0x1F080] =	vst v63  }
0x1ce: {  	s26 =	simm.s32 $0x3D80  }
0x1cf: {  	[tilespmem:s13], [sflag:$0x1] =	stream.indirect.gather.add.f32 [spmem:s2], $0x80, s26, s18, $0xb8;
	[tilespmem:$0x1F080] =	vst v63  }
0x1d0: {  	s26 =	simm.s32 $0x3F80  }
0x1d1: {  	[tilespmem:s13], [sflag:$0x1] =	stream.indirect.gather.add.f32 [spmem:s2], $0x80, s26, s18, $0xb8;
	[tilespmem:$0x1F080] =	vst v63  }
.LBB2_15:
.Ltmp9:
0x1d2: {  	(pc) =	sbr.rel @p1 .LBB2_17-.Ltmp9, $1  }
0x1d3: {  	_ =	sdelay $0x3  }
0x1d4: {  	_ =	swait.ge [sflag:s22], $0x2800  }
0x1d5: {  	[sflag:s22] =	ssyncset.done $0x0  }
0x1d6: {  	[sflag:s22] =	ssyncadd.s32 $0xFFFFD800  }
0x1d7: {  	_ =	swait.ge [sflag:s22], $0x2800  }
0x1d8: {  	[sflag:s22] =	ssyncset.done $0x0  }
0x1d9: {  	[sflag:s22] =	ssyncadd.s32 $0xFFFFD800  }
0x1da: {  	_ =	swait.ge [sflag:s22], $0x2800  }
0x1db: {  	[sflag:s22] =	ssyncset.done $0x0  }
0x1dc: {  	[sflag:s22] =	ssyncadd.s32 $0xFFFFD800  }
0x1dd: {  	_ =	swait.ge [sflag:s22], $0x2800  }
0x1de: {  	[sflag:s22] =	ssyncset.done $0x0  }
0x1df: {  	[sflag:s22] =	ssyncadd.s32 $0xFFFFD800  }
0x1e0: {  	_ =	swait.ge [sflag:s22], $0x2800  }
0x1e1: {  	[sflag:s22] =	ssyncset.done $0x0  }
0x1e2: {  	[sflag:s22] =	ssyncadd.s32 $0xFFFFD800  }
0x1e3: {  	_ =	swait.ge [sflag:s22], $0x2800  }
0x1e4: {  	[sflag:s22] =	ssyncset.done $0x0  }
0x1e5: {  	[sflag:s22] =	ssyncadd.s32 $0xFFFFD800  }
0x1e6: {  	_ =	swait.ge [sflag:s22], $0x2800  }
0x1e7: {  	[sflag:s22] =	ssyncset.done $0x0  }
0x1e8: {  	[sflag:s22] =	ssyncadd.s32 $0xFFFFD800  }
0x1e9: {  	_ =	swait.ge [sflag:s22], $0x2800  }
0x1ea: {  	[sflag:s22] =	ssyncset.done $0x0  }
0x1eb: {  	[sflag:s22] =	ssyncadd.s32 $0xFFFFD800  }
0x1ec: {  	_ =	swait.ge [sflag:s22], $0x2800  }
0x1ed: {  	[sflag:s22] =	ssyncset.done $0x0  }
0x1ee: {  	[sflag:s22] =	ssyncadd.s32 $0xFFFFD800  }
0x1ef: {  	_ =	swait.ge [sflag:s22], $0x2800  }
0x1f0: {  	[sflag:s22] =	ssyncset.done $0x0  }
0x1f1: {  	[sflag:s22] =	ssyncadd.s32 $0xFFFFD800  }
0x1f2: {  	_ =	swait.ge [sflag:s22], $0x2800  }
0x1f3: {  	[sflag:s22] =	ssyncset.done $0x0  }
0x1f4: {  	[sflag:s22] =	ssyncadd.s32 $0xFFFFD800  }
0x1f5: {  	_ =	swait.ge [sflag:s22], $0x2800  }
0x1f6: {  	[sflag:s22] =	ssyncset.done $0x0  }
0x1f7: {  	[sflag:s22] =	ssyncadd.s32 $0xFFFFD800  }
0x1f8: {  	_ =	swait.ge [sflag:s22], $0x2800  }
0x1f9: {  	[sflag:s22] =	ssyncset.done $0x0  }
0x1fa: {  	[sflag:s22] =	ssyncadd.s32 $0xFFFFD800  }
0x1fb: {  	_ =	swait.ge [sflag:s22], $0x2800  }
0x1fc: {  	[sflag:s22] =	ssyncset.done $0x0  }
0x1fd: {  	[sflag:s22] =	ssyncadd.s32 $0xFFFFD800  }
0x1fe: {  	_ =	swait.ge [sflag:s22], $0x2800  }
0x1ff: {  	[sflag:s22] =	ssyncset.done $0x0  }
0x200: {  	[sflag:s22] =	ssyncadd.s32 $0xFFFFD800  }
0x201: {  	_ =	swait.ge [sflag:s22], $0x2800  }
0x202: {  	[sflag:s22] =	ssyncset.done $0x0  }
0x203: {  	[sflag:s22] =	ssyncadd.s32 $0xFFFFD800  }
0x204: {  	_ =	swait.ge [sflag:s22], $0x2800  }
0x205: {  	[sflag:s22] =	ssyncset.done $0x0  }
0x206: {  	[sflag:s22] =	ssyncadd.s32 $0xFFFFD800  }
0x207: {  	_ =	swait.ge [sflag:s22], $0x2800  }
0x208: {  	[sflag:s22] =	ssyncset.done $0x0  }
0x209: {  	[sflag:s22] =	ssyncadd.s32 $0xFFFFD800  }
0x20a: {  	_ =	swait.ge [sflag:s22], $0x2800  }
0x20b: {  	[sflag:s22] =	ssyncset.done $0x0  }
0x20c: {  	[sflag:s22] =	ssyncadd.s32 $0xFFFFD800  }
0x20d: {  	_ =	swait.ge [sflag:s22], $0x2800  }
0x20e: {  	[sflag:s22] =	ssyncset.done $0x0  }
0x20f: {  	[sflag:s22] =	ssyncadd.s32 $0xFFFFD800  }
0x210: {  	_ =	swait.ge [sflag:s22], $0x2800  }
0x211: {  	[sflag:s22] =	ssyncset.done $0x0  }
0x212: {  	[sflag:s22] =	ssyncadd.s32 $0xFFFFD800  }
0x213: {  	_ =	swait.ge [sflag:s22], $0x2800  }
0x214: {  	[sflag:s22] =	ssyncset.done $0x0  }
0x215: {  	[sflag:s22] =	ssyncadd.s32 $0xFFFFD800  }
0x216: {  	_ =	swait.ge [sflag:s22], $0x2800  }
0x217: {  	[sflag:s22] =	ssyncset.done $0x0  }
0x218: {  	[sflag:s22] =	ssyncadd.s32 $0xFFFFD800  }
0x219: {  	_ =	swait.ge [sflag:s22], $0x2800  }
0x21a: {  	[sflag:s22] =	ssyncset.done $0x0  }
0x21b: {  	[sflag:s22] =	ssyncadd.s32 $0xFFFFD800  }
0x21c: {  	_ =	swait.ge [sflag:s22], $0x2800  }
0x21d: {  	[sflag:s22] =	ssyncset.done $0x0  }
0x21e: {  	[sflag:s22] =	ssyncadd.s32 $0xFFFFD800  }
0x21f: {  	_ =	swait.ge [sflag:s22], $0x2800  }
0x220: {  	[sflag:s22] =	ssyncset.done $0x0  }
0x221: {  	[sflag:s22] =	ssyncadd.s32 $0xFFFFD800  }
0x222: {  	_ =	swait.ge [sflag:s22], $0x2800  }
0x223: {  	[sflag:s22] =	ssyncset.done $0x0  }
0x224: {  	[sflag:s22] =	ssyncadd.s32 $0xFFFFD800  }
0x225: {  	_ =	swait.ge [sflag:s22], $0x2800  }
0x226: {  	[sflag:s22] =	ssyncset.done $0x0  }
0x227: {  	[sflag:s22] =	ssyncadd.s32 $0xFFFFD800  }
0x228: {  	_ =	swait.ge [sflag:s22], $0x2800  }
0x229: {  	[sflag:s22] =	ssyncset.done $0x0  }
0x22a: {  	[sflag:s22] =	ssyncadd.s32 $0xFFFFD800  }
0x22b: {  	_ =	swait.ge [sflag:s22], $0x2800  }
0x22c: {  	[sflag:s22] =	ssyncset.done $0x0  }
0x22d: {  	[sflag:s22] =	ssyncadd.s32 $0xFFFFD800  }
0x22e: {  	_ =	swait.ge [sflag:s22], $0x2800  }
0x22f: {  	[sflag:s22] =	ssyncset.done $0x0  }
0x230: {  	[sflag:s22] =	ssyncadd.s32 $0xFFFFD800  }
0x231: {  	_ =	swait.ge [sflag:s22], $0x2800  }
0x232: {  	[sflag:s22] =	ssyncset.done $0x0  }
0x233: {  	s25 =	rddreg [dreg:$0x4];
	[sflag:s22] =	ssyncadd.s32 $0xFFFFD800  }
0x234: {  	[hbm4b:s25+s3] =	stream.linear.scatter [tilespmem:s23], [sflag:$0x4], $0x2800, $0x38;
	[tilespmem:$0x1F080] =	vst v63  }
0x235: {  	_ =	swait.ge [sflag:s20], $0x2800  }
0x236: {  	[sflag:s20] =	ssyncset.done $0x0  }
0x237: {  	[sflag:s20] =	ssyncadd.s32 $0xFFFFD800  }
.LBB2_17:
.Ltmp10:
0x238: {  	(pc) =	sbr.rel @p2 .LBB2_19-.Ltmp10, $1  }
0x239: {  	_ =	sdelay $0x3  }
0x23a: {  	_ =	swait.ge [sflag:s21], $0x2800  }
0x23b: {  	[sflag:s21] =	ssyncset.done $0x0  }
0x23c: {  	[sflag:s21] =	ssyncadd.s32 $0xFFFFD800  }
0x23d: {  	_ =	swait.ge [sflag:s21], $0x2800  }
0x23e: {  	[sflag:s21] =	ssyncset.done $0x0  }
0x23f: {  	[sflag:s21] =	ssyncadd.s32 $0xFFFFD800  }
0x240: {  	_ =	swait.ge [sflag:s21], $0x2800  }
0x241: {  	[sflag:s21] =	ssyncset.done $0x0  }
0x242: {  	[sflag:s21] =	ssyncadd.s32 $0xFFFFD800  }
0x243: {  	_ =	swait.ge [sflag:s21], $0x2800  }
0x244: {  	[sflag:s21] =	ssyncset.done $0x0  }
0x245: {  	[sflag:s21] =	ssyncadd.s32 $0xFFFFD800  }
0x246: {  	_ =	swait.ge [sflag:s21], $0x2800  }
0x247: {  	[sflag:s21] =	ssyncset.done $0x0  }
0x248: {  	[sflag:s21] =	ssyncadd.s32 $0xFFFFD800  }
0x249: {  	_ =	swait.ge [sflag:s21], $0x2800  }
0x24a: {  	[sflag:s21] =	ssyncset.done $0x0  }
0x24b: {  	[sflag:s21] =	ssyncadd.s32 $0xFFFFD800  }
0x24c: {  	_ =	swait.ge [sflag:s21], $0x2800  }
0x24d: {  	[sflag:s21] =	ssyncset.done $0x0  }
0x24e: {  	[sflag:s21] =	ssyncadd.s32 $0xFFFFD800  }
0x24f: {  	_ =	swait.ge [sflag:s21], $0x2800  }
0x250: {  	[sflag:s21] =	ssyncset.done $0x0  }
0x251: {  	[sflag:s21] =	ssyncadd.s32 $0xFFFFD800  }
0x252: {  	_ =	swait.ge [sflag:s21], $0x2800  }
0x253: {  	[sflag:s21] =	ssyncset.done $0x0  }
0x254: {  	[sflag:s21] =	ssyncadd.s32 $0xFFFFD800  }
0x255: {  	_ =	swait.ge [sflag:s21], $0x2800  }
0x256: {  	[sflag:s21] =	ssyncset.done $0x0  }
0x257: {  	[sflag:s21] =	ssyncadd.s32 $0xFFFFD800  }
0x258: {  	_ =	swait.ge [sflag:s21], $0x2800  }
0x259: {  	[sflag:s21] =	ssyncset.done $0x0  }
0x25a: {  	[sflag:s21] =	ssyncadd.s32 $0xFFFFD800  }
0x25b: {  	_ =	swait.ge [sflag:s21], $0x2800  }
0x25c: {  	[sflag:s21] =	ssyncset.done $0x0  }
0x25d: {  	[sflag:s21] =	ssyncadd.s32 $0xFFFFD800  }
0x25e: {  	_ =	swait.ge [sflag:s21], $0x2800  }
0x25f: {  	[sflag:s21] =	ssyncset.done $0x0  }
0x260: {  	[sflag:s21] =	ssyncadd.s32 $0xFFFFD800  }
0x261: {  	_ =	swait.ge [sflag:s21], $0x2800  }
0x262: {  	[sflag:s21] =	ssyncset.done $0x0  }
0x263: {  	[sflag:s21] =	ssyncadd.s32 $0xFFFFD800  }
0x264: {  	_ =	swait.ge [sflag:s21], $0x2800  }
0x265: {  	[sflag:s21] =	ssyncset.done $0x0  }
0x266: {  	[sflag:s21] =	ssyncadd.s32 $0xFFFFD800  }
0x267: {  	_ =	swait.ge [sflag:s21], $0x2800  }
0x268: {  	[sflag:s21] =	ssyncset.done $0x0  }
0x269: {  	[sflag:s21] =	ssyncadd.s32 $0xFFFFD800  }
0x26a: {  	_ =	swait.ge [sflag:s21], $0x2800  }
0x26b: {  	[sflag:s21] =	ssyncset.done $0x0  }
0x26c: {  	[sflag:s21] =	ssyncadd.s32 $0xFFFFD800  }
0x26d: {  	_ =	swait.ge [sflag:s21], $0x2800  }
0x26e: {  	[sflag:s21] =	ssyncset.done $0x0  }
0x26f: {  	[sflag:s21] =	ssyncadd.s32 $0xFFFFD800  }
0x270: {  	_ =	swait.ge [sflag:s21], $0x2800  }
0x271: {  	[sflag:s21] =	ssyncset.done $0x0  }
0x272: {  	[sflag:s21] =	ssyncadd.s32 $0xFFFFD800  }
0x273: {  	_ =	swait.ge [sflag:s21], $0x2800  }
0x274: {  	[sflag:s21] =	ssyncset.done $0x0  }
0x275: {  	[sflag:s21] =	ssyncadd.s32 $0xFFFFD800  }
0x276: {  	_ =	swait.ge [sflag:s21], $0x2800  }
0x277: {  	[sflag:s21] =	ssyncset.done $0x0  }
0x278: {  	[sflag:s21] =	ssyncadd.s32 $0xFFFFD800  }
0x279: {  	_ =	swait.ge [sflag:s21], $0x2800  }
0x27a: {  	[sflag:s21] =	ssyncset.done $0x0  }
0x27b: {  	[sflag:s21] =	ssyncadd.s32 $0xFFFFD800  }
0x27c: {  	_ =	swait.ge [sflag:s21], $0x2800  }
0x27d: {  	[sflag:s21] =	ssyncset.done $0x0  }
0x27e: {  	[sflag:s21] =	ssyncadd.s32 $0xFFFFD800  }
0x27f: {  	_ =	swait.ge [sflag:s21], $0x2800  }
0x280: {  	[sflag:s21] =	ssyncset.done $0x0  }
0x281: {  	[sflag:s21] =	ssyncadd.s32 $0xFFFFD800  }
0x282: {  	_ =	swait.ge [sflag:s21], $0x2800  }
0x283: {  	[sflag:s21] =	ssyncset.done $0x0  }
0x284: {  	[sflag:s21] =	ssyncadd.s32 $0xFFFFD800  }
0x285: {  	_ =	swait.ge [sflag:s21], $0x2800  }
0x286: {  	[sflag:s21] =	ssyncset.done $0x0  }
0x287: {  	[sflag:s21] =	ssyncadd.s32 $0xFFFFD800  }
0x288: {  	_ =	swait.ge [sflag:s21], $0x2800  }
0x289: {  	[sflag:s21] =	ssyncset.done $0x0  }
0x28a: {  	[sflag:s21] =	ssyncadd.s32 $0xFFFFD800  }
0x28b: {  	_ =	swait.ge [sflag:s21], $0x2800  }
0x28c: {  	[sflag:s21] =	ssyncset.done $0x0  }
0x28d: {  	[sflag:s21] =	ssyncadd.s32 $0xFFFFD800  }
0x28e: {  	_ =	swait.ge [sflag:s21], $0x2800  }
0x28f: {  	[sflag:s21] =	ssyncset.done $0x0  }
0x290: {  	[sflag:s21] =	ssyncadd.s32 $0xFFFFD800  }
0x291: {  	_ =	swait.ge [sflag:s21], $0x2800  }
0x292: {  	[sflag:s21] =	ssyncset.done $0x0  }
0x293: {  	[sflag:s21] =	ssyncadd.s32 $0xFFFFD800  }
0x294: {  	_ =	swait.ge [sflag:s21], $0x2800  }
0x295: {  	[sflag:s21] =	ssyncset.done $0x0  }
0x296: {  	[sflag:s21] =	ssyncadd.s32 $0xFFFFD800  }
0x297: {  	_ =	swait.ge [sflag:s21], $0x2800  }
0x298: {  	[sflag:s21] =	ssyncset.done $0x0  }
0x299: {  	s25 =	rddreg [dreg:$0x5];
	[sflag:s21] =	ssyncadd.s32 $0xFFFFD800  }
0x29a: {  	[hbm4b:s25+s3] =	stream.linear.scatter [tilespmem:s1], [sflag:$0x4], $0x2800, $0x38;
	[tilespmem:$0x1F080] =	vst v63  }
0x29b: {  	_ =	swait.ge [sflag:s20], $0x2800  }
0x29c: {  	[sflag:s20] =	ssyncset.done $0x0  }
0x29d: {  	[sflag:s20] =	ssyncadd.s32 $0xFFFFD800  }
.LBB2_19:
.Ltmp11:
0x29e: {  	(pc) =	sbr.rel @p3 .LBB2_21-.Ltmp11, $1  }
0x29f: {  	_ =	sdelay $0x3  }
0x2a0: {  	_ =	swait.ge [sflag:s19], $0x2800  }
0x2a1: {  	[sflag:s19] =	ssyncset.done $0x0  }
0x2a2: {  	[sflag:s19] =	ssyncadd.s32 $0xFFFFD800  }
0x2a3: {  	_ =	swait.ge [sflag:s19], $0x2800  }
0x2a4: {  	[sflag:s19] =	ssyncset.done $0x0  }
0x2a5: {  	[sflag:s19] =	ssyncadd.s32 $0xFFFFD800  }
0x2a6: {  	_ =	swait.ge [sflag:s19], $0x2800  }
0x2a7: {  	[sflag:s19] =	ssyncset.done $0x0  }
0x2a8: {  	[sflag:s19] =	ssyncadd.s32 $0xFFFFD800  }
0x2a9: {  	_ =	swait.ge [sflag:s19], $0x2800  }
0x2aa: {  	[sflag:s19] =	ssyncset.done $0x0  }
0x2ab: {  	[sflag:s19] =	ssyncadd.s32 $0xFFFFD800  }
0x2ac: {  	_ =	swait.ge [sflag:s19], $0x2800  }
0x2ad: {  	[sflag:s19] =	ssyncset.done $0x0  }
0x2ae: {  	[sflag:s19] =	ssyncadd.s32 $0xFFFFD800  }
0x2af: {  	_ =	swait.ge [sflag:s19], $0x2800  }
0x2b0: {  	[sflag:s19] =	ssyncset.done $0x0  }
0x2b1: {  	[sflag:s19] =	ssyncadd.s32 $0xFFFFD800  }
0x2b2: {  	_ =	swait.ge [sflag:s19], $0x2800  }
0x2b3: {  	[sflag:s19] =	ssyncset.done $0x0  }
0x2b4: {  	[sflag:s19] =	ssyncadd.s32 $0xFFFFD800  }
0x2b5: {  	_ =	swait.ge [sflag:s19], $0x2800  }
0x2b6: {  	[sflag:s19] =	ssyncset.done $0x0  }
0x2b7: {  	[sflag:s19] =	ssyncadd.s32 $0xFFFFD800  }
0x2b8: {  	_ =	swait.ge [sflag:s19], $0x2800  }
0x2b9: {  	[sflag:s19] =	ssyncset.done $0x0  }
0x2ba: {  	[sflag:s19] =	ssyncadd.s32 $0xFFFFD800  }
0x2bb: {  	_ =	swait.ge [sflag:s19], $0x2800  }
0x2bc: {  	[sflag:s19] =	ssyncset.done $0x0  }
0x2bd: {  	[sflag:s19] =	ssyncadd.s32 $0xFFFFD800  }
0x2be: {  	_ =	swait.ge [sflag:s19], $0x2800  }
0x2bf: {  	[sflag:s19] =	ssyncset.done $0x0  }
0x2c0: {  	[sflag:s19] =	ssyncadd.s32 $0xFFFFD800  }
0x2c1: {  	_ =	swait.ge [sflag:s19], $0x2800  }
0x2c2: {  	[sflag:s19] =	ssyncset.done $0x0  }
0x2c3: {  	[sflag:s19] =	ssyncadd.s32 $0xFFFFD800  }
0x2c4: {  	_ =	swait.ge [sflag:s19], $0x2800  }
0x2c5: {  	[sflag:s19] =	ssyncset.done $0x0  }
0x2c6: {  	[sflag:s19] =	ssyncadd.s32 $0xFFFFD800  }
0x2c7: {  	_ =	swait.ge [sflag:s19], $0x2800  }
0x2c8: {  	[sflag:s19] =	ssyncset.done $0x0  }
0x2c9: {  	[sflag:s19] =	ssyncadd.s32 $0xFFFFD800  }
0x2ca: {  	_ =	swait.ge [sflag:s19], $0x2800  }
0x2cb: {  	[sflag:s19] =	ssyncset.done $0x0  }
0x2cc: {  	[sflag:s19] =	ssyncadd.s32 $0xFFFFD800  }
0x2cd: {  	_ =	swait.ge [sflag:s19], $0x2800  }
0x2ce: {  	[sflag:s19] =	ssyncset.done $0x0  }
0x2cf: {  	[sflag:s19] =	ssyncadd.s32 $0xFFFFD800  }
0x2d0: {  	_ =	swait.ge [sflag:s19], $0x2800  }
0x2d1: {  	[sflag:s19] =	ssyncset.done $0x0  }
0x2d2: {  	[sflag:s19] =	ssyncadd.s32 $0xFFFFD800  }
0x2d3: {  	_ =	swait.ge [sflag:s19], $0x2800  }
0x2d4: {  	[sflag:s19] =	ssyncset.done $0x0  }
0x2d5: {  	[sflag:s19] =	ssyncadd.s32 $0xFFFFD800  }
0x2d6: {  	_ =	swait.ge [sflag:s19], $0x2800  }
0x2d7: {  	[sflag:s19] =	ssyncset.done $0x0  }
0x2d8: {  	[sflag:s19] =	ssyncadd.s32 $0xFFFFD800  }
0x2d9: {  	_ =	swait.ge [sflag:s19], $0x2800  }
0x2da: {  	[sflag:s19] =	ssyncset.done $0x0  }
0x2db: {  	[sflag:s19] =	ssyncadd.s32 $0xFFFFD800  }
0x2dc: {  	_ =	swait.ge [sflag:s19], $0x2800  }
0x2dd: {  	[sflag:s19] =	ssyncset.done $0x0  }
0x2de: {  	[sflag:s19] =	ssyncadd.s32 $0xFFFFD800  }
0x2df: {  	_ =	swait.ge [sflag:s19], $0x2800  }
0x2e0: {  	[sflag:s19] =	ssyncset.done $0x0  }
0x2e1: {  	[sflag:s19] =	ssyncadd.s32 $0xFFFFD800  }
0x2e2: {  	_ =	swait.ge [sflag:s19], $0x2800  }
0x2e3: {  	[sflag:s19] =	ssyncset.done $0x0  }
0x2e4: {  	[sflag:s19] =	ssyncadd.s32 $0xFFFFD800  }
0x2e5: {  	_ =	swait.ge [sflag:s19], $0x2800  }
0x2e6: {  	[sflag:s19] =	ssyncset.done $0x0  }
0x2e7: {  	[sflag:s19] =	ssyncadd.s32 $0xFFFFD800  }
0x2e8: {  	_ =	swait.ge [sflag:s19], $0x2800  }
0x2e9: {  	[sflag:s19] =	ssyncset.done $0x0  }
0x2ea: {  	[sflag:s19] =	ssyncadd.s32 $0xFFFFD800  }
0x2eb: {  	_ =	swait.ge [sflag:s19], $0x2800  }
0x2ec: {  	[sflag:s19] =	ssyncset.done $0x0  }
0x2ed: {  	[sflag:s19] =	ssyncadd.s32 $0xFFFFD800  }
0x2ee: {  	_ =	swait.ge [sflag:s19], $0x2800  }
0x2ef: {  	[sflag:s19] =	ssyncset.done $0x0  }
0x2f0: {  	[sflag:s19] =	ssyncadd.s32 $0xFFFFD800  }
0x2f1: {  	_ =	swait.ge [sflag:s19], $0x2800  }
0x2f2: {  	[sflag:s19] =	ssyncset.done $0x0  }
0x2f3: {  	[sflag:s19] =	ssyncadd.s32 $0xFFFFD800  }
0x2f4: {  	_ =	swait.ge [sflag:s19], $0x2800  }
0x2f5: {  	[sflag:s19] =	ssyncset.done $0x0  }
0x2f6: {  	[sflag:s19] =	ssyncadd.s32 $0xFFFFD800  }
0x2f7: {  	_ =	swait.ge [sflag:s19], $0x2800  }
0x2f8: {  	[sflag:s19] =	ssyncset.done $0x0  }
0x2f9: {  	[sflag:s19] =	ssyncadd.s32 $0xFFFFD800  }
0x2fa: {  	_ =	swait.ge [sflag:s19], $0x2800  }
0x2fb: {  	[sflag:s19] =	ssyncset.done $0x0  }
0x2fc: {  	[sflag:s19] =	ssyncadd.s32 $0xFFFFD800  }
0x2fd: {  	_ =	swait.ge [sflag:s19], $0x2800  }
0x2fe: {  	[sflag:s19] =	ssyncset.done $0x0  }
.Ltmp12:
0x2ff: {  	s25 =	rddreg [dreg:$0x6];
	[sflag:s19] =	ssyncadd.s32 $0xFFFFD800;
	(pc) =	sbr.rel .LBB2_21-.Ltmp12, $4  }
0x300: {  	[hbm4b:s25+s3] =	stream.linear.scatter [tilespmem:s13], [sflag:$0x4], $0x2800, $0x38;
	[tilespmem:$0x1F080] =	vst v63  }
0x301: {  	_ =	swait.ge [sflag:s20], $0x2800  }
0x302: {  	[sflag:s20] =	ssyncset.done $0x0  }
0x303: {  	[sflag:s20] =	ssyncadd.s32 $0xFFFFD800  }
.LBB2_22:
0x304: {  	_ =	sfence.sel $0x180000  }
0x305: {  	[bflag:$0x0] =	sbarrier.arrive $0xFFFF  }
0x306: {  	_ =	strace $0x9000004A  }
0x307: {  	s0 =	stileid.u32;
	[bflag:$0x2] =	sbarrier.arrive $0xFFFF  }
0x308: {  	p0 =	sne.s32 s0, $0x0;
	s0 =	rddreg [dreg:$0x3]  }
0x309: {  	s0 =	sadd.s32 @!p0 $0x100000, s0  }
0x30a: {  	[sflag:s0] =	ssyncadd.tile.s32 @!p0 $0x1;
	_ =	shalt  }
.Lfunc_end2:
_tile_overlayer_lowered:
.L_overlay_start_2:
0x30b: {  	(tag) =	ssettag $0x2  }
0x30c: {  	s0 =	rddreg [dreg:$0x0];
	s2 =	stileid.u32  }
0x30d: {  	s1 =	rddreg [dreg:$0x1];
	p0 =	sne.s32 s2, $0x0  }
0x30e: {  	s3 =	rddreg [dreg:$0x2];
	[bflag:$0x3] =	sbarrier.arrive $0xFFFF;
	s2 =	simm.s32 @!p0 $0x1C05  }
0x30f: {  	[timem:s3], [sflag:s2] =	dma.local @!p0 [hbm:s0], s1  }
0x310: {  	s0 =	simm.s32 @!p0 $0x5  }
0x311: {  	_ =	swait.ge @!p0 [sflag:s0], s1  }
0x312: {  	s1 =	ssub.s32 @!p0 $0x0, s1;
	[sflag:s0] =	ssyncset.done @!p0 $0x0  }
0x313: {  	[sflag:s0] =	ssyncadd.s32 @!p0 s1  }
0x314: {  	[bflag:$0x3] =	sbarrier.arrive $0xFFFF  }
0x315: {  	_ =	shalt  }

// kernel: kernel.7.cloned.1.call-start
scs
__scs_entry_jumppad:
0x0: {  	(pc) =	sbr.rel $0x88, $3  }
0x1: {  	(tag) =	ssettag $0x0;
	lr =	simm.s32 $0x1  }
0x2: {  	[smem:$0x3F9A] =	sst lr;
	_ =	strace $0xD0000000  }
0x3: {  	_ = 	snop  }
0x4: {  	_ = 	snop  }
0x5: {  	_ = 	snop  }
0x6: {  	_ = 	snop  }
0x7: {  	_ = 	snop  }
__scs_overlays_trampoline_lowered:
0x8: {  	[smem:$0x3FA9] =	sst s0  }
0x9: {  	[smem:$0x3FAA] =	sst s1  }
0xa: {  	[smem:$0x3FAB] =	sst s2  }
0xb: {  	[smem:$0x3FAC] =	sst s3  }
0xc: {  	[smem:$0x3FAD] =	sst s4  }
0xd: {  	[smem:$0x3FAE] =	sst s5  }
0xe: {  	[smem:$0x3FAF] =	sst s6  }
0xf: {  	[smem:$0x3FB0] =	sst s7  }
0x10: {  	[smem:$0x3FB1] =	sst s8  }
0x11: {  	[smem:$0x3FB2] =	sst s9;
	s0 =	simm.s32 @!p0 $0x0  }
0x12: {  	s1 =	sld [smem:$0x3F98];
	s0 =	simm.s32 @p0 $0x1  }
0x13: {  	[smem:$0x3FB3] =	sst s0;
	s0 =	simm.s32 @!p1 $0x0  }
0x14: {  	s2 =	sld [smem:$0x3F97];
	s0 =	simm.s32 @p1 $0x1  }
0x15: {  	[smem:$0x3FB4] =	sst s0;
	s0 =	simm.s32 @!p2 $0x0  }
0x16: {  	s3 =	sld [smem:$0x3FDB];
	s0 =	simm.s32 @p2 $0x1  }
0x17: {  	s4 =	simm.s32 $0x1BF5;
	[smem:$0x3FB6] =	sst s0  }
0x18: {  	s0 =	sld [smem:$0x3F99];
	_ =	swait.ge [sflag:s4], $0x0  }
0x19: {  	s7 =	sld [smem:$0x3F9A]  }
0x1a: {  	s8 =	sadd.s32 $0xFFFFE003, lr  }
0x1b: {  	s9 =	sadd.s32 $0xFFFFFEF7, lr;
	s5 =	simm.s32 $0xFFFFFFFF;
	p2 =	slt.u32 s8, $0xFFFFF086  }
0x1c: {  	p1 =	slt.u32 s9, $0xF7A;
	s5 =	simm.s32 @!p2 $0x0  }
0x1d: {  	s5 =	simm.s32 @p1 $0x1;
	p0 =	seq.s32 s7, s2  }
0x1e: {  	s7 =	smul.u32 @!p0 $0xF7A, s2;
	p2 =	seq.s32 @!p0 s5, $0x0  }
0x1f: {  	s9 =	smul.u32 $0xF7A, s1;
	s8 =	simm.s32 @!p0 $0x1BF5;
	p2 =	por !p2, p0  }
0x20: {  	[sflag:s8] =	ssyncset.s32 @!p0 $0xFFFFF086;
	s6 =	sadd.s32 @!p0 s3, s7;
	s7 =	simm.s32 @!p0 $0x108  }
0x21: {  	s3 =	sadd.s32 s3, s9;
	s6 =	sadd.s32 @!p0 $0x88, s6;
	s7 =	simm.s32 @p2 $0x1082  }
0x22: {  	[simem:s7], [sflag:s8] =	dma.local @!p0 [hbm:s6], $0xF7A  }
0x23: {  	s9 =	sor.u32 $0xD0000000, s2;
	s6 =	simm.s32 $0x108;
	_ =	swait.ge @!p0 [sflag:s8], $0x0  }
0x24: {  	s3 =	sadd.s32 $0x88, s3;
	s6 =	simm.s32 @!p1 $0x1082;
	[sflag:s4] =	ssyncset.s32 $0xFFFFF086  }
0x25: {  	[simem:s6], [sflag:s4] =	dma.local [hbm:s3], $0xF7A  }
0x26: {  	[smem:$0x3F9A] =	sst s1;
	(tag) =	ssettag s2;
	_ =	strace s9  }
0x27: {  	s1 =	sld [smem:$0x3FAA]  }
0x28: {  	s2 =	sld [smem:$0x3FAB]  }
0x29: {  	s4 =	sld [smem:$0x3FAD]  }
0x2a: {  	p0 =	seq.s32 s5, $0x0;
	s5 =	sld [smem:$0x3FAE]  }
0x2b: {  	s6 =	sld [smem:$0x3FAF]  }
0x2c: {  	s7 =	sld [smem:$0x3FB0]  }
0x2d: {  	s3 =	simm.s32 $0x108;
	s8 =	sld [smem:$0x3FB1]  }
0x2e: {  	s3 =	simm.s32 @!p0 $0x1082;
	s9 =	sld [smem:$0x3FB2]  }
0x2f: {  	lr =	sadd.s32 s0, s3;
	s0 =	sld [smem:$0x3FA9]  }
0x30: {  	s3 =	sld [smem:$0x3FAC]  }
0x31: {  	[smem:$0x3FB5] =	sst s10  }
0x32: {  	s10 =	sld [smem:$0x3FB3];
	_ =	sdelay $0x3  }
0x33: {  	p0 =	seq.s32 s10, $0x1;
	s10 =	sld [smem:$0x3FB5];
	_ =	sdelay $0x3  }
0x34: {  	[smem:$0x3FB5] =	sst s10  }
0x35: {  	s10 =	sld [smem:$0x3FB4];
	_ =	sdelay $0x3  }
0x36: {  	p1 =	seq.s32 s10, $0x1;
	s10 =	sld [smem:$0x3FB5];
	_ =	sdelay $0x3  }
0x37: {  	[smem:$0x3FB5] =	sst s10  }
0x38: {  	s10 =	sld [smem:$0x3FB6]  }
0x39: {  	_ = 	snop;
	(pc) =	sbr.ind lr, $3  }
0x3a: {  	_ = 	snop  }
0x3b: {  	_ = 	snop  }
0x3c: {  	p2 =	seq.s32 s10, $0x1;
	s10 =	sld [smem:$0x3FB5]  }
0x3d: {  	_ =	shalt  }
0x3e: {  	_ =	shalt  }
0x3f: {  	_ =	shalt  }
0x40: {  	_ =	shalt  }
0x41: {  	_ =	shalt  }
0x42: {  	_ =	shalt  }
0x43: {  	_ =	shalt  }
0x44: {  	_ =	shalt  }
0x45: {  	_ =	shalt  }
0x46: {  	_ =	shalt  }
0x47: {  	_ =	shalt  }
0x48: {  	_ =	shalt  }
0x49: {  	_ =	shalt  }
0x4a: {  	_ =	shalt  }
0x4b: {  	_ =	shalt  }
0x4c: {  	_ =	shalt  }
0x4d: {  	_ =	shalt  }
0x4e: {  	_ =	shalt  }
0x4f: {  	_ =	shalt  }
0x50: {  	_ =	shalt  }
0x51: {  	_ =	shalt  }
0x52: {  	_ =	shalt  }
0x53: {  	_ =	shalt  }
0x54: {  	_ =	shalt  }
0x55: {  	_ =	shalt  }
0x56: {  	_ =	shalt  }
0x57: {  	_ =	shalt  }
0x58: {  	_ =	shalt  }
0x59: {  	_ =	shalt  }
0x5a: {  	_ =	shalt  }
0x5b: {  	_ =	shalt  }
0x5c: {  	_ =	shalt  }
0x5d: {  	_ =	shalt  }
0x5e: {  	_ =	shalt  }
0x5f: {  	_ =	shalt  }
0x60: {  	_ =	shalt  }
0x61: {  	_ =	shalt  }
0x62: {  	_ =	shalt  }
0x63: {  	_ =	shalt  }
0x64: {  	_ =	shalt  }
0x65: {  	_ =	shalt  }
0x66: {  	_ =	shalt  }
0x67: {  	_ =	shalt  }
0x68: {  	_ =	shalt  }
0x69: {  	_ =	shalt  }
0x6a: {  	_ =	shalt  }
0x6b: {  	_ =	shalt  }
0x6c: {  	_ =	shalt  }
0x6d: {  	_ =	shalt  }
0x6e: {  	_ =	shalt  }
0x6f: {  	_ =	shalt  }
0x70: {  	_ =	shalt  }
0x71: {  	_ =	shalt  }
0x72: {  	_ =	shalt  }
0x73: {  	_ =	shalt  }
0x74: {  	_ =	shalt  }
0x75: {  	_ =	shalt  }
0x76: {  	_ =	shalt  }
0x77: {  	_ =	shalt  }
0x78: {  	_ =	shalt  }
0x79: {  	_ =	shalt  }
0x7a: {  	_ =	shalt  }
0x7b: {  	_ =	shalt  }
0x7c: {  	_ =	shalt  }
0x7d: {  	_ =	shalt  }
0x7e: {  	_ =	shalt  }
0x7f: {  	_ =	shalt  }
0x80: {  	_ =	shalt  }
0x81: {  	_ =	shalt  }
0x82: {  	_ =	shalt  }
0x83: {  	_ =	shalt  }
0x84: {  	_ =	shalt  }
0x85: {  	_ =	shalt  }
0x86: {  	_ =	shalt  }
0x87: {  	_ =	shalt  }
.Lfunc_end0:
.L_simem_size_0:
called_computation_lowered:
.L_overlay_start_0:
0x88: {  	s2 =	sld [smem:$0x3FD9]  }
0x89: {  	s3 =	sld [smem:$0x3FFE];
	_ =	sdelay $0x1  }
0x8a: {  	s1 =	srdreg.scid  }
0x8b: {  	s0 =	sand.u32 $0x1, s1  }
0x8c: {  	s17 =	sshll.u32 s0, $0xA;
	s2 =	sadd.s32 s3, s2  }
0x8d: {  	s2 =	sadd.s32 s2, s17  }
0x8e: {  	[smem:$0x3FC1] =	sst s2  }
0x8f: {  	_ = 	snop  }
0x90: {  	s2 =	sld [smem:$0x3FD0];
	(tm) =	ssettm $0x1  }
0x91: {  	s18 =	sld [smem:$0x3FFB];
	_ =	sdelay $0x3  }
0x92: {  	_ =	strace s18  }
0x93: {  	s3 =	sld [smem:$0x3FFC];
	_ =	sdelay $0x3  }
0x94: {  	_ =	strace s3  }
0x95: {  	s3 =	sld [smem:$0x3FFD];
	_ =	sdelay $0x3  }
0x96: {  	_ =	strace s3  }
0x97: {  	_ =	strace $0x8FFFFFFF  }
0x98: {  	s19 =	sld [smem:$0x3FDB];
	_ =	sdelay $0x1  }
0x99: {  	s4 =	simm.s32 $_scs_section_size  }
0x9a: {  	s5 =	simm.s32 $_size__tile_overlayer_lowered;
	s6 =	simm.s32 $_tile_overlayer_lowered  }
0x9b: {  	s22 =	simm.s32 $0x1BFF;
	s21 =	sshll.u32 s6, $0x1;
	s3 =	sadd.s32 s4, s19  }
0x9c: {  	s7 =	simm.s32 $0x0;
	s20 =	sshll.u32 s5, $0x1;
	s5 =	sadd.s32 s21, s3  }
0x9d: {  	[timem:s7], [sflag:s22] =	dma.local [hbm:s5], s20  }
0x9e: {  	_ =	swait.ge [sflag:s22], s20  }
0x9f: {  	s4 =	ssub.s32 $0x0, s20;
	[sflag:s22] =	ssyncset.done $0x0  }
0xa0: {  	[sflag:s22] =	ssyncadd.s32 s4;
	_ =	sdelay $0x1  }
0xa1: {  	s23 =	simm.s32 $0x1B8B  }
0xa2: {  	_ =	swait.ge [sflag:s23], $0x1  }
0xa3: {  	[sflag:s23] =	ssyncset.done $0x0  }
0xa4: {  	s25 =	simm.s32 $0x1B8E;
	s24 =	sld [smem:$0x3FFE];
	[sflag:s23] =	ssyncadd.s32 $0xFFFFFFFF  }
0xa5: {  	s26 =	simm.s32 $execute0_lowered;
	[smem:$0x3FD2] =	sst s25  }
0xa6: {  	s5 =	sshll.u32 s26, $0x1;
	_ =	strace $0x80000046;
	[dreg:$0x1] =	wrdreg $0xFFFFFFFF  }
0xa7: {  	s28 =	simm.s32 $_size_execute0_lowered;
	s3 =	sadd.s32 s3, s5;
	[dreg:$0x0] =	wrdreg $0x0  }
0xa8: {  	s5 =	sshll.u32 s28, $0x1;
	[dreg:$0x2] =	wrdreg s3  }
0xa9: {  	[dreg:$0x3] =	wrdreg s5  }
0xaa: {  	[dreg:$0x4] =	wrdreg $0xC0  }
0xab: {  	_ =	task [dreg:s7], $0x5FFFF  }
0xac: {  	[dreg:$0x1] =	wrdreg $0xFFFFFFFF  }
0xad: {  	[dreg:$0x0] =	wrdreg $0x60  }
0xae: {  	[dreg:$0x2] =	wrdreg s2  }
0xaf: {  	[dreg:$0x3] =	wrdreg s24  }
0xb0: {  	[dreg:$0x4] =	wrdreg $0xB8000  }
0xb1: {  	[dreg:$0x5] =	wrdreg $0x9  }
0xb2: {  	_ =	task.clear_ibuf [dreg:s7], $0x6FFFF;
	_ =	strace $0x90000046  }
0xb3: {  	s29 =	simm.s32 $0x9;
	_ =	strace $0x80000048  }
0xb4: {  	_ =	swait.ge [sflag:s29], $0x1  }
0xb5: {  	[sflag:s29] =	ssyncadd.s32 $0xFFFFFFFF  }
0xb6: {  	_ =	strace $0x90000048  }
0xb7: {  	_ =	sfence  }
0xb8: {  	s30 =	sld [smem:$0x0];
	_ =	sdelay $0x2  }
0xb9: {  	s31 =	sshll.u32 s1, $0xD;
	s1 =	sshrl.u32 s1, $0x2  }
0xba: {  	s3 =	sand.u32 $0x4000, s31;
	s1 =	sadd.s32 s1, s30  }
0xbb: {  	s0 =	sor.u32 s3, s0;
	s1 =	sshll.u32 s1, $0x11  }
0xbc: {  	s0 =	sor.u32 s1, s0  }
0xbd: {  	s0 =	sadd.s32 $0x8F2B, s0  }
0xbe: {  	[sflag:s0] =	ssyncadd.remote.s32 $0x1  }
0xbf: {  	_ =	sfence.sel $0xFFFF  }
0xc0: {  	[dreg:$0x0] =	wrdreg $0xFFFFFFFF;
	(pc) =	sbr.abs _section_cstart, $3  }
0xc1: {  	[dreg:$0x1] =	wrdreg $0xFFFFFFFF  }
0xc2: {  	_ =	task.clear_ibuf [dreg:s7], $0x2FFFF;
	_ =	strace $0x9FFFFFFF  }
0xc3: {  	(tm) =	ssettm $0x7FFFFFFF  }
tec
execute0_lowered:
.L_overlay_start_1:
0x0: {  	(tag) =	ssettag $0x1  }
0x1: {  	s0 =	rddreg [dreg:$0x0]  }
0x2: {  	s1 =	rddreg [dreg:$0x1]  }
0x3: {  	s2 =	rddreg [dreg:$0x2];
	s4 =	srdreg.scid  }
0x4: {  	s14 =	stileid.u32;
	s3 =	simm.s32 $0x0;
	s13 =	simm.s32 $0x4000  }
0x5: {  	s18 =	simm.s32 $0x50;
	s28 =	simm.s32 $0x3000;
	s29 =	simm.s32 $0x3200  }
0x6: {  	s30 =	simm.s32 $0x3600;
	s31 =	simm.s32 $0x3A00;
	s4 =	sand.u32 $0x1, s4  }
0x7: {  	s5 =	sshll.u32 s14, $0x1;
	[smem:$0x7FF] =	sst s3;
	s7 =	smul.u32 $0x4E000, s14  }
0x8: {  	s21 =	smul.u32 $0x2700, s14;
	s15 =	sadd.s32 $0x124800, s2;
	p0 =	seq.s32 s14, $0xF  }
0x9: {  	s8 =	sor.u32 s4, s5;
	_ =	strace $0x80000047;
	s4 =	ssub.s32 $0x2, s4  }
0xa: {  	s15 =	sshrl.u32 @p0 s15, $0x3;
	s5 =	sshll.u32 s8, $0x6;
	s6 =	sshrl.u32 s4, $0x1  }
0xb: {  	s20 =	sshrl.u32 s7, $0x2;
	s22 =	sshll.u32 s8, $0x2;
	s23 =	smul.u32 $0x1400, s8  }
0xc: {  	s7 =	sadd.s32 $0x24900, s0;
	p1 =	seq.s32 s8, $0x1F;
	s5 =	sadd.s32 s5, s1  }
0xd: {  	s1 =	sadd.s32 $0x11C00, s1;
	s9 =	ssub.s32 s4, s6;
	s10 =	sadd.s32 s20, s2  }
0xe: {  	s19 =	sor.u32 $0x2, s22;
	s20 =	sshllo.u32 s8, $0x2;
	s8 =	simm.s32 $0x3400  }
0xf: {  	s22 =	simm.s32 $0x2;
	s4 =	sadd.s32 $0x1C00, s5;
	s11 =	smul.u32 $0x500, s19  }
0x10: {  	s5 =	sadd.s32 s0, s21;
	s6 =	sadd.s32 s1, s23;
	s12 =	smul.u32 $0x500, s20  }
0x11: {  	s0 =	sshll.u32 @!p0 s14, $0x6;
	s14 =	simm.s32 $0x5;
	s17 =	sshrl.u32 @!p0 s10, $0x3  }
0x12: {  	p2 =	sgt.u32 s19, $0x7C;
	p3 =	sgt.u32 s20, $0x7C;
	s10 =	simm.s32 $0x3C00  }
0x13: {  	s19 =	simm.s32 $0x1;
	s20 =	simm.s32 $0x4;
	s21 =	simm.s32 $0x3  }
.Ltmp0:
0x14: {  	s23 =	simm.s32 $0x6800;
	s24 =	sadd.s32 $0x500, s6;
	(pc) =	sbr.rel .LBB2_1-.Ltmp0, $4  }
0x15: {  	s16 =	sor.u32 @!p0 $0x1C05, s0;
	s0 =	simm.s32 $0x3E00;
	[dreg:$0x4] =	wrdreg s24  }
0x16: {  	s25 =	sadd.s32 s1, s11;
	s26 =	sadd.s32 s1, s12;
	s11 =	smax.u32 s9, $0x1  }
0x17: {  	s12 =	simm.s32 $0x200;
	s9 =	simm.s32 $0x3800;
	[dreg:$0x5] =	wrdreg s25  }
0x18: {  	v0 =	vimm.f32 $0.0e+00;
	s1 =	simm.s32 $0x9000;
	s24 =	simm.s32 $0x0;
	[dreg:$0x6] =	wrdreg s26  }
.LBB2_21:
0x19: {  	s24 =	sadd.s32 $0x1, s24  }
0x1a: {  	p4 =	sne.s32 s24, s11  }
.Ltmp1:
0x1b: {  	_ = 	snop;
	(pc) =	sbr.rel @!p4 .LBB2_22-.Ltmp1, $1  }
0x1c: {  	_ =	sdelay $0x3  }
.LBB2_1:
0x1d: {  	[tilespmem:s3], [sflag:$0x5] =	stream.strided.gather [hbm4b:s4+s12], $0x4000, s13, s12, $0x38;
	[tilespmem:$0x1F080] =	vst v63  }
0x1e: {  	_ =	swait.ge [sflag:s14], $0x4000  }
0x1f: {  	[sflag:s14] =	ssyncset.done $0x0  }
0x20: {  	s25 =	simm.s32 @p0 $0x1FC5;
	[sflag:s14] =	ssyncadd.s32 $0xFFFFC000  }
0x21: {  	[spmem:s15], [sflag:s25] =	dma.local @p0 [hbm:s7], $0x2800  }
0x22: {  	s25 =	simm.s32 @p0 $0x5  }
0x23: {  	_ =	swait.ge @p0 [sflag:s25], $0x2800  }
0x24: {  	[sflag:s25] =	ssyncset.done @p0 $0x0  }
0x25: {  	[sflag:s25] =	ssyncadd.s32 @p0 $0xFFFFD800;
	s25 =	simm.s32 @!p0 $0x5  }
0x26: {  	[spmem:s17], [sflag:s16] =	dma.local @!p0 [hbm:s5], $0x2700  }
0x27: {  	_ =	swait.ge @!p0 [sflag:s25], $0x2700  }
0x28: {  	[sflag:s25] =	ssyncset.done @!p0 $0x0  }
0x29: {  	[sflag:s25] =	ssyncadd.s32 @!p0 $0xFFFFD900  }
0x2a: {  	s26 =	simm.s32 $0x200;
	s25 =	simm.s32 $0x0;
	[bflag:$0x0] =	sbarrier.arrive $0xFFFF  }
.LBB2_2:
0x2b: {  	p4 =	sne.s32 s26, $0x9E00;
	[tilespmem:s25+$0x4070] =	vst v0  }
0x2c: {  	[tilespmem:s25+$0x4000] =	vst v0  }
0x2d: {  	[tilespmem:s25+$0x4010] =	vst v0  }
.Ltmp2:
0x2e: {  	[tilespmem:s25+$0x4020] =	vst v0;
	(pc) =	sbr.rel @p4 .LBB2_2-.Ltmp2, $4  }
0x2f: {  	[tilespmem:s25+$0x4030] =	vst v0  }
0x30: {  	[tilespmem:s25+$0x4040] =	vst v0  }
0x31: {  	[tilespmem:s25+$0x4050] =	vst v0  }
0x32: {  	[tilespmem:s25+$0x4060] =	vst v0;
	s25 =	sshra.s32 s26, $0x2;
	s26 =	sadd.s32 $0x200, s26  }
0x33: {  	[tilespmem:s25+$0x4070] =	vst v0  }
0x34: {  	[tilespmem:s25+$0x4000] =	vst v0  }
0x35: {  	[tilespmem:s25+$0x4010] =	vst v0  }
0x36: {  	[tilespmem:s25+$0x4020] =	vst v0  }
0x37: {  	[tilespmem:s25+$0x4030] =	vst v0  }
0x38: {  	[tilespmem:s25+$0x4040] =	vst v0  }
0x39: {  	[tilespmem:s25+$0x4050] =	vst v0  }
0x3a: {  	[tilespmem:s25+$0x4060] =	vst v0;
	s25 =	simm.s32 $0x0  }
0x3b: {  	[tilespmem:s13], [sflag:$0x1] =	stream.indirect.gather.add.f32 [spmem:s2], $0x80, s25, s18, $0xb8;
	[tilespmem:$0x1F080] =	vst v63  }
0x3c: {  	_ = 	snop  }
0x3d: {  	[tilespmem:s13], [sflag:$0x1] =	stream.indirect.gather.add.f32 [spmem:s2], $0x80, s12, s18, $0xb8;
	[tilespmem:$0x1F080] =	vst v63  }
0x3e: {  	s26 =	simm.s32 $0x400  }
0x3f: {  	[tilespmem:s13], [sflag:$0x1] =	stream.indirect.gather.add.f32 [spmem:s2], $0x80, s26, s18, $0xb8;
	[tilespmem:$0x1F080] =	vst v63  }
0x40: {  	s26 =	simm.s32 $0x600  }
0x41: {  	[tilespmem:s13], [sflag:$0x1] =	stream.indirect.gather.add.f32 [spmem:s2], $0x80, s26, s18, $0xb8;
	[tilespmem:$0x1F080] =	vst v63  }
0x42: {  	s26 =	simm.s32 $0x800  }
0x43: {  	[tilespmem:s13], [sflag:$0x1] =	stream.indirect.gather.add.f32 [spmem:s2], $0x80, s26, s18, $0xb8;
	[tilespmem:$0x1F080] =	vst v63  }
0x44: {  	s26 =	simm.s32 $0xA00  }
0x45: {  	[tilespmem:s13], [sflag:$0x1] =	stream.indirect.gather.add.f32 [spmem:s2], $0x80, s26, s18, $0xb8;
	[tilespmem:$0x1F080] =	vst v63  }
0x46: {  	s26 =	simm.s32 $0xC00  }
0x47: {  	[tilespmem:s13], [sflag:$0x1] =	stream.indirect.gather.add.f32 [spmem:s2], $0x80, s26, s18, $0xb8;
	[tilespmem:$0x1F080] =	vst v63  }
0x48: {  	s26 =	simm.s32 $0xE00  }
0x49: {  	[tilespmem:s13], [sflag:$0x1] =	stream.indirect.gather.add.f32 [spmem:s2], $0x80, s26, s18, $0xb8;
	[tilespmem:$0x1F080] =	vst v63  }
0x4a: {  	s26 =	simm.s32 $0x1000  }
0x4b: {  	[tilespmem:s13], [sflag:$0x1] =	stream.indirect.gather.add.f32 [spmem:s2], $0x80, s26, s18, $0xb8;
	[tilespmem:$0x1F080] =	vst v63  }
0x4c: {  	s26 =	simm.s32 $0x1200  }
0x4d: {  	[tilespmem:s13], [sflag:$0x1] =	stream.indirect.gather.add.f32 [spmem:s2], $0x80, s26, s18, $0xb8;
	[tilespmem:$0x1F080] =	vst v63  }
0x4e: {  	s26 =	simm.s32 $0x1400  }
0x4f: {  	[tilespmem:s13], [sflag:$0x1] =	stream.indirect.gather.add.f32 [spmem:s2], $0x80, s26, s18, $0xb8;
	[tilespmem:$0x1F080] =	vst v63  }
0x50: {  	s26 =	simm.s32 $0x1600  }
0x51: {  	[tilespmem:s13], [sflag:$0x1] =	stream.indirect.gather.add.f32 [spmem:s2], $0x80, s26, s18, $0xb8;
	[tilespmem:$0x1F080] =	vst v63  }
0x52: {  	s26 =	simm.s32 $0x1800  }
0x53: {  	[tilespmem:s13], [sflag:$0x1] =	stream.indirect.gather.add.f32 [spmem:s2], $0x80, s26, s18, $0xb8;
	[tilespmem:$0x1F080] =	vst v63  }
0x54: {  	s26 =	simm.s32 $0x1A00  }
0x55: {  	[tilespmem:s13], [sflag:$0x1] =	stream.indirect.gather.add.f32 [spmem:s2], $0x80, s26, s18, $0xb8;
	[tilespmem:$0x1F080] =	vst v63  }
0x56: {  	s26 =	simm.s32 $0x1C00  }
0x57: {  	[tilespmem:s13], [sflag:$0x1] =	stream.indirect.gather.add.f32 [spmem:s2], $0x80, s26, s18, $0xb8;
	[tilespmem:$0x1F080] =	vst v63  }
0x58: {  	s26 =	simm.s32 $0x1E00  }
0x59: {  	[tilespmem:s13], [sflag:$0x1] =	stream.indirect.gather.add.f32 [spmem:s2], $0x80, s26, s18, $0xb8;
	[tilespmem:$0x1F080] =	vst v63  }
0x5a: {  	s26 =	simm.s32 $0x2000  }
0x5b: {  	[tilespmem:s13], [sflag:$0x1] =	stream.indirect.gather.add.f32 [spmem:s2], $0x80, s26, s18, $0xb8;
	[tilespmem:$0x1F080] =	vst v63  }
0x5c: {  	s26 =	simm.s32 $0x2200  }
0x5d: {  	[tilespmem:s13], [sflag:$0x1] =	stream.indirect.gather.add.f32 [spmem:s2], $0x80, s26, s18, $0xb8;
	[tilespmem:$0x1F080] =	vst v63  }
0x5e: {  	s26 =	simm.s32 $0x2400  }
0x5f: {  	[tilespmem:s13], [sflag:$0x1] =	stream.indirect.gather.add.f32 [spmem:s2], $0x80, s26, s18, $0xb8;
	[tilespmem:$0x1F080] =	vst v63  }
0x60: {  	s26 =	simm.s32 $0x2600  }
0x61: {  	[tilespmem:s13], [sflag:$0x1] =	stream.indirect.gather.add.f32 [spmem:s2], $0x80, s26, s18, $0xb8;
	[tilespmem:$0x1F080] =	vst v63  }
0x62: {  	s26 =	simm.s32 $0x2800  }
0x63: {  	[tilespmem:s13], [sflag:$0x1] =	stream.indirect.gather.add.f32 [spmem:s2], $0x80, s26, s18, $0xb8;
	[tilespmem:$0x1F080] =	vst v63  }
0x64: {  	s26 =	simm.s32 $0x2A00  }
0x65: {  	[tilespmem:s13], [sflag:$0x1] =	stream.indirect.gather.add.f32 [spmem:s2], $0x80, s26, s18, $0xb8;
	[tilespmem:$0x1F080] =	vst v63  }
0x66: {  	s26 =	simm.s32 $0x2C00  }
0x67: {  	[tilespmem:s13], [sflag:$0x1] =	stream.indirect.gather.add.f32 [spmem:s2], $0x80, s26, s18, $0xb8;
	[tilespmem:$0x1F080] =	vst v63  }
0x68: {  	s26 =	simm.s32 $0x2E00  }
0x69: {  	[tilespmem:s13], [sflag:$0x1] =	stream.indirect.gather.add.f32 [spmem:s2], $0x80, s26, s18, $0xb8;
	[tilespmem:$0x1F080] =	vst v63  }
0x6a: {  	_ = 	snop  }
0x6b: {  	[tilespmem:s13], [sflag:$0x1] =	stream.indirect.gather.add.f32 [spmem:s2], $0x80, s28, s18, $0xb8;
	[tilespmem:$0x1F080] =	vst v63  }
0x6c: {  	_ = 	snop  }
0x6d: {  	[tilespmem:s13], [sflag:$0x1] =	stream.indirect.gather.add.f32 [spmem:s2], $0x80, s29, s18, $0xb8;
	[tilespmem:$0x1F080] =	vst v63  }
0x6e: {  	_ = 	snop  }
0x6f: {  	[tilespmem:s13], [sflag:$0x1] =	stream.indirect.gather.add.f32 [spmem:s2], $0x80, s8, s18, $0xb8;
	[tilespmem:$0x1F080] =	vst v63  }
0x70: {  	_ = 	snop  }
0x71: {  	[tilespmem:s13], [sflag:$0x1] =	stream.indirect.gather.add.f32 [spmem:s2], $0x80, s30, s18, $0xb8;
	[tilespmem:$0x1F080] =	vst v63  }
0x72: {  	_ = 	snop  }
0x73: {  	[tilespmem:s13], [sflag:$0x1] =	stream.indirect.gather.add.f32 [spmem:s2], $0x80, s9, s18, $0xb8;
	[tilespmem:$0x1F080] =	vst v63  }
0x74: {  	_ = 	snop  }
0x75: {  	[tilespmem:s13], [sflag:$0x1] =	stream.indirect.gather.add.f32 [spmem:s2], $0x80, s31, s18, $0xb8;
	[tilespmem:$0x1F080] =	vst v63  }
.Ltmp3:
0x76: {  	_ = 	snop;
	(pc) =	sbr.rel @p1 .LBB2_7-.Ltmp3, $4  }
0x77: {  	_ = 	snop  }
0x78: {  	[tilespmem:s13], [sflag:$0x1] =	stream.indirect.gather.add.f32 [spmem:s2], $0x80, s10, s18, $0xb8;
	[tilespmem:$0x1F080] =	vst v63  }
0x79: {  	_ = 	snop  }
0x7a: {  	[tilespmem:s13], [sflag:$0x1] =	stream.indirect.gather.add.f32 [spmem:s2], $0x80, s0, s18, $0xb8;
	[tilespmem:$0x1F080] =	vst v63  }
0x7b: {  	s26 =	sshra.s32 s25, $0x2;
	s25 =	sadd.s32 $0x200, s25  }
.LBB2_5:
0x7c: {  	p4 =	sne.s32 s25, $0x9E00;
	[tilespmem:s26+$0x6870] =	vst v0  }
0x7d: {  	[tilespmem:s26+$0x6800] =	vst v0  }
0x7e: {  	[tilespmem:s26+$0x6810] =	vst v0  }
.Ltmp4:
0x7f: {  	[tilespmem:s26+$0x6820] =	vst v0;
	(pc) =	sbr.rel @p4 .LBB2_5-.Ltmp4, $4  }
0x80: {  	[tilespmem:s26+$0x6830] =	vst v0  }
0x81: {  	[tilespmem:s26+$0x6840] =	vst v0  }
0x82: {  	[tilespmem:s26+$0x6850] =	vst v0  }
0x83: {  	[tilespmem:s26+$0x6860] =	vst v0;
	s26 =	sshra.s32 s25, $0x2;
	s25 =	sadd.s32 $0x200, s25  }
0x84: {  	[tilespmem:s26+$0x6870] =	vst v0  }
0x85: {  	[tilespmem:s26+$0x6800] =	vst v0  }
0x86: {  	[tilespmem:s26+$0x6810] =	vst v0  }
0x87: {  	[tilespmem:s26+$0x6820] =	vst v0  }
0x88: {  	[tilespmem:s26+$0x6830] =	vst v0  }
0x89: {  	[tilespmem:s26+$0x6840] =	vst v0  }
0x8a: {  	[tilespmem:s26+$0x6850] =	vst v0  }
0x8b: {  	[tilespmem:s26+$0x6860] =	vst v0;
	s25 =	simm.s32 $0x80  }
0x8c: {  	[tilespmem:s23], [sflag:$0x2] =	stream.indirect.gather.add.f32 [spmem:s2], $0x80, s25, s18, $0xb8;
	[tilespmem:$0x1F080] =	vst v63  }
0x8d: {  	s26 =	simm.s32 $0x280  }
0x8e: {  	[tilespmem:s23], [sflag:$0x2] =	stream.indirect.gather.add.f32 [spmem:s2], $0x80, s26, s18, $0xb8;
	[tilespmem:$0x1F080] =	vst v63  }
0x8f: {  	s26 =	simm.s32 $0x480  }
0x90: {  	[tilespmem:s23], [sflag:$0x2] =	stream.indirect.gather.add.f32 [spmem:s2], $0x80, s26, s18, $0xb8;
	[tilespmem:$0x1F080] =	vst v63  }
0x91: {  	s26 =	simm.s32 $0x680  }
0x92: {  	[tilespmem:s23], [sflag:$0x2] =	stream.indirect.gather.add.f32 [spmem:s2], $0x80, s26, s18, $0xb8;
	[tilespmem:$0x1F080] =	vst v63  }
0x93: {  	s26 =	simm.s32 $0x880  }
0x94: {  	[tilespmem:s23], [sflag:$0x2] =	stream.indirect.gather.add.f32 [spmem:s2], $0x80, s26, s18, $0xb8;
	[tilespmem:$0x1F080] =	vst v63  }
0x95: {  	s26 =	simm.s32 $0xA80  }
0x96: {  	[tilespmem:s23], [sflag:$0x2] =	stream.indirect.gather.add.f32 [spmem:s2], $0x80, s26, s18, $0xb8;
	[tilespmem:$0x1F080] =	vst v63  }
0x97: {  	s26 =	simm.s32 $0xC80  }
0x98: {  	[tilespmem:s23], [sflag:$0x2] =	stream.indirect.gather.add.f32 [spmem:s2], $0x80, s26, s18, $0xb8;
	[tilespmem:$0x1F080] =	vst v63  }
0x99: {  	s26 =	simm.s32 $0xE80  }
0x9a: {  	[tilespmem:s23], [sflag:$0x2] =	stream.indirect.gather.add.f32 [spmem:s2], $0x80, s26, s18, $0xb8;
	[tilespmem:$0x1F080] =	vst v63  }
0x9b: {  	s26 =	simm.s32 $0x1080  }
0x9c: {  	[tilespmem:s23], [sflag:$0x2] =	stream.indirect.gather.add.f32 [spmem:s2], $0x80, s26, s18, $0xb8;
	[tilespmem:$0x1F080] =	vst v63  }
0x9d: {  	s26 =	simm.s32 $0x1280  }
0x9e: {  	[tilespmem:s23], [sflag:$0x2] =	stream.indirect.gather.add.f32 [spmem:s2], $0x80, s26, s18, $0xb8;
	[tilespmem:$0x1F080] =	vst v63  }
0x9f: {  	s26 =	simm.s32 $0x1480  }
0xa0: {  	[tilespmem:s23], [sflag:$0x2] =	stream.indirect.gather.add.f32 [spmem:s2], $0x80, s26, s18, $0xb8;
	[tilespmem:$0x1F080] =	vst v63  }
0xa1: {  	s26 =	simm.s32 $0x1680  }
0xa2: {  	[tilespmem:s23], [sflag:$0x2] =	stream.indirect.gather.add.f32 [spmem:s2], $0x80, s26, s18, $0xb8;
	[tilespmem:$0x1F080] =	vst v63  }
0xa3: {  	s26 =	simm.s32 $0x1880  }
0xa4: {  	[tilespmem:s23], [sflag:$0x2] =	stream.indirect.gather.add.f32 [spmem:s2], $0x80, s26, s18, $0xb8;
	[tilespmem:$0x1F080] =	vst v63  }
0xa5: {  	s26 =	simm.s32 $0x1A80  }
0xa6: {  	[tilespmem:s23], [sflag:$0x2] =	stream.indirect.gather.add.f32 [spmem:s2], $0x80, s26, s18, $0xb8;
	[tilespmem:$0x1F080] =	vst v63  }
0xa7: {  	s26 =	simm.s32 $0x1C80  }
0xa8: {  	[tilespmem:s23], [sflag:$0x2] =	stream.indirect.gather.add.f32 [spmem:s2], $0x80, s26, s18, $0xb8;
	[tilespmem:$0x1F080] =	vst v63  }
0xa9: {  	s26 =	simm.s32 $0x1E80  }
0xaa: {  	[tilespmem:s23], [sflag:$0x2] =	stream.indirect.gather.add.f32 [spmem:s2], $0x80, s26, s18, $0xb8;
	[tilespmem:$0x1F080] =	vst v63  }
0xab: {  	s26 =	simm.s32 $0x2080  }
0xac: {  	[tilespmem:s23], [sflag:$0x2] =	stream.indirect.gather.add.f32 [spmem:s2], $0x80, s26, s18, $0xb8;
	[tilespmem:$0x1F080] =	vst v63  }
0xad: {  	s26 =	simm.s32 $0x2280  }
0xae: {  	[tilespmem:s23], [sflag:$0x2] =	stream.indirect.gather.add.f32 [spmem:s2], $0x80, s26, s18, $0xb8;
	[tilespmem:$0x1F080] =	vst v63  }
0xaf: {  	s26 =	simm.s32 $0x2480  }
0xb0: {  	[tilespmem:s23], [sflag:$0x2] =	stream.indirect.gather.add.f32 [spmem:s2], $0x80, s26, s18, $0xb8;
	[tilespmem:$0x1F080] =	vst v63  }
0xb1: {  	s26 =	simm.s32 $0x2680  }
0xb2: {  	[tilespmem:s23], [sflag:$0x2] =	stream.indirect.gather.add.f32 [spmem:s2], $0x80, s26, s18, $0xb8;
	[tilespmem:$0x1F080] =	vst v63  }
0xb3: {  	s26 =	simm.s32 $0x2880  }
0xb4: {  	[tilespmem:s23], [sflag:$0x2] =	stream.indirect.gather.add.f32 [spmem:s2], $0x80, s26, s18, $0xb8;
	[tilespmem:$0x1F080] =	vst v63  }
0xb5: {  	s26 =	simm.s32 $0x2A80  }
0xb6: {  	[tilespmem:s23], [sflag:$0x2] =	stream.indirect.gather.add.f32 [spmem:s2], $0x80, s26, s18, $0xb8;
	[tilespmem:$0x1F080] =	vst v63  }
0xb7: {  	s26 =	simm.s32 $0x2C80  }
0xb8: {  	[tilespmem:s23], [sflag:$0x2] =	stream.indirect.gather.add.f32 [spmem:s2], $0x80, s26, s18, $0xb8;
	[tilespmem:$0x1F080] =	vst v63  }
0xb9: {  	s26 =	simm.s32 $0x2E80  }
0xba: {  	[tilespmem:s23], [sflag:$0x2] =	stream.indirect.gather.add.f32 [spmem:s2], $0x80, s26, s18, $0xb8;
	[tilespmem:$0x1F080] =	vst v63  }
0xbb: {  	s26 =	simm.s32 $0x3080  }
0xbc: {  	[tilespmem:s23], [sflag:$0x2] =	stream.indirect.gather.add.f32 [spmem:s2], $0x80, s26, s18, $0xb8;
	[tilespmem:$0x1F080] =	vst v63  }
0xbd: {  	s26 =	simm.s32 $0x3280  }
0xbe: {  	[tilespmem:s23], [sflag:$0x2] =	stream.indirect.gather.add.f32 [spmem:s2], $0x80, s26, s18, $0xb8;
	[tilespmem:$0x1F080] =	vst v63  }
0xbf: {  	s26 =	simm.s32 $0x3480  }
0xc0: {  	[tilespmem:s23], [sflag:$0x2] =	stream.indirect.gather.add.f32 [spmem:s2], $0x80, s26, s18, $0xb8;
	[tilespmem:$0x1F080] =	vst v63  }
0xc1: {  	s26 =	simm.s32 $0x3680  }
0xc2: {  	[tilespmem:s23], [sflag:$0x2] =	stream.indirect.gather.add.f32 [spmem:s2], $0x80, s26, s18, $0xb8;
	[tilespmem:$0x1F080] =	vst v63  }
0xc3: {  	s26 =	simm.s32 $0x3880  }
0xc4: {  	[tilespmem:s23], [sflag:$0x2] =	stream.indirect.gather.add.f32 [spmem:s2], $0x80, s26, s18, $0xb8;
	[tilespmem:$0x1F080] =	vst v63  }
0xc5: {  	s26 =	simm.s32 $0x3A80  }
0xc6: {  	[tilespmem:s23], [sflag:$0x2] =	stream.indirect.gather.add.f32 [spmem:s2], $0x80, s26, s18, $0xb8;
	[tilespmem:$0x1F080] =	vst v63  }
0xc7: {  	s26 =	simm.s32 $0x3C80  }
0xc8: {  	[tilespmem:s23], [sflag:$0x2] =	stream.indirect.gather.add.f32 [spmem:s2], $0x80, s26, s18, $0xb8;
	[tilespmem:$0x1F080] =	vst v63  }
0xc9: {  	s26 =	simm.s32 $0x3E80  }
0xca: {  	[tilespmem:s23], [sflag:$0x2] =	stream.indirect.gather.add.f32 [spmem:s2], $0x80, s26, s18, $0xb8;
	[tilespmem:$0x1F080] =	vst v63  }
.LBB2_7:
.Ltmp5:
0xcb: {  	(pc) =	sbr.rel @p2 .LBB2_11-.Ltmp5, $2  }
0xcc: {  	_ =	sdelay $0x2  }
0xcd: {  	s26 =	simm.s32 $0x0  }
0xce: {  	s25 =	sshra.s32 s26, $0x2;
	s26 =	sadd.s32 $0x200, s26  }
.LBB2_9:
0xcf: {  	p4 =	sne.s32 s26, $0x9E00;
	[tilespmem:s25+$0x9070] =	vst v0  }
0xd0: {  	[tilespmem:s25+$0x9000] =	vst v0  }
0xd1: {  	[tilespmem:s25+$0x9010] =	vst v0  }
.Ltmp6:
0xd2: {  	[tilespmem:s25+$0x9020] =	vst v0;
	(pc) =	sbr.rel @p4 .LBB2_9-.Ltmp6, $4  }
0xd3: {  	[tilespmem:s25+$0x9030] =	vst v0  }
0xd4: {  	[tilespmem:s25+$0x9040] =	vst v0  }
0xd5: {  	[tilespmem:s25+$0x9050] =	vst v0  }
0xd6: {  	[tilespmem:s25+$0x9060] =	vst v0;
	s25 =	sshra.s32 s26, $0x2;
	s26 =	sadd.s32 $0x200, s26  }
0xd7: {  	[tilespmem:s25+$0x9070] =	vst v0  }
0xd8: {  	[tilespmem:s25+$0x9000] =	vst v0  }
0xd9: {  	[tilespmem:s25+$0x9010] =	vst v0  }
0xda: {  	[tilespmem:s25+$0x9020] =	vst v0  }
0xdb: {  	[tilespmem:s25+$0x9030] =	vst v0  }
0xdc: {  	[tilespmem:s25+$0x9040] =	vst v0  }
0xdd: {  	[tilespmem:s25+$0x9050] =	vst v0  }
0xde: {  	[tilespmem:s25+$0x9060] =	vst v0;
	s26 =	simm.s32 $0x100  }
0xdf: {  	[tilespmem:s1], [sflag:$0x3] =	stream.indirect.gather.add.f32 [spmem:s2], $0x80, s26, s18, $0xb8;
	[tilespmem:$0x1F080] =	vst v63  }
0xe0: {  	s26 =	simm.s32 $0x300  }
0xe1: {  	[tilespmem:s1], [sflag:$0x3] =	stream.indirect.gather.add.f32 [spmem:s2], $0x80, s26, s18, $0xb8;
	[tilespmem:$0x1F080] =	vst v63  }
0xe2: {  	s26 =	simm.s32 $0x500  }
0xe3: {  	[tilespmem:s1], [sflag:$0x3] =	stream.indirect.gather.add.f32 [spmem:s2], $0x80, s26, s18, $0xb8;
	[tilespmem:$0x1F080] =	vst v63  }
0xe4: {  	s26 =	simm.s32 $0x700  }
0xe5: {  	[tilespmem:s1], [sflag:$0x3] =	stream.indirect.gather.add.f32 [spmem:s2], $0x80, s26, s18, $0xb8;
	[tilespmem:$0x1F080] =	vst v63  }
0xe6: {  	s26 =	simm.s32 $0x900  }
0xe7: {  	[tilespmem:s1], [sflag:$0x3] =	stream.indirect.gather.add.f32 [spmem:s2], $0x80, s26, s18, $0xb8;
	[tilespmem:$0x1F080] =	vst v63  }
0xe8: {  	s26 =	simm.s32 $0xB00  }
0xe9: {  	[tilespmem:s1], [sflag:$0x3] =	stream.indirect.gather.add.f32 [spmem:s2], $0x80, s26, s18, $0xb8;
	[tilespmem:$0x1F080] =	vst v63  }
0xea: {  	s26 =	simm.s32 $0xD00  }
0xeb: {  	[tilespmem:s1], [sflag:$0x3] =	stream.indirect.gather.add.f32 [spmem:s2], $0x80, s26, s18, $0xb8;
	[tilespmem:$0x1F080] =	vst v63  }
0xec: {  	s26 =	simm.s32 $0xF00  }
0xed: {  	[tilespmem:s1], [sflag:$0x3] =	stream.indirect.gather.add.f32 [spmem:s2], $0x80, s26, s18, $0xb8;
	[tilespmem:$0x1F080] =	vst v63  }
0xee: {  	s26 =	simm.s32 $0x1100  }
0xef: {  	[tilespmem:s1], [sflag:$0x3] =	stream.indirect.gather.add.f32 [spmem:s2], $0x80, s26, s18, $0xb8;
	[tilespmem:$0x1F080] =	vst v63  }
0xf0: {  	s26 =	simm.s32 $0x1300  }
0xf1: {  	[tilespmem:s1], [sflag:$0x3] =	stream.indirect.gather.add.f32 [spmem:s2], $0x80, s26, s18, $0xb8;
	[tilespmem:$0x1F080] =	vst v63  }
0xf2: {  	s26 =	simm.s32 $0x1500  }
0xf3: {  	[tilespmem:s1], [sflag:$0x3] =	stream.indirect.gather.add.f32 [spmem:s2], $0x80, s26, s18, $0xb8;
	[tilespmem:$0x1F080] =	vst v63  }
0xf4: {  	s26 =	simm.s32 $0x1700  }
0xf5: {  	[tilespmem:s1], [sflag:$0x3] =	stream.indirect.gather.add.f32 [spmem:s2], $0x80, s26, s18, $0xb8;
	[tilespmem:$0x1F080] =	vst v63  }
0xf6: {  	s26 =	simm.s32 $0x1900  }
0xf7: {  	[tilespmem:s1], [sflag:$0x3] =	stream.indirect.gather.add.f32 [spmem:s2], $0x80, s26, s18, $0xb8;
	[tilespmem:$0x1F080] =	vst v63  }
0xf8: {  	s26 =	simm.s32 $0x1B00  }
0xf9: {  	[tilespmem:s1], [sflag:$0x3] =	stream.indirect.gather.add.f32 [spmem:s2], $0x80, s26, s18, $0xb8;
	[tilespmem:$0x1F080] =	vst v63  }
0xfa: {  	s26 =	simm.s32 $0x1D00  }
0xfb: {  	[tilespmem:s1], [sflag:$0x3] =	stream.indirect.gather.add.f32 [spmem:s2], $0x80, s26, s18, $0xb8;
	[tilespmem:$0x1F080] =	vst v63  }
0xfc: {  	s26 =	simm.s32 $0x1F00  }
0xfd: {  	[tilespmem:s1], [sflag:$0x3] =	stream.indirect.gather.add.f32 [spmem:s2], $0x80, s26, s18, $0xb8;
	[tilespmem:$0x1F080] =	vst v63  }
0xfe: {  	s26 =	simm.s32 $0x2100  }
0xff: {  	[tilespmem:s1], [sflag:$0x3] =	stream.indirect.gather.add.f32 [spmem:s2], $0x80, s26, s18, $0xb8;
	[tilespmem:$0x1F080] =	vst v63  }
0x100: {  	s26 =	simm.s32 $0x2300  }
0x101: {  	[tilespmem:s1], [sflag:$0x3] =	stream.indirect.gather.add.f32 [spmem:s2], $0x80, s26, s18, $0xb8;
	[tilespmem:$0x1F080] =	vst v63  }
0x102: {  	s26 =	simm.s32 $0x2500  }
0x103: {  	[tilespmem:s1], [sflag:$0x3] =	stream.indirect.gather.add.f32 [spmem:s2], $0x80, s26, s18, $0xb8;
	[tilespmem:$0x1F080] =	vst v63  }
0x104: {  	s26 =	simm.s32 $0x2700  }
0x105: {  	[tilespmem:s1], [sflag:$0x3] =	stream.indirect.gather.add.f32 [spmem:s2], $0x80, s26, s18, $0xb8;
	[tilespmem:$0x1F080] =	vst v63  }
0x106: {  	s26 =	simm.s32 $0x2900  }
0x107: {  	[tilespmem:s1], [sflag:$0x3] =	stream.indirect.gather.add.f32 [spmem:s2], $0x80, s26, s18, $0xb8;
	[tilespmem:$0x1F080] =	vst v63  }
0x108: {  	s26 =	simm.s32 $0x2B00  }
0x109: {  	[tilespmem:s1], [sflag:$0x3] =	stream.indirect.gather.add.f32 [spmem:s2], $0x80, s26, s18, $0xb8;
	[tilespmem:$0x1F080] =	vst v63  }
0x10a: {  	s26 =	simm.s32 $0x2D00  }
0x10b: {  	[tilespmem:s1], [sflag:$0x3] =	stream.indirect.gather.add.f32 [spmem:s2], $0x80, s26, s18, $0xb8;
	[tilespmem:$0x1F080] =	vst v63  }
0x10c: {  	s26 =	simm.s32 $0x2F00  }
0x10d: {  	[tilespmem:s1], [sflag:$0x3] =	stream.indirect.gather.add.f32 [spmem:s2], $0x80, s26, s18, $0xb8;
	[tilespmem:$0x1F080] =	vst v63  }
0x10e: {  	s26 =	simm.s32 $0x3100  }
0x10f: {  	[tilespmem:s1], [sflag:$0x3] =	stream.indirect.gather.add.f32 [spmem:s2], $0x80, s26, s18, $0xb8;
	[tilespmem:$0x1F080] =	vst v63  }
0x110: {  	s26 =	simm.s32 $0x3300  }
0x111: {  	[tilespmem:s1], [sflag:$0x3] =	stream.indirect.gather.add.f32 [spmem:s2], $0x80, s26, s18, $0xb8;
	[tilespmem:$0x1F080] =	vst v63  }
0x112: {  	s26 =	simm.s32 $0x3500  }
0x113: {  	[tilespmem:s1], [sflag:$0x3] =	stream.indirect.gather.add.f32 [spmem:s2], $0x80, s26, s18, $0xb8;
	[tilespmem:$0x1F080] =	vst v63  }
0x114: {  	s26 =	simm.s32 $0x3700  }
0x115: {  	[tilespmem:s1], [sflag:$0x3] =	stream.indirect.gather.add.f32 [spmem:s2], $0x80, s26, s18, $0xb8;
	[tilespmem:$0x1F080] =	vst v63  }
0x116: {  	s26 =	simm.s32 $0x3900  }
0x117: {  	[tilespmem:s1], [sflag:$0x3] =	stream.indirect.gather.add.f32 [spmem:s2], $0x80, s26, s18, $0xb8;
	[tilespmem:$0x1F080] =	vst v63  }
0x118: {  	s26 =	simm.s32 $0x3B00  }
0x119: {  	[tilespmem:s1], [sflag:$0x3] =	stream.indirect.gather.add.f32 [spmem:s2], $0x80, s26, s18, $0xb8;
	[tilespmem:$0x1F080] =	vst v63  }
0x11a: {  	s26 =	simm.s32 $0x3D00  }
0x11b: {  	[tilespmem:s1], [sflag:$0x3] =	stream.indirect.gather.add.f32 [spmem:s2], $0x80, s26, s18, $0xb8;
	[tilespmem:$0x1F080] =	vst v63  }
0x11c: {  	s26 =	simm.s32 $0x3F00  }
0x11d: {  	[tilespmem:s1], [sflag:$0x3] =	stream.indirect.gather.add.f32 [spmem:s2], $0x80, s26, s18, $0xb8;
	[tilespmem:$0x1F080] =	vst v63  }
.LBB2_11:
0x11e: {  	_ =	swait.ge [sflag:s19], $0x2800  }
0x11f: {  	[sflag:s19] =	ssyncset.done $0x0  }
0x120: {  	[sflag:s19] =	ssyncadd.s32 $0xFFFFD800  }
0x121: {  	_ =	swait.ge [sflag:s19], $0x2800  }
0x122: {  	[sflag:s19] =	ssyncset.done $0x0  }
0x123: {  	[sflag:s19] =	ssyncadd.s32 $0xFFFFD800  }
0x124: {  	_ =	swait.ge [sflag:s19], $0x2800  }
0x125: {  	[sflag:s19] =	ssyncset.done $0x0  }
0x126: {  	[sflag:s19] =	ssyncadd.s32 $0xFFFFD800  }
0x127: {  	_ =	swait.ge [sflag:s19], $0x2800  }
0x128: {  	[sflag:s19] =	ssyncset.done $0x0  }
0x129: {  	[sflag:s19] =	ssyncadd.s32 $0xFFFFD800  }
0x12a: {  	_ =	swait.ge [sflag:s19], $0x2800  }
0x12b: {  	[sflag:s19] =	ssyncset.done $0x0  }
0x12c: {  	[sflag:s19] =	ssyncadd.s32 $0xFFFFD800  }
0x12d: {  	_ =	swait.ge [sflag:s19], $0x2800  }
0x12e: {  	[sflag:s19] =	ssyncset.done $0x0  }
0x12f: {  	[sflag:s19] =	ssyncadd.s32 $0xFFFFD800  }
0x130: {  	_ =	swait.ge [sflag:s19], $0x2800  }
0x131: {  	[sflag:s19] =	ssyncset.done $0x0  }
0x132: {  	[sflag:s19] =	ssyncadd.s32 $0xFFFFD800  }
0x133: {  	_ =	swait.ge [sflag:s19], $0x2800  }
0x134: {  	[sflag:s19] =	ssyncset.done $0x0  }
0x135: {  	[sflag:s19] =	ssyncadd.s32 $0xFFFFD800  }
0x136: {  	_ =	swait.ge [sflag:s19], $0x2800  }
0x137: {  	[sflag:s19] =	ssyncset.done $0x0  }
0x138: {  	[sflag:s19] =	ssyncadd.s32 $0xFFFFD800  }
0x139: {  	_ =	swait.ge [sflag:s19], $0x2800  }
0x13a: {  	[sflag:s19] =	ssyncset.done $0x0  }
0x13b: {  	[sflag:s19] =	ssyncadd.s32 $0xFFFFD800  }
0x13c: {  	_ =	swait.ge [sflag:s19], $0x2800  }
0x13d: {  	[sflag:s19] =	ssyncset.done $0x0  }
0x13e: {  	[sflag:s19] =	ssyncadd.s32 $0xFFFFD800  }
0x13f: {  	_ =	swait.ge [sflag:s19], $0x2800  }
0x140: {  	[sflag:s19] =	ssyncset.done $0x0  }
0x141: {  	[sflag:s19] =	ssyncadd.s32 $0xFFFFD800  }
0x142: {  	_ =	swait.ge [sflag:s19], $0x2800  }
0x143: {  	[sflag:s19] =	ssyncset.done $0x0  }
0x144: {  	[sflag:s19] =	ssyncadd.s32 $0xFFFFD800  }
0x145: {  	_ =	swait.ge [sflag:s19], $0x2800  }
0x146: {  	[sflag:s19] =	ssyncset.done $0x0  }
0x147: {  	[sflag:s19] =	ssyncadd.s32 $0xFFFFD800  }
0x148: {  	_ =	swait.ge [sflag:s19], $0x2800  }
0x149: {  	[sflag:s19] =	ssyncset.done $0x0  }
0x14a: {  	[sflag:s19] =	ssyncadd.s32 $0xFFFFD800  }
0x14b: {  	_ =	swait.ge [sflag:s19], $0x2800  }
0x14c: {  	[sflag:s19] =	ssyncset.done $0x0  }
0x14d: {  	[sflag:s19] =	ssyncadd.s32 $0xFFFFD800  }
0x14e: {  	_ =	swait.ge [sflag:s19], $0x2800  }
0x14f: {  	[sflag:s19] =	ssyncset.done $0x0  }
0x150: {  	[sflag:s19] =	ssyncadd.s32 $0xFFFFD800  }
0x151: {  	_ =	swait.ge [sflag:s19], $0x2800  }
0x152: {  	[sflag:s19] =	ssyncset.done $0x0  }
0x153: {  	[sflag:s19] =	ssyncadd.s32 $0xFFFFD800  }
0x154: {  	_ =	swait.ge [sflag:s19], $0x2800  }
0x155: {  	[sflag:s19] =	ssyncset.done $0x0  }
0x156: {  	[sflag:s19] =	ssyncadd.s32 $0xFFFFD800  }
0x157: {  	_ =	swait.ge [sflag:s19], $0x2800  }
0x158: {  	[sflag:s19] =	ssyncset.done $0x0  }
0x159: {  	[sflag:s19] =	ssyncadd.s32 $0xFFFFD800  }
0x15a: {  	_ =	swait.ge [sflag:s19], $0x2800  }
0x15b: {  	[sflag:s19] =	ssyncset.done $0x0  }
0x15c: {  	[sflag:s19] =	ssyncadd.s32 $0xFFFFD800  }
0x15d: {  	_ =	swait.ge [sflag:s19], $0x2800  }
0x15e: {  	[sflag:s19] =	ssyncset.done $0x0  }
0x15f: {  	[sflag:s19] =	ssyncadd.s32 $0xFFFFD800  }
0x160: {  	_ =	swait.ge [sflag:s19], $0x2800  }
0x161: {  	[sflag:s19] =	ssyncset.done $0x0  }
0x162: {  	[sflag:s19] =	ssyncadd.s32 $0xFFFFD800  }
0x163: {  	_ =	swait.ge [sflag:s19], $0x2800  }
0x164: {  	[sflag:s19] =	ssyncset.done $0x0  }
0x165: {  	[sflag:s19] =	ssyncadd.s32 $0xFFFFD800  }
0x166: {  	_ =	swait.ge [sflag:s19], $0x2800  }
0x167: {  	[sflag:s19] =	ssyncset.done $0x0  }
0x168: {  	[sflag:s19] =	ssyncadd.s32 $0xFFFFD800  }
0x169: {  	_ =	swait.ge [sflag:s19], $0x2800  }
0x16a: {  	[sflag:s19] =	ssyncset.done $0x0  }
0x16b: {  	[sflag:s19] =	ssyncadd.s32 $0xFFFFD800  }
0x16c: {  	_ =	swait.ge [sflag:s19], $0x2800  }
0x16d: {  	[sflag:s19] =	ssyncset.done $0x0  }
0x16e: {  	[sflag:s19] =	ssyncadd.s32 $0xFFFFD800  }
0x16f: {  	_ =	swait.ge [sflag:s19], $0x2800  }
0x170: {  	[sflag:s19] =	ssyncset.done $0x0  }
0x171: {  	[sflag:s19] =	ssyncadd.s32 $0xFFFFD800  }
0x172: {  	_ =	swait.ge [sflag:s19], $0x2800  }
0x173: {  	[sflag:s19] =	ssyncset.done $0x0  }
0x174: {  	[sflag:s19] =	ssyncadd.s32 $0xFFFFD800  }
0x175: {  	_ =	swait.ge [sflag:s19], $0x2800  }
0x176: {  	[sflag:s19] =	ssyncset.done $0x0  }
0x177: {  	[sflag:s19] =	ssyncadd.s32 $0xFFFFD800  }
0x178: {  	_ =	swait.ge [sflag:s19], $0x2800  }
0x179: {  	[sflag:s19] =	ssyncset.done $0x0  }
0x17a: {  	[sflag:s19] =	ssyncadd.s32 $0xFFFFD800  }
0x17b: {  	_ =	swait.ge [sflag:s19], $0x2800  }
0x17c: {  	[sflag:s19] =	ssyncset.done $0x0  }
.Ltmp7:
0x17d: {  	s26 =	simm.s32 $0x0;
	[sflag:s19] =	ssyncadd.s32 $0xFFFFD800;
	(pc) =	sbr.rel @p3 .LBB2_15-.Ltmp7, $4  }
0x17e: {  	[hbm4b:s6+s26] =	stream.linear.scatter [tilespmem:s13], [sflag:$0x4], $0x2800, $0x38;
	[tilespmem:$0x1F080] =	vst v63  }
0x17f: {  	_ =	swait.ge [sflag:s20], $0x2800  }
0x180: {  	[sflag:s20] =	ssyncset.done $0x0  }
0x181: {  	[sflag:s20] =	ssyncadd.s32 $0xFFFFD800  }
0x182: {  	s25 =	sshra.s32 s26, $0x2;
	s26 =	sadd.s32 $0x200, s26  }
.LBB2_13:
0x183: {  	p4 =	sne.s32 s26, $0x9E00;
	[tilespmem:s25+$0x4070] =	vst v0  }
0x184: {  	[tilespmem:s25+$0x4000] =	vst v0  }
0x185: {  	[tilespmem:s25+$0x4010] =	vst v0  }
.Ltmp8:
0x186: {  	[tilespmem:s25+$0x4020] =	vst v0;
	(pc) =	sbr.rel @p4 .LBB2_13-.Ltmp8, $4  }
0x187: {  	[tilespmem:s25+$0x4030] =	vst v0  }
0x188: {  	[tilespmem:s25+$0x4040] =	vst v0  }
0x189: {  	[tilespmem:s25+$0x4050] =	vst v0  }
0x18a: {  	[tilespmem:s25+$0x4060] =	vst v0;
	s25 =	sshra.s32 s26, $0x2;
	s26 =	sadd.s32 $0x200, s26  }
0x18b: {  	[tilespmem:s25+$0x4070] =	vst v0  }
0x18c: {  	[tilespmem:s25+$0x4000] =	vst v0  }
0x18d: {  	[tilespmem:s25+$0x4010] =	vst v0  }
0x18e: {  	[tilespmem:s25+$0x4020] =	vst v0  }
0x18f: {  	[tilespmem:s25+$0x4030] =	vst v0  }
0x190: {  	[tilespmem:s25+$0x4040] =	vst v0  }
0x191: {  	[tilespmem:s25+$0x4050] =	vst v0  }
0x192: {  	[tilespmem:s25+$0x4060] =	vst v0;
	s26 =	simm.s32 $0x180  }
0x193: {  	[tilespmem:s13], [sflag:$0x1] =	stream.indirect.gather.add.f32 [spmem:s2], $0x80, s26, s18, $0xb8;
	[tilespmem:$0x1F080] =	vst v63  }
0x194: {  	s26 =	simm.s32 $0x380  }
0x195: {  	[tilespmem:s13], [sflag:$0x1] =	stream.indirect.gather.add.f32 [spmem:s2], $0x80, s26, s18, $0xb8;
	[tilespmem:$0x1F080] =	vst v63  }
0x196: {  	s26 =	simm.s32 $0x580  }
0x197: {  	[tilespmem:s13], [sflag:$0x1] =	stream.indirect.gather.add.f32 [spmem:s2], $0x80, s26, s18, $0xb8;
	[tilespmem:$0x1F080] =	vst v63  }
0x198: {  	s26 =	simm.s32 $0x780  }
0x199: {  	[tilespmem:s13], [sflag:$0x1] =	stream.indirect.gather.add.f32 [spmem:s2], $0x80, s26, s18, $0xb8;
	[tilespmem:$0x1F080] =	vst v63  }
0x19a: {  	s26 =	simm.s32 $0x980  }
0x19b: {  	[tilespmem:s13], [sflag:$0x1] =	stream.indirect.gather.add.f32 [spmem:s2], $0x80, s26, s18, $0xb8;
	[tilespmem:$0x1F080] =	vst v63  }
0x19c: {  	s26 =	simm.s32 $0xB80  }
0x19d: {  	[tilespmem:s13], [sflag:$0x1] =	stream.indirect.gather.add.f32 [spmem:s2], $0x80, s26, s18, $0xb8;
	[tilespmem:$0x1F080] =	vst v63  }
0x19e: {  	s26 =	simm.s32 $0xD80  }
0x19f: {  	[tilespmem:s13], [sflag:$0x1] =	stream.indirect.gather.add.f32 [spmem:s2], $0x80, s26, s18, $0xb8;
	[tilespmem:$0x1F080] =	vst v63  }
0x1a0: {  	s26 =	simm.s32 $0xF80  }
0x1a1: {  	[tilespmem:s13], [sflag:$0x1] =	stream.indirect.gather.add.f32 [spmem:s2], $0x80, s26, s18, $0xb8;
	[tilespmem:$0x1F080] =	vst v63  }
0x1a2: {  	s26 =	simm.s32 $0x1180  }
0x1a3: {  	[tilespmem:s13], [sflag:$0x1] =	stream.indirect.gather.add.f32 [spmem:s2], $0x80, s26, s18, $0xb8;
	[tilespmem:$0x1F080] =	vst v63  }
0x1a4: {  	s26 =	simm.s32 $0x1380  }
0x1a5: {  	[tilespmem:s13], [sflag:$0x1] =	stream.indirect.gather.add.f32 [spmem:s2], $0x80, s26, s18, $0xb8;
	[tilespmem:$0x1F080] =	vst v63  }
0x1a6: {  	s26 =	simm.s32 $0x1580  }
0x1a7: {  	[tilespmem:s13], [sflag:$0x1] =	stream.indirect.gather.add.f32 [spmem:s2], $0x80, s26, s18, $0xb8;
	[tilespmem:$0x1F080] =	vst v63  }
0x1a8: {  	s26 =	simm.s32 $0x1780  }
0x1a9: {  	[tilespmem:s13], [sflag:$0x1] =	stream.indirect.gather.add.f32 [spmem:s2], $0x80, s26, s18, $0xb8;
	[tilespmem:$0x1F080] =	vst v63  }
0x1aa: {  	s26 =	simm.s32 $0x1980  }
0x1ab: {  	[tilespmem:s13], [sflag:$0x1] =	stream.indirect.gather.add.f32 [spmem:s2], $0x80, s26, s18, $0xb8;
	[tilespmem:$0x1F080] =	vst v63  }
0x1ac: {  	s26 =	simm.s32 $0x1B80  }
0x1ad: {  	[tilespmem:s13], [sflag:$0x1] =	stream.indirect.gather.add.f32 [spmem:s2], $0x80, s26, s18, $0xb8;
	[tilespmem:$0x1F080] =	vst v63  }
0x1ae: {  	s26 =	simm.s32 $0x1D80  }
0x1af: {  	[tilespmem:s13], [sflag:$0x1] =	stream.indirect.gather.add.f32 [spmem:s2], $0x80, s26, s18, $0xb8;
	[tilespmem:$0x1F080] =	vst v63  }
0x1b0: {  	s26 =	simm.s32 $0x1F80  }
0x1b1: {  	[tilespmem:s13], [sflag:$0x1] =	stream.indirect.gather.add.f32 [spmem:s2], $0x80, s26, s18, $0xb8;
	[tilespmem:$0x1F080] =	vst v63  }
0x1b2: {  	s26 =	simm.s32 $0x2180  }
0x1b3: {  	[tilespmem:s13], [sflag:$0x1] =	stream.indirect.gather.add.f32 [spmem:s2], $0x80, s26, s18, $0xb8;
	[tilespmem:$0x1F080] =	vst v63  }
0x1b4: {  	s26 =	simm.s32 $0x2380  }
0x1b5: {  	[tilespmem:s13], [sflag:$0x1] =	stream.indirect.gather.add.f32 [spmem:s2], $0x80, s26, s18, $0xb8;
	[tilespmem:$0x1F080] =	vst v63  }
0x1b6: {  	s26 =	simm.s32 $0x2580  }
0x1b7: {  	[tilespmem:s13], [sflag:$0x1] =	stream.indirect.gather.add.f32 [spmem:s2], $0x80, s26, s18, $0xb8;
	[tilespmem:$0x1F080] =	vst v63  }
0x1b8: {  	s26 =	simm.s32 $0x2780  }
0x1b9: {  	[tilespmem:s13], [sflag:$0x1] =	stream.indirect.gather.add.f32 [spmem:s2], $0x80, s26, s18, $0xb8;
	[tilespmem:$0x1F080] =	vst v63  }
0x1ba: {  	s26 =	simm.s32 $0x2980  }
0x1bb: {  	[tilespmem:s13], [sflag:$0x1] =	stream.indirect.gather.add.f32 [spmem:s2], $0x80, s26, s18, $0xb8;
	[tilespmem:$0x1F080] =	vst v63  }
0x1bc: {  	s26 =	simm.s32 $0x2B80  }
0x1bd: {  	[tilespmem:s13], [sflag:$0x1] =	stream.indirect.gather.add.f32 [spmem:s2], $0x80, s26, s18, $0xb8;
	[tilespmem:$0x1F080] =	vst v63  }
0x1be: {  	s26 =	simm.s32 $0x2D80  }
0x1bf: {  	[tilespmem:s13], [sflag:$0x1] =	stream.indirect.gather.add.f32 [spmem:s2], $0x80, s26, s18, $0xb8;
	[tilespmem:$0x1F080] =	vst v63  }
0x1c0: {  	s26 =	simm.s32 $0x2F80  }
0x1c1: {  	[tilespmem:s13], [sflag:$0x1] =	stream.indirect.gather.add.f32 [spmem:s2], $0x80, s26, s18, $0xb8;
	[tilespmem:$0x1F080] =	vst v63  }
0x1c2: {  	s26 =	simm.s32 $0x3180  }
0x1c3: {  	[tilespmem:s13], [sflag:$0x1] =	stream.indirect.gather.add.f32 [spmem:s2], $0x80, s26, s18, $0xb8;
	[tilespmem:$0x1F080] =	vst v63  }
0x1c4: {  	s26 =	simm.s32 $0x3380  }
0x1c5: {  	[tilespmem:s13], [sflag:$0x1] =	stream.indirect.gather.add.f32 [spmem:s2], $0x80, s26, s18, $0xb8;
	[tilespmem:$0x1F080] =	vst v63  }
0x1c6: {  	s26 =	simm.s32 $0x3580  }
0x1c7: {  	[tilespmem:s13], [sflag:$0x1] =	stream.indirect.gather.add.f32 [spmem:s2], $0x80, s26, s18, $0xb8;
	[tilespmem:$0x1F080] =	vst v63  }
0x1c8: {  	s26 =	simm.s32 $0x3780  }
0x1c9: {  	[tilespmem:s13], [sflag:$0x1] =	stream.indirect.gather.add.f32 [spmem:s2], $0x80, s26, s18, $0xb8;
	[tilespmem:$0x1F080] =	vst v63  }
0x1ca: {  	s26 =	simm.s32 $0x3980  }
0x1cb: {  	[tilespmem:s13], [sflag:$0x1] =	stream.indirect.gather.add.f32 [spmem:s2], $0x80, s26, s18, $0xb8;
	[tilespmem:$0x1F080] =	vst v63  }
0x1cc: {  	s26 =	simm.s32 $0x3B80  }
0x1cd: {  	[tilespmem:s13], [sflag:$0x1] =	stream.indirect.gather.add.f32 [spmem:s2], $0x80, s26, s18, $0xb8;
	[tilespmem:$0x1F080] =	vst v63  }
0x1ce: {  	s26 =	simm.s32 $0x3D80  }
0x1cf: {  	[tilespmem:s13], [sflag:$0x1] =	stream.indirect.gather.add.f32 [spmem:s2], $0x80, s26, s18, $0xb8;
	[tilespmem:$0x1F080] =	vst v63  }
0x1d0: {  	s26 =	simm.s32 $0x3F80  }
0x1d1: {  	[tilespmem:s13], [sflag:$0x1] =	stream.indirect.gather.add.f32 [spmem:s2], $0x80, s26, s18, $0xb8;
	[tilespmem:$0x1F080] =	vst v63  }
.LBB2_15:
.Ltmp9:
0x1d2: {  	(pc) =	sbr.rel @p1 .LBB2_17-.Ltmp9, $1  }
0x1d3: {  	_ =	sdelay $0x3  }
0x1d4: {  	_ =	swait.ge [sflag:s22], $0x2800  }
0x1d5: {  	[sflag:s22] =	ssyncset.done $0x0  }
0x1d6: {  	[sflag:s22] =	ssyncadd.s32 $0xFFFFD800  }
0x1d7: {  	_ =	swait.ge [sflag:s22], $0x2800  }
0x1d8: {  	[sflag:s22] =	ssyncset.done $0x0  }
0x1d9: {  	[sflag:s22] =	ssyncadd.s32 $0xFFFFD800  }
0x1da: {  	_ =	swait.ge [sflag:s22], $0x2800  }
0x1db: {  	[sflag:s22] =	ssyncset.done $0x0  }
0x1dc: {  	[sflag:s22] =	ssyncadd.s32 $0xFFFFD800  }
0x1dd: {  	_ =	swait.ge [sflag:s22], $0x2800  }
0x1de: {  	[sflag:s22] =	ssyncset.done $0x0  }
0x1df: {  	[sflag:s22] =	ssyncadd.s32 $0xFFFFD800  }
0x1e0: {  	_ =	swait.ge [sflag:s22], $0x2800  }
0x1e1: {  	[sflag:s22] =	ssyncset.done $0x0  }
0x1e2: {  	[sflag:s22] =	ssyncadd.s32 $0xFFFFD800  }
0x1e3: {  	_ =	swait.ge [sflag:s22], $0x2800  }
0x1e4: {  	[sflag:s22] =	ssyncset.done $0x0  }
0x1e5: {  	[sflag:s22] =	ssyncadd.s32 $0xFFFFD800  }
0x1e6: {  	_ =	swait.ge [sflag:s22], $0x2800  }
0x1e7: {  	[sflag:s22] =	ssyncset.done $0x0  }
0x1e8: {  	[sflag:s22] =	ssyncadd.s32 $0xFFFFD800  }
0x1e9: {  	_ =	swait.ge [sflag:s22], $0x2800  }
0x1ea: {  	[sflag:s22] =	ssyncset.done $0x0  }
0x1eb: {  	[sflag:s22] =	ssyncadd.s32 $0xFFFFD800  }
0x1ec: {  	_ =	swait.ge [sflag:s22], $0x2800  }
0x1ed: {  	[sflag:s22] =	ssyncset.done $0x0  }
0x1ee: {  	[sflag:s22] =	ssyncadd.s32 $0xFFFFD800  }
0x1ef: {  	_ =	swait.ge [sflag:s22], $0x2800  }
0x1f0: {  	[sflag:s22] =	ssyncset.done $0x0  }
0x1f1: {  	[sflag:s22] =	ssyncadd.s32 $0xFFFFD800  }
0x1f2: {  	_ =	swait.ge [sflag:s22], $0x2800  }
0x1f3: {  	[sflag:s22] =	ssyncset.done $0x0  }
0x1f4: {  	[sflag:s22] =	ssyncadd.s32 $0xFFFFD800  }
0x1f5: {  	_ =	swait.ge [sflag:s22], $0x2800  }
0x1f6: {  	[sflag:s22] =	ssyncset.done $0x0  }
0x1f7: {  	[sflag:s22] =	ssyncadd.s32 $0xFFFFD800  }
0x1f8: {  	_ =	swait.ge [sflag:s22], $0x2800  }
0x1f9: {  	[sflag:s22] =	ssyncset.done $0x0  }
0x1fa: {  	[sflag:s22] =	ssyncadd.s32 $0xFFFFD800  }
0x1fb: {  	_ =	swait.ge [sflag:s22], $0x2800  }
0x1fc: {  	[sflag:s22] =	ssyncset.done $0x0  }
0x1fd: {  	[sflag:s22] =	ssyncadd.s32 $0xFFFFD800  }
0x1fe: {  	_ =	swait.ge [sflag:s22], $0x2800  }
0x1ff: {  	[sflag:s22] =	ssyncset.done $0x0  }
0x200: {  	[sflag:s22] =	ssyncadd.s32 $0xFFFFD800  }
0x201: {  	_ =	swait.ge [sflag:s22], $0x2800  }
0x202: {  	[sflag:s22] =	ssyncset.done $0x0  }
0x203: {  	[sflag:s22] =	ssyncadd.s32 $0xFFFFD800  }
0x204: {  	_ =	swait.ge [sflag:s22], $0x2800  }
0x205: {  	[sflag:s22] =	ssyncset.done $0x0  }
0x206: {  	[sflag:s22] =	ssyncadd.s32 $0xFFFFD800  }
0x207: {  	_ =	swait.ge [sflag:s22], $0x2800  }
0x208: {  	[sflag:s22] =	ssyncset.done $0x0  }
0x209: {  	[sflag:s22] =	ssyncadd.s32 $0xFFFFD800  }
0x20a: {  	_ =	swait.ge [sflag:s22], $0x2800  }
0x20b: {  	[sflag:s22] =	ssyncset.done $0x0  }
0x20c: {  	[sflag:s22] =	ssyncadd.s32 $0xFFFFD800  }
0x20d: {  	_ =	swait.ge [sflag:s22], $0x2800  }
0x20e: {  	[sflag:s22] =	ssyncset.done $0x0  }
0x20f: {  	[sflag:s22] =	ssyncadd.s32 $0xFFFFD800  }
0x210: {  	_ =	swait.ge [sflag:s22], $0x2800  }
0x211: {  	[sflag:s22] =	ssyncset.done $0x0  }
0x212: {  	[sflag:s22] =	ssyncadd.s32 $0xFFFFD800  }
0x213: {  	_ =	swait.ge [sflag:s22], $0x2800  }
0x214: {  	[sflag:s22] =	ssyncset.done $0x0  }
0x215: {  	[sflag:s22] =	ssyncadd.s32 $0xFFFFD800  }
0x216: {  	_ =	swait.ge [sflag:s22], $0x2800  }
0x217: {  	[sflag:s22] =	ssyncset.done $0x0  }
0x218: {  	[sflag:s22] =	ssyncadd.s32 $0xFFFFD800  }
0x219: {  	_ =	swait.ge [sflag:s22], $0x2800  }
0x21a: {  	[sflag:s22] =	ssyncset.done $0x0  }
0x21b: {  	[sflag:s22] =	ssyncadd.s32 $0xFFFFD800  }
0x21c: {  	_ =	swait.ge [sflag:s22], $0x2800  }
0x21d: {  	[sflag:s22] =	ssyncset.done $0x0  }
0x21e: {  	[sflag:s22] =	ssyncadd.s32 $0xFFFFD800  }
0x21f: {  	_ =	swait.ge [sflag:s22], $0x2800  }
0x220: {  	[sflag:s22] =	ssyncset.done $0x0  }
0x221: {  	[sflag:s22] =	ssyncadd.s32 $0xFFFFD800  }
0x222: {  	_ =	swait.ge [sflag:s22], $0x2800  }
0x223: {  	[sflag:s22] =	ssyncset.done $0x0  }
0x224: {  	[sflag:s22] =	ssyncadd.s32 $0xFFFFD800  }
0x225: {  	_ =	swait.ge [sflag:s22], $0x2800  }
0x226: {  	[sflag:s22] =	ssyncset.done $0x0  }
0x227: {  	[sflag:s22] =	ssyncadd.s32 $0xFFFFD800  }
0x228: {  	_ =	swait.ge [sflag:s22], $0x2800  }
0x229: {  	[sflag:s22] =	ssyncset.done $0x0  }
0x22a: {  	[sflag:s22] =	ssyncadd.s32 $0xFFFFD800  }
0x22b: {  	_ =	swait.ge [sflag:s22], $0x2800  }
0x22c: {  	[sflag:s22] =	ssyncset.done $0x0  }
0x22d: {  	[sflag:s22] =	ssyncadd.s32 $0xFFFFD800  }
0x22e: {  	_ =	swait.ge [sflag:s22], $0x2800  }
0x22f: {  	[sflag:s22] =	ssyncset.done $0x0  }
0x230: {  	[sflag:s22] =	ssyncadd.s32 $0xFFFFD800  }
0x231: {  	_ =	swait.ge [sflag:s22], $0x2800  }
0x232: {  	[sflag:s22] =	ssyncset.done $0x0  }
0x233: {  	s25 =	rddreg [dreg:$0x4];
	[sflag:s22] =	ssyncadd.s32 $0xFFFFD800  }
0x234: {  	[hbm4b:s25+s3] =	stream.linear.scatter [tilespmem:s23], [sflag:$0x4], $0x2800, $0x38;
	[tilespmem:$0x1F080] =	vst v63  }
0x235: {  	_ =	swait.ge [sflag:s20], $0x2800  }
0x236: {  	[sflag:s20] =	ssyncset.done $0x0  }
0x237: {  	[sflag:s20] =	ssyncadd.s32 $0xFFFFD800  }
.LBB2_17:
.Ltmp10:
0x238: {  	(pc) =	sbr.rel @p2 .LBB2_19-.Ltmp10, $1  }
0x239: {  	_ =	sdelay $0x3  }
0x23a: {  	_ =	swait.ge [sflag:s21], $0x2800  }
0x23b: {  	[sflag:s21] =	ssyncset.done $0x0  }
0x23c: {  	[sflag:s21] =	ssyncadd.s32 $0xFFFFD800  }
0x23d: {  	_ =	swait.ge [sflag:s21], $0x2800  }
0x23e: {  	[sflag:s21] =	ssyncset.done $0x0  }
0x23f: {  	[sflag:s21] =	ssyncadd.s32 $0xFFFFD800  }
0x240: {  	_ =	swait.ge [sflag:s21], $0x2800  }
0x241: {  	[sflag:s21] =	ssyncset.done $0x0  }
0x242: {  	[sflag:s21] =	ssyncadd.s32 $0xFFFFD800  }
0x243: {  	_ =	swait.ge [sflag:s21], $0x2800  }
0x244: {  	[sflag:s21] =	ssyncset.done $0x0  }
0x245: {  	[sflag:s21] =	ssyncadd.s32 $0xFFFFD800  }
0x246: {  	_ =	swait.ge [sflag:s21], $0x2800  }
0x247: {  	[sflag:s21] =	ssyncset.done $0x0  }
0x248: {  	[sflag:s21] =	ssyncadd.s32 $0xFFFFD800  }
0x249: {  	_ =	swait.ge [sflag:s21], $0x2800  }
0x24a: {  	[sflag:s21] =	ssyncset.done $0x0  }
0x24b: {  	[sflag:s21] =	ssyncadd.s32 $0xFFFFD800  }
0x24c: {  	_ =	swait.ge [sflag:s21], $0x2800  }
0x24d: {  	[sflag:s21] =	ssyncset.done $0x0  }
0x24e: {  	[sflag:s21] =	ssyncadd.s32 $0xFFFFD800  }
0x24f: {  	_ =	swait.ge [sflag:s21], $0x2800  }
0x250: {  	[sflag:s21] =	ssyncset.done $0x0  }
0x251: {  	[sflag:s21] =	ssyncadd.s32 $0xFFFFD800  }
0x252: {  	_ =	swait.ge [sflag:s21], $0x2800  }
0x253: {  	[sflag:s21] =	ssyncset.done $0x0  }
0x254: {  	[sflag:s21] =	ssyncadd.s32 $0xFFFFD800  }
0x255: {  	_ =	swait.ge [sflag:s21], $0x2800  }
0x256: {  	[sflag:s21] =	ssyncset.done $0x0  }
0x257: {  	[sflag:s21] =	ssyncadd.s32 $0xFFFFD800  }
0x258: {  	_ =	swait.ge [sflag:s21], $0x2800  }
0x259: {  	[sflag:s21] =	ssyncset.done $0x0  }
0x25a: {  	[sflag:s21] =	ssyncadd.s32 $0xFFFFD800  }
0x25b: {  	_ =	swait.ge [sflag:s21], $0x2800  }
0x25c: {  	[sflag:s21] =	ssyncset.done $0x0  }
0x25d: {  	[sflag:s21] =	ssyncadd.s32 $0xFFFFD800  }
0x25e: {  	_ =	swait.ge [sflag:s21], $0x2800  }
0x25f: {  	[sflag:s21] =	ssyncset.done $0x0  }
0x260: {  	[sflag:s21] =	ssyncadd.s32 $0xFFFFD800  }
0x261: {  	_ =	swait.ge [sflag:s21], $0x2800  }
0x262: {  	[sflag:s21] =	ssyncset.done $0x0  }
0x263: {  	[sflag:s21] =	ssyncadd.s32 $0xFFFFD800  }
0x264: {  	_ =	swait.ge [sflag:s21], $0x2800  }
0x265: {  	[sflag:s21] =	ssyncset.done $0x0  }
0x266: {  	[sflag:s21] =	ssyncadd.s32 $0xFFFFD800  }
0x267: {  	_ =	swait.ge [sflag:s21], $0x2800  }
0x268: {  	[sflag:s21] =	ssyncset.done $0x0  }
0x269: {  	[sflag:s21] =	ssyncadd.s32 $0xFFFFD800  }
0x26a: {  	_ =	swait.ge [sflag:s21], $0x2800  }
0x26b: {  	[sflag:s21] =	ssyncset.done $0x0  }
0x26c: {  	[sflag:s21] =	ssyncadd.s32 $0xFFFFD800  }
0x26d: {  	_ =	swait.ge [sflag:s21], $0x2800  }
0x26e: {  	[sflag:s21] =	ssyncset.done $0x0  }
0x26f: {  	[sflag:s21] =	ssyncadd.s32 $0xFFFFD800  }
0x270: {  	_ =	swait.ge [sflag:s21], $0x2800  }
0x271: {  	[sflag:s21] =	ssyncset.done $0x0  }
0x272: {  	[sflag:s21] =	ssyncadd.s32 $0xFFFFD800  }
0x273: {  	_ =	swait.ge [sflag:s21], $0x2800  }
0x274: {  	[sflag:s21] =	ssyncset.done $0x0  }
0x275: {  	[sflag:s21] =	ssyncadd.s32 $0xFFFFD800  }
0x276: {  	_ =	swait.ge [sflag:s21], $0x2800  }
0x277: {  	[sflag:s21] =	ssyncset.done $0x0  }
0x278: {  	[sflag:s21] =	ssyncadd.s32 $0xFFFFD800  }
0x279: {  	_ =	swait.ge [sflag:s21], $0x2800  }
0x27a: {  	[sflag:s21] =	ssyncset.done $0x0  }
0x27b: {  	[sflag:s21] =	ssyncadd.s32 $0xFFFFD800  }
0x27c: {  	_ =	swait.ge [sflag:s21], $0x2800  }
0x27d: {  	[sflag:s21] =	ssyncset.done $0x0  }
0x27e: {  	[sflag:s21] =	ssyncadd.s32 $0xFFFFD800  }
0x27f: {  	_ =	swait.ge [sflag:s21], $0x2800  }
0x280: {  	[sflag:s21] =	ssyncset.done $0x0  }
0x281: {  	[sflag:s21] =	ssyncadd.s32 $0xFFFFD800  }
0x282: {  	_ =	swait.ge [sflag:s21], $0x2800  }
0x283: {  	[sflag:s21] =	ssyncset.done $0x0  }
0x284: {  	[sflag:s21] =	ssyncadd.s32 $0xFFFFD800  }
0x285: {  	_ =	swait.ge [sflag:s21], $0x2800  }
0x286: {  	[sflag:s21] =	ssyncset.done $0x0  }
0x287: {  	[sflag:s21] =	ssyncadd.s32 $0xFFFFD800  }
0x288: {  	_ =	swait.ge [sflag:s21], $0x2800  }
0x289: {  	[sflag:s21] =	ssyncset.done $0x0  }
0x28a: {  	[sflag:s21] =	ssyncadd.s32 $0xFFFFD800  }
0x28b: {  	_ =	swait.ge [sflag:s21], $0x2800  }
0x28c: {  	[sflag:s21] =	ssyncset.done $0x0  }
0x28d: {  	[sflag:s21] =	ssyncadd.s32 $0xFFFFD800  }
0x28e: {  	_ =	swait.ge [sflag:s21], $0x2800  }
0x28f: {  	[sflag:s21] =	ssyncset.done $0x0  }
0x290: {  	[sflag:s21] =	ssyncadd.s32 $0xFFFFD800  }
0x291: {  	_ =	swait.ge [sflag:s21], $0x2800  }
0x292: {  	[sflag:s21] =	ssyncset.done $0x0  }
0x293: {  	[sflag:s21] =	ssyncadd.s32 $0xFFFFD800  }
0x294: {  	_ =	swait.ge [sflag:s21], $0x2800  }
0x295: {  	[sflag:s21] =	ssyncset.done $0x0  }
0x296: {  	[sflag:s21] =	ssyncadd.s32 $0xFFFFD800  }
0x297: {  	_ =	swait.ge [sflag:s21], $0x2800  }
0x298: {  	[sflag:s21] =	ssyncset.done $0x0  }
0x299: {  	s25 =	rddreg [dreg:$0x5];
	[sflag:s21] =	ssyncadd.s32 $0xFFFFD800  }
0x29a: {  	[hbm4b:s25+s3] =	stream.linear.scatter [tilespmem:s1], [sflag:$0x4], $0x2800, $0x38;
	[tilespmem:$0x1F080] =	vst v63  }
0x29b: {  	_ =	swait.ge [sflag:s20], $0x2800  }
0x29c: {  	[sflag:s20] =	ssyncset.done $0x0  }
0x29d: {  	[sflag:s20] =	ssyncadd.s32 $0xFFFFD800  }
.LBB2_19:
.Ltmp11:
0x29e: {  	(pc) =	sbr.rel @p3 .LBB2_21-.Ltmp11, $1  }
0x29f: {  	_ =	sdelay $0x3  }
0x2a0: {  	_ =	swait.ge [sflag:s19], $0x2800  }
0x2a1: {  	[sflag:s19] =	ssyncset.done $0x0  }
0x2a2: {  	[sflag:s19] =	ssyncadd.s32 $0xFFFFD800  }
0x2a3: {  	_ =	swait.ge [sflag:s19], $0x2800  }
0x2a4: {  	[sflag:s19] =	ssyncset.done $0x0  }
0x2a5: {  	[sflag:s19] =	ssyncadd.s32 $0xFFFFD800  }
0x2a6: {  	_ =	swait.ge [sflag:s19], $0x2800  }
0x2a7: {  	[sflag:s19] =	ssyncset.done $0x0  }
0x2a8: {  	[sflag:s19] =	ssyncadd.s32 $0xFFFFD800  }
0x2a9: {  	_ =	swait.ge [sflag:s19], $0x2800  }
0x2aa: {  	[sflag:s19] =	ssyncset.done $0x0  }
0x2ab: {  	[sflag:s19] =	ssyncadd.s32 $0xFFFFD800  }
0x2ac: {  	_ =	swait.ge [sflag:s19], $0x2800  }
0x2ad: {  	[sflag:s19] =	ssyncset.done $0x0  }
0x2ae: {  	[sflag:s19] =	ssyncadd.s32 $0xFFFFD800  }
0x2af: {  	_ =	swait.ge [sflag:s19], $0x2800  }
0x2b0: {  	[sflag:s19] =	ssyncset.done $0x0  }
0x2b1: {  	[sflag:s19] =	ssyncadd.s32 $0xFFFFD800  }
0x2b2: {  	_ =	swait.ge [sflag:s19], $0x2800  }
0x2b3: {  	[sflag:s19] =	ssyncset.done $0x0  }
0x2b4: {  	[sflag:s19] =	ssyncadd.s32 $0xFFFFD800  }
0x2b5: {  	_ =	swait.ge [sflag:s19], $0x2800  }
0x2b6: {  	[sflag:s19] =	ssyncset.done $0x0  }
0x2b7: {  	[sflag:s19] =	ssyncadd.s32 $0xFFFFD800  }
0x2b8: {  	_ =	swait.ge [sflag:s19], $0x2800  }
0x2b9: {  	[sflag:s19] =	ssyncset.done $0x0  }
0x2ba: {  	[sflag:s19] =	ssyncadd.s32 $0xFFFFD800  }
0x2bb: {  	_ =	swait.ge [sflag:s19], $0x2800  }
0x2bc: {  	[sflag:s19] =	ssyncset.done $0x0  }
0x2bd: {  	[sflag:s19] =	ssyncadd.s32 $0xFFFFD800  }
0x2be: {  	_ =	swait.ge [sflag:s19], $0x2800  }
0x2bf: {  	[sflag:s19] =	ssyncset.done $0x0  }
0x2c0: {  	[sflag:s19] =	ssyncadd.s32 $0xFFFFD800  }
0x2c1: {  	_ =	swait.ge [sflag:s19], $0x2800  }
0x2c2: {  	[sflag:s19] =	ssyncset.done $0x0  }
0x2c3: {  	[sflag:s19] =	ssyncadd.s32 $0xFFFFD800  }
0x2c4: {  	_ =	swait.ge [sflag:s19], $0x2800  }
0x2c5: {  	[sflag:s19] =	ssyncset.done $0x0  }
0x2c6: {  	[sflag:s19] =	ssyncadd.s32 $0xFFFFD800  }
0x2c7: {  	_ =	swait.ge [sflag:s19], $0x2800  }
0x2c8: {  	[sflag:s19] =	ssyncset.done $0x0  }
0x2c9: {  	[sflag:s19] =	ssyncadd.s32 $0xFFFFD800  }
0x2ca: {  	_ =	swait.ge [sflag:s19], $0x2800  }
0x2cb: {  	[sflag:s19] =	ssyncset.done $0x0  }
0x2cc: {  	[sflag:s19] =	ssyncadd.s32 $0xFFFFD800  }
0x2cd: {  	_ =	swait.ge [sflag:s19], $0x2800  }
0x2ce: {  	[sflag:s19] =	ssyncset.done $0x0  }
0x2cf: {  	[sflag:s19] =	ssyncadd.s32 $0xFFFFD800  }
0x2d0: {  	_ =	swait.ge [sflag:s19], $0x2800  }
0x2d1: {  	[sflag:s19] =	ssyncset.done $0x0  }
0x2d2: {  	[sflag:s19] =	ssyncadd.s32 $0xFFFFD800  }
0x2d3: {  	_ =	swait.ge [sflag:s19], $0x2800  }
0x2d4: {  	[sflag:s19] =	ssyncset.done $0x0  }
0x2d5: {  	[sflag:s19] =	ssyncadd.s32 $0xFFFFD800  }
0x2d6: {  	_ =	swait.ge [sflag:s19], $0x2800  }
0x2d7: {  	[sflag:s19] =	ssyncset.done $0x0  }
0x2d8: {  	[sflag:s19] =	ssyncadd.s32 $0xFFFFD800  }
0x2d9: {  	_ =	swait.ge [sflag:s19], $0x2800  }
0x2da: {  	[sflag:s19] =	ssyncset.done $0x0  }
0x2db: {  	[sflag:s19] =	ssyncadd.s32 $0xFFFFD800  }
0x2dc: {  	_ =	swait.ge [sflag:s19], $0x2800  }
0x2dd: {  	[sflag:s19] =	ssyncset.done $0x0  }
0x2de: {  	[sflag:s19] =	ssyncadd.s32 $0xFFFFD800  }
0x2df: {  	_ =	swait.ge [sflag:s19], $0x2800  }
0x2e0: {  	[sflag:s19] =	ssyncset.done $0x0  }
0x2e1: {  	[sflag:s19] =	ssyncadd.s32 $0xFFFFD800  }
0x2e2: {  	_ =	swait.ge [sflag:s19], $0x2800  }
0x2e3: {  	[sflag:s19] =	ssyncset.done $0x0  }
0x2e4: {  	[sflag:s19] =	ssyncadd.s32 $0xFFFFD800  }
0x2e5: {  	_ =	swait.ge [sflag:s19], $0x2800  }
0x2e6: {  	[sflag:s19] =	ssyncset.done $0x0  }
0x2e7: {  	[sflag:s19] =	ssyncadd.s32 $0xFFFFD800  }
0x2e8: {  	_ =	swait.ge [sflag:s19], $0x2800  }
0x2e9: {  	[sflag:s19] =	ssyncset.done $0x0  }
0x2ea: {  	[sflag:s19] =	ssyncadd.s32 $0xFFFFD800  }
0x2eb: {  	_ =	swait.ge [sflag:s19], $0x2800  }
0x2ec: {  	[sflag:s19] =	ssyncset.done $0x0  }
0x2ed: {  	[sflag:s19] =	ssyncadd.s32 $0xFFFFD800  }
0x2ee: {  	_ =	swait.ge [sflag:s19], $0x2800  }
0x2ef: {  	[sflag:s19] =	ssyncset.done $0x0  }
0x2f0: {  	[sflag:s19] =	ssyncadd.s32 $0xFFFFD800  }
0x2f1: {  	_ =	swait.ge [sflag:s19], $0x2800  }
0x2f2: {  	[sflag:s19] =	ssyncset.done $0x0  }
0x2f3: {  	[sflag:s19] =	ssyncadd.s32 $0xFFFFD800  }
0x2f4: {  	_ =	swait.ge [sflag:s19], $0x2800  }
0x2f5: {  	[sflag:s19] =	ssyncset.done $0x0  }
0x2f6: {  	[sflag:s19] =	ssyncadd.s32 $0xFFFFD800  }
0x2f7: {  	_ =	swait.ge [sflag:s19], $0x2800  }
0x2f8: {  	[sflag:s19] =	ssyncset.done $0x0  }
0x2f9: {  	[sflag:s19] =	ssyncadd.s32 $0xFFFFD800  }
0x2fa: {  	_ =	swait.ge [sflag:s19], $0x2800  }
0x2fb: {  	[sflag:s19] =	ssyncset.done $0x0  }
0x2fc: {  	[sflag:s19] =	ssyncadd.s32 $0xFFFFD800  }
0x2fd: {  	_ =	swait.ge [sflag:s19], $0x2800  }
0x2fe: {  	[sflag:s19] =	ssyncset.done $0x0  }
.Ltmp12:
0x2ff: {  	s25 =	rddreg [dreg:$0x6];
	[sflag:s19] =	ssyncadd.s32 $0xFFFFD800;
	(pc) =	sbr.rel .LBB2_21-.Ltmp12, $4  }
0x300: {  	[hbm4b:s25+s3] =	stream.linear.scatter [tilespmem:s13], [sflag:$0x4], $0x2800, $0x38;
	[tilespmem:$0x1F080] =	vst v63  }
0x301: {  	_ =	swait.ge [sflag:s20], $0x2800  }
0x302: {  	[sflag:s20] =	ssyncset.done $0x0  }
0x303: {  	[sflag:s20] =	ssyncadd.s32 $0xFFFFD800  }
.LBB2_22:
0x304: {  	_ =	sfence.sel $0x180000  }
0x305: {  	[bflag:$0x0] =	sbarrier.arrive $0xFFFF  }
0x306: {  	_ =	strace $0x90000047  }
0x307: {  	s0 =	stileid.u32;
	[bflag:$0x2] =	sbarrier.arrive $0xFFFF  }
0x308: {  	p0 =	sne.s32 s0, $0x0;
	s0 =	rddreg [dreg:$0x3]  }
0x309: {  	s0 =	sadd.s32 @!p0 $0x100000, s0  }
0x30a: {  	[sflag:s0] =	ssyncadd.tile.s32 @!p0 $0x1;
	_ =	shalt  }
.Lfunc_end2:
_tile_overlayer_lowered:
.L_overlay_start_2:
0x30b: {  	(tag) =	ssettag $0x2  }
0x30c: {  	s0 =	rddreg [dreg:$0x0];
	s2 =	stileid.u32  }
0x30d: {  	s1 =	rddreg [dreg:$0x1];
	p0 =	sne.s32 s2, $0x0  }
0x30e: {  	s3 =	rddreg [dreg:$0x2];
	[bflag:$0x3] =	sbarrier.arrive $0xFFFF;
	s2 =	simm.s32 @!p0 $0x1C05  }
0x30f: {  	[timem:s3], [sflag:s2] =	dma.local @!p0 [hbm:s0], s1  }
0x310: {  	s0 =	simm.s32 @!p0 $0x5  }
0x311: {  	_ =	swait.ge @!p0 [sflag:s0], s1  }
0x312: {  	s1 =	ssub.s32 @!p0 $0x0, s1;
	[sflag:s0] =	ssyncset.done @!p0 $0x0  }
0x313: {  	[sflag:s0] =	ssyncadd.s32 @!p0 s1  }
0x314: {  	[bflag:$0x3] =	sbarrier.arrive $0xFFFF  }
0x315: {  	_ =	shalt  }

</sc_bundles>
